<compile_context>
chip_gen: v7x
topology: tpu7x:2x2x1
jax: 0.10.2.dev20260603
libtpu: 0.0.44.dev20260713+nightly
codegen_flags: <defaults>
</compile_context>

<pallas_src>
import jax
import jax.numpy as jnp
import numpy as np
from jax import lax
from jax.experimental import pallas as pl
from jax.experimental.pallas import tpu as pltpu
from jax.experimental.pallas import tpu_sc as plsc

GRID_SCALE = 0.0001

TRI_TABLE = np.array([
    [-1, -1, -1, -1, -1, -1],
    [1, 0, 2, -1, -1, -1],
    [4, 0, 3, -1, -1, -1],
    [1, 4, 2, 1, 3, 4],
    [3, 1, 5, -1, -1, -1],
    [2, 3, 0, 2, 5, 3],
    [1, 4, 0, 1, 5, 4],
    [4, 2, 5, -1, -1, -1],
    [4, 5, 2, -1, -1, -1],
    [4, 1, 0, 4, 5, 1],
    [3, 2, 0, 3, 5, 2],
    [1, 3, 5, -1, -1, -1],
    [4, 1, 2, 4, 3, 1],
    [3, 0, 4, -1, -1, -1],
    [2, 0, 1, -1, -1, -1],
    [-1, -1, -1, -1, -1, -1]], dtype=np.int32)

EDGE_A = (0, 0, 0, 1, 1, 2)
EDGE_B = (1, 2, 3, 2, 3, 3)

NC = 2
NS = 16
L = 16
NW = NC * NS

F = 300000
N = 100000

C = 1184
G = C // L
CH = 8
NGRP = F // L
BASE_G = NGRP // NW
REM_G = NGRP % NW


def _pack_body(tx, ty, tz, dx, dy, dz, ox, oy, oz):
    h = GRID_SCALE / 2.0
    ox[...] = tx[...] + jnp.tanh(dx[...]) * h
    oy[...] = ty[...] + jnp.tanh(dy[...]) * h
    oz[...] = tz[...] + jnp.tanh(dz[...]) * h


def _deform_verts(tet_v, deform):
    bn = 2048
    shp = jax.ShapeDtypeStruct((N,), jnp.float32)
    spec = pl.BlockSpec((bn,), lambda i: (i,))
    return pl.pallas_call(
        _pack_body,
        grid=((N + bn - 1) // bn,),
        in_specs=[spec] * 6,
        out_specs=[spec, spec, spec],
        out_shape=[shp, shp, shp],
    )(tet_v[:, 0], tet_v[:, 1], tet_v[:, 2],
      deform[:, 0], deform[:, 1], deform[:, 2])


def _mt_body(x_hbm, y_hbm, z_hbm, s_hbm, i0_hbm, i1_hbm, i2_hbm, i3_hbm,
             tt_hbm,
             mx_hbm, my_hbm, mz_hbm, f0_hbm, f1_hbm, f2_hbm, vl_hbm,
             xs_sh, ys_sh, zs_sh, ss_sh,
             ia0, ia1, ia2, ia3, ib0, ib1, ib2, ib3,
             gax0, gax1, gax2, gax3, gay0, gay1, gay2, gay3,
             gaz0, gaz1, gaz2, gaz3, gas0, gas1, gas2, gas3,
             gbx0, gbx1, gbx2, gbx3, gby0, gby1, gby2, gby3,
             gbz0, gbz1, gbz2, gbz3, gbs0, gbs1, gbs2, gbs3,
             tt_v, mx_v, my_v, mz_v, f0_v, f1_v, f2_v, vl_v,
             sem_a, sem_b):
    cid = lax.axis_index("c")
    sid = lax.axis_index("s")
    wid = sid * NC + cid
    t0w = (wid * BASE_G + jnp.minimum(wid, REM_G)) * L
    tend = t0w + (BASE_G + jnp.where(wid < REM_G, 1, 0)) * L

    @pl.when(sid == 0)
    def _():
        pltpu.sync_copy(x_hbm, xs_sh)

    @pl.when(sid == 1)
    def _():
        pltpu.sync_copy(y_hbm, ys_sh)

    @pl.when(sid == 2)
    def _():
        pltpu.sync_copy(z_hbm, zs_sh)

    @pl.when(sid == 3)
    def _():
        pltpu.sync_copy(s_hbm, ss_sh)

    pltpu.sync_copy(tt_hbm, tt_v)
    plsc.subcore_barrier()

    lane = lax.broadcasted_iota(jnp.int32, (L,), 0)
    ih = (i0_hbm, i1_hbm, i2_hbm, i3_hbm)
    tabs = (xs_sh, ys_sh, zs_sh, ss_sh)
    bufs = {
        0: ((ia0, ia1, ia2, ia3),
            ((gax0, gax1, gax2, gax3), (gay0, gay1, gay2, gay3),
             (gaz0, gaz1, gaz2, gaz3), (gas0, gas1, gas2, gas3)),
            sem_a),
        1: ((ib0, ib1, ib2, ib3),
            ((gbx0, gbx1, gbx2, gbx3), (gby0, gby1, gby2, gby3),
             (gbz0, gbz1, gbz2, gbz3), (gbs0, gbs1, gbs2, gbs3)),
            sem_b),
    }

    def fire(t0, p):
        idx, g, sem = bufs[p]
        for a in range(4):
            pltpu.sync_copy(ih[a].at[pl.ds(t0, C)], idx[a])
        for a in range(4):
            for comp in range(4):
                pltpu.async_copy(tabs[comp].at[idx[a]], g[comp][a], sem)

    def drain(p):
        idx, g, sem = bufs[p]
        for a in range(4):
            for comp in range(4):
                pltpu.make_async_copy(tabs[comp].at[idx[a]], g[comp][a],
                                      sem).wait()

    def compute(t0, p):
        _, g, _ = bufs[p]
        gx, gy, gz, gs = g

        def group_body(j, c2):
            o = pl.ds(j * L, L)
            tloc = j * L + lane
            X = [gx[a][o] for a in range(4)]
            Y = [gy[a][o] for a in range(4)]
            Z = [gz[a][o] for a in range(4)]
            S = [gs[a][o] for a in range(4)]

            code = (S[0] > 0.0).astype(jnp.int32)
            code = code + 2 * (S[1] > 0.0).astype(jnp.int32)
            code = code + 4 * (S[2] > 0.0).astype(jnp.int32)
            code = code + 8 * (S[3] > 0.0).astype(jnp.int32)
            code6 = code * 6

            gt6 = (t0 + tloc) * 6
            fplane = (f0_v, f1_v, f2_v)
            valid = []
            for col in range(6):
                ent = plsc.load_gather(tt_v, [code6 + col])
                v_ok = ent >= 0
                valid.append(v_ok)
                fval = gt6 + jnp.where(v_ok, ent, 0)
                plsc.store_scatter(fplane[col % 3], [2 * tloc + col // 3],
                                   fval)
            for r in range(2):
                v_ok = valid[3 * r] & valid[3 * r + 1] & valid[3 * r + 2]
                plsc.store_scatter(vl_v, [2 * tloc + r],
                                   v_ok.astype(jnp.int32))

            m6 = tloc * 6
            for e in range(6):
                a, b = EDGE_A[e], EDGE_B[e]
                d = S[b] - S[a]
                small = jnp.abs(d) < 1e-10
                w = jnp.where(small, 0.5,
                              S[b] / jnp.where(small, 1.0, d))
                u = 1.0 - w
                plsc.store_scatter(mx_v, [m6 + e], X[a] * w + X[b] * u)
                plsc.store_scatter(my_v, [m6 + e], Y[a] * w + Y[b] * u)
                plsc.store_scatter(mz_v, [m6 + e], Z[a] * w + Z[b] * u)
            return c2

        lax.fori_loop(0, G, group_body, 0)

        pltpu.sync_copy(mx_v, mx_hbm.at[pl.ds(t0 * 6, 6 * C)])
        pltpu.sync_copy(my_v, my_hbm.at[pl.ds(t0 * 6, 6 * C)])
        pltpu.sync_copy(mz_v, mz_hbm.at[pl.ds(t0 * 6, 6 * C)])
        pltpu.sync_copy(f0_v, f0_hbm.at[pl.ds(t0 * 2, 2 * C)])
        pltpu.sync_copy(f1_v, f1_hbm.at[pl.ds(t0 * 2, 2 * C)])
        pltpu.sync_copy(f2_v, f2_hbm.at[pl.ds(t0 * 2, 2 * C)])
        pltpu.sync_copy(vl_v, vl_hbm.at[pl.ds(t0 * 2, 2 * C)])

    def tet0(g):
        return jnp.minimum(t0w + g * C, tend - C)

    fire(tet0(0), 0)

    def pair_body(k, carry):
        fire(tet0(2 * k + 1), 1)
        drain(0)
        compute(tet0(2 * k), 0)

        @pl.when(k < CH // 2 - 1)
        def _():
            fire(tet0(2 * k + 2), 0)

        drain(1)
        compute(tet0(2 * k + 1), 1)
        return carry

    lax.fori_loop(0, CH // 2, pair_body, 0)


def _marching(x, y, z, s, i0, i1, i2, i3, tt):
    mesh = plsc.VectorSubcoreMesh(core_axis_name="c", subcore_axis_name="s")
    tbl_t = pltpu.VMEM_SHARED((N,), jnp.float32)
    idx_t = pltpu.VMEM((C,), jnp.int32)
    val_t = pltpu.VMEM((C,), jnp.float32)
    mvo_t = jax.ShapeDtypeStruct((F * 6,), jnp.float32)
    fco_t = jax.ShapeDtypeStruct((F * 2,), jnp.int32)
    fn = pl.kernel(
        _mt_body, mesh=mesh,
        out_type=[mvo_t, mvo_t, mvo_t, fco_t, fco_t, fco_t, fco_t],
        scratch_types=[
            tbl_t, tbl_t, tbl_t, tbl_t,
        ] + [idx_t] * 8 + [val_t] * 32 + [
            pltpu.VMEM((96,), jnp.int32),
            pltpu.VMEM((6 * C,), jnp.float32),
            pltpu.VMEM((6 * C,), jnp.float32),
            pltpu.VMEM((6 * C,), jnp.float32),
            pltpu.VMEM((2 * C,), jnp.int32),
            pltpu.VMEM((2 * C,), jnp.int32),
            pltpu.VMEM((2 * C,), jnp.int32),
            pltpu.VMEM((2 * C,), jnp.int32),
            pltpu.SemaphoreType.DMA,
            pltpu.SemaphoreType.DMA,
        ],
        compiler_params=pltpu.CompilerParams(needs_layout_passes=False),
    )
    return fn(x, y, z, s, i0, i1, i2, i3, tt)


def kernel(tet_v, sdf, deform, tet_ind):
    x, y, z = _deform_verts(tet_v, deform)
    tt = jnp.asarray(TRI_TABLE).reshape(96)
    mx, my, mz, f0, f1, f2, vl = _marching(
        x, y, z, sdf,
        tet_ind[:, 0], tet_ind[:, 1], tet_ind[:, 2], tet_ind[:, 3], tt)
    mesh_verts = jnp.stack([mx, my, mz], axis=1)
    faces = jnp.stack([f0, f1, f2], axis=1)
    face_valid = vl.astype(bool)
    return mesh_verts, faces, face_valid

# --- scband reference (transcript-rebuilt; emitter-appended) ---
"""Pipeline reference for scband-dmtet-mesh-56152402428243 (READ-ONLY COPY).

The authoritative reference and input builder live on the scoring server;
editing this copy changes nothing except your own understanding.
"""

import jax, jax.numpy as jnp
import numpy as np

GRID_SCALE = 0.0001

# kaolin marching_tetrahedra triangle table; edge order: (0,1),(0,2),(0,3),(1,2),(1,3),(2,3)
TRIANGLE_TABLE = np.array([
    [-1, -1, -1, -1, -1, -1],
    [1, 0, 2, -1, -1, -1],
    [4, 0, 3, -1, -1, -1],
    [1, 4, 2, 1, 3, 4],
    [3, 1, 5, -1, -1, -1],
    [2, 3, 0, 2, 5, 3],
    [1, 4, 0, 1, 5, 4],
    [4, 2, 5, -1, -1, -1],
    [4, 5, 2, -1, -1, -1],
    [4, 1, 0, 4, 5, 1],
    [3, 2, 0, 3, 5, 2],
    [1, 3, 5, -1, -1, -1],
    [4, 1, 2, 4, 3, 1],
    [3, 0, 4, -1, -1, -1],
    [2, 0, 1, -1, -1, -1],
    [-1, -1, -1, -1, -1, -1]], dtype=np.int32)

EDGES = np.array([[0, 1], [0, 2], [0, 3], [1, 2], [1, 3], [2, 3]], dtype=np.int32)


def marching_tets_fixed(verts, sdf, tet):
    # Fixed-shape marching tetrahedra (no data-dependent compaction/dedup):
    # emits 6 candidate edge-intersection vertices per tet and up to 2 triangles
    # per tet with a validity mask.
    F = tet.shape[0]
    e = jnp.asarray(EDGES)
    i0 = tet[:, e[:, 0]]  # [F, 6]
    i1 = tet[:, e[:, 1]]  # [F, 6]
    v0 = verts[i0]        # [F, 6, 3] gather
    v1 = verts[i1]        # [F, 6, 3] gather
    s0 = sdf[i0]          # [F, 6]
    s1 = sdf[i1]          # [F, 6]
    denom = s1 - s0
    safe = jnp.where(jnp.abs(denom) < 1e-10, 1.0, denom)
    w = jnp.where(jnp.abs(denom) < 1e-10, 0.5, s1 / safe)  # linear interp weight
    edge_verts = v0 * w[..., None] + v1 * (1.0 - w)[..., None]  # [F, 6, 3]
    occ = sdf > 0
    occ4 = occ[tet]  # [F, 4]
    code = jnp.sum(occ4.astype(jnp.int32) * jnp.asarray([1, 2, 4, 8], dtype=jnp.int32), axis=-1)
    tt = jnp.asarray(TRIANGLE_TABLE)
    entries = tt[code]  # [F, 6] gather from triangle table
    valid = entries >= 0
    edge_idx = jnp.where(valid, entries, 0)
    glob = jnp.arange(F, dtype=jnp.int32)[:, None] * 6 + edge_idx  # [F, 6]
    faces = glob.reshape(F * 2, 3)
    face_valid = valid.reshape(F * 2, 3).all(axis=-1)
    mesh_verts = edge_verts.reshape(F * 6, 3)
    return mesh_verts, faces, face_valid


def setup_inputs(seed: int = 0) -> dict:
    key = jax.random.key(seed)
    k1, k2, k3, k4 = jax.random.split(key, 4)
    N = 100000
    F = 300000
    tet_v = jax.random.normal(k1, (N, 3), dtype=jnp.float32)
    sdf = jax.random.normal(k2, (N,), dtype=jnp.float32)
    deform = jax.random.normal(k3, (N, 3), dtype=jnp.float32)
    tet_ind = jax.random.randint(k4, (F, 4), 0, N, dtype=jnp.int32)
    return {"tet_v": tet_v, "sdf": sdf, "deform": deform, "tet_ind": tet_ind}


def reference(tet_v, sdf, deform, tet_ind):
    # DMTetMesh.get_mesh with use_explicit=True, num_subdiv=0
    sdf_n = sdf * 1.0
    deform_n = deform * 1.0
    verts_deformed = tet_v + jnp.tanh(deform_n) * GRID_SCALE / 2.0
    mesh_verts, mesh_faces, face_valid = marching_tets_fixed(verts_deformed, sdf_n, tet_ind)
    return mesh_verts, mesh_faces, face_valid

if __name__ == "__main__":
    import jax
    _d = setup_inputs()
    print(jax.jit(kernel)(*tuple(_d.values())))

</pallas_src>

<mosaic_0001>
#map = affine_map<(d0, d1) -> (0)>
module attributes {stable_mosaic.version = 14 : i64} {
  func.func @_mt_body(%arg0: i32, %arg1: i32, %arg2: memref<100000xf32, #tpu.memory_space<hbm>>, %arg3: memref<100000xf32, #tpu.memory_space<hbm>>, %arg4: memref<100000xf32, #tpu.memory_space<hbm>>, %arg5: memref<100000xf32, #tpu.memory_space<hbm>>, %arg6: memref<300000xi32, #tpu.memory_space<hbm>>, %arg7: memref<300000xi32, #tpu.memory_space<hbm>>, %arg8: memref<300000xi32, #tpu.memory_space<hbm>>, %arg9: memref<300000xi32, #tpu.memory_space<hbm>>, %arg10: memref<96xi32, #tpu.memory_space<hbm>>, %arg11: memref<1800000xf32, #tpu.memory_space<hbm>>, %arg12: memref<1800000xf32, #tpu.memory_space<hbm>>, %arg13: memref<1800000xf32, #tpu.memory_space<hbm>>, %arg14: memref<600000xi32, #tpu.memory_space<hbm>>, %arg15: memref<600000xi32, #tpu.memory_space<hbm>>, %arg16: memref<600000xi32, #tpu.memory_space<hbm>>, %arg17: memref<600000xi32, #tpu.memory_space<hbm>>, %arg18: memref<100000xf32, #tpu.memory_space<vmem_shared>>, %arg19: memref<100000xf32, #tpu.memory_space<vmem_shared>>, %arg20: memref<100000xf32, #tpu.memory_space<vmem_shared>>, %arg21: memref<100000xf32, #tpu.memory_space<vmem_shared>>, %arg22: memref<1184xi32, #tpu.memory_space<vmem>>, %arg23: memref<1184xi32, #tpu.memory_space<vmem>>, %arg24: memref<1184xi32, #tpu.memory_space<vmem>>, %arg25: memref<1184xi32, #tpu.memory_space<vmem>>, %arg26: memref<1184xi32, #tpu.memory_space<vmem>>, %arg27: memref<1184xi32, #tpu.memory_space<vmem>>, %arg28: memref<1184xi32, #tpu.memory_space<vmem>>, %arg29: memref<1184xi32, #tpu.memory_space<vmem>>, %arg30: memref<1184xf32, #tpu.memory_space<vmem>>, %arg31: memref<1184xf32, #tpu.memory_space<vmem>>, %arg32: memref<1184xf32, #tpu.memory_space<vmem>>, %arg33: memref<1184xf32, #tpu.memory_space<vmem>>, %arg34: memref<1184xf32, #tpu.memory_space<vmem>>, %arg35: memref<1184xf32, #tpu.memory_space<vmem>>, %arg36: memref<1184xf32, #tpu.memory_space<vmem>>, %arg37: memref<1184xf32, #tpu.memory_space<vmem>>, %arg38: memref<1184xf32, #tpu.memory_space<vmem>>, %arg39: memref<1184xf32, #tpu.memory_space<vmem>>, %arg40: memref<1184xf32, #tpu.memory_space<vmem>>, %arg41: memref<1184xf32, #tpu.memory_space<vmem>>, %arg42: memref<1184xf32, #tpu.memory_space<vmem>>, %arg43: memref<1184xf32, #tpu.memory_space<vmem>>, %arg44: memref<1184xf32, #tpu.memory_space<vmem>>, %arg45: memref<1184xf32, #tpu.memory_space<vmem>>, %arg46: memref<1184xf32, #tpu.memory_space<vmem>>, %arg47: memref<1184xf32, #tpu.memory_space<vmem>>, %arg48: memref<1184xf32, #tpu.memory_space<vmem>>, %arg49: memref<1184xf32, #tpu.memory_space<vmem>>, %arg50: memref<1184xf32, #tpu.memory_space<vmem>>, %arg51: memref<1184xf32, #tpu.memory_space<vmem>>, %arg52: memref<1184xf32, #tpu.memory_space<vmem>>, %arg53: memref<1184xf32, #tpu.memory_space<vmem>>, %arg54: memref<1184xf32, #tpu.memory_space<vmem>>, %arg55: memref<1184xf32, #tpu.memory_space<vmem>>, %arg56: memref<1184xf32, #tpu.memory_space<vmem>>, %arg57: memref<1184xf32, #tpu.memory_space<vmem>>, %arg58: memref<1184xf32, #tpu.memory_space<vmem>>, %arg59: memref<1184xf32, #tpu.memory_space<vmem>>, %arg60: memref<1184xf32, #tpu.memory_space<vmem>>, %arg61: memref<1184xf32, #tpu.memory_space<vmem>>, %arg62: memref<96xi32, #tpu.memory_space<vmem>>, %arg63: memref<7104xf32, #tpu.memory_space<vmem>>, %arg64: memref<7104xf32, #tpu.memory_space<vmem>>, %arg65: memref<7104xf32, #tpu.memory_space<vmem>>, %arg66: memref<2368xi32, #tpu.memory_space<vmem>>, %arg67: memref<2368xi32, #tpu.memory_space<vmem>>, %arg68: memref<2368xi32, #tpu.memory_space<vmem>>, %arg69: memref<2368xi32, #tpu.memory_space<vmem>>, %arg70: memref<!tpu.dma_semaphore, #tpu.memory_space<semaphore_mem>>, %arg71: memref<!tpu.dma_semaphore, #tpu.memory_space<semaphore_mem>>) attributes {dimension_semantics = [#tpu.dimension_semantics<core_parallel>, #tpu.dimension_semantics<subcore_parallel>], iteration_bounds = array<i64: 2, 16>, scalar_prefetch = 0 : i64, scratch_operands = 54 : i64, tpu.core_type = #tpu.core_type<sc_vector_subcore>, window_params = [{transform_indices = #map}, {transform_indices = #map}, {transform_indices = #map}, {transform_indices = #map}, {transform_indices = #map}, {transform_indices = #map}, {transform_indices = #map}, {transform_indices = #map}, {transform_indices = #map}, {transform_indices = #map}, {transform_indices = #map}, {transform_indices = #map}, {transform_indices = #map}, {transform_indices = #map}, {transform_indices = #map}, {transform_indices = #map}]} {
    %mul3A = arith.constant 2 : i32
    %mul3A_0 = arith.muli %arg1, %mul3A : i32
    %add3A = arith.addi %mul3A_0, %arg0 : i32
    %mul3A_1 = arith.constant 585 : i32
    %mul3A_2 = arith.muli %add3A, %mul3A_1 : i32
    %min3A = arith.constant 30 : i32
    %min3A_3 = arith.minsi %add3A, %min3A : i32
    %add3A_4 = arith.addi %mul3A_2, %min3A_3 : i32
    %mul3A_5 = arith.constant 16 : i32
    %mul3A_6 = arith.muli %add3A_4, %mul3A_5 : i32
    %lt3A = arith.constant 30 : i32
    %lt3A_7 = arith.cmpi slt, %add3A, %lt3A : i32
    %jit3A = arith.constant 1 : i32
    %jit3A_8 = arith.constant 0 : i32
    %select_n3A = arith.select %lt3A_7, %jit3A, %jit3A_8 : i32
    %add3A_9 = arith.constant 585 : i32
    %add3A_10 = arith.addi %add3A_9, %select_n3A : i32
    %mul3A_11 = arith.constant 16 : i32
    %mul3A_12 = arith.muli %add3A_10, %mul3A_11 : i32
    %add3A_13 = arith.addi %mul3A_6, %mul3A_12 : i32
    %eq3A = arith.constant 0 : i32
    %eq3A_14 = arith.cmpi eq, %arg1, %eq3A : i32
    %convert_element_type3A = arith.extui %eq3A_14 : i1 to i32
    %cond3A = arith.constant 0 : i32
    %cond3A_15 = arith.cmpi ne, %convert_element_type3A, %cond3A : i32
    scf.if %cond3A_15 {
      "tpu.region"() ({
        %run_scoped3A = tpu.sem_alloc : memref<!tpu.dma_semaphore, #tpu.memory_space<semaphore_mem>>
        tpu.enqueue_dma source(%arg2 : memref<100000xf32, #tpu.memory_space<hbm>>) target(%arg18 : memref<100000xf32, #tpu.memory_space<vmem_shared>>) target_semaphore(%run_scoped3A : memref<!tpu.dma_semaphore, #tpu.memory_space<semaphore_mem>>)
        tpu.wait_dma2 semaphore(%run_scoped3A : memref<!tpu.dma_semaphore, #tpu.memory_space<semaphore_mem>>) src(%arg2 : memref<100000xf32, #tpu.memory_space<hbm>>) dst(%arg18 : memref<100000xf32, #tpu.memory_space<vmem_shared>>)
        tpu.yield
      }) : () -> ()
    } else {
    }
    %eq3A_16 = arith.constant 1 : i32
    %eq3A_17 = arith.cmpi eq, %arg1, %eq3A_16 : i32
    %convert_element_type3A_18 = arith.extui %eq3A_17 : i1 to i32
    %cond3A_19 = arith.constant 0 : i32
    %cond3A_20 = arith.cmpi ne, %convert_element_type3A_18, %cond3A_19 : i32
    scf.if %cond3A_20 {
      "tpu.region"() ({
        %run_scoped3A = tpu.sem_alloc : memref<!tpu.dma_semaphore, #tpu.memory_space<semaphore_mem>>
        tpu.enqueue_dma source(%arg3 : memref<100000xf32, #tpu.memory_space<hbm>>) target(%arg19 : memref<100000xf32, #tpu.memory_space<vmem_shared>>) target_semaphore(%run_scoped3A : memref<!tpu.dma_semaphore, #tpu.memory_space<semaphore_mem>>)
        tpu.wait_dma2 semaphore(%run_scoped3A : memref<!tpu.dma_semaphore, #tpu.memory_space<semaphore_mem>>) src(%arg3 : memref<100000xf32, #tpu.memory_space<hbm>>) dst(%arg19 : memref<100000xf32, #tpu.memory_space<vmem_shared>>)
        tpu.yield
      }) : () -> ()
    } else {
    }
    %eq3A_21 = arith.constant 2 : i32
    %eq3A_22 = arith.cmpi eq, %arg1, %eq3A_21 : i32
    %convert_element_type3A_23 = arith.extui %eq3A_22 : i1 to i32
    %cond3A_24 = arith.constant 0 : i32
    %cond3A_25 = arith.cmpi ne, %convert_element_type3A_23, %cond3A_24 : i32
    scf.if %cond3A_25 {
      "tpu.region"() ({
        %run_scoped3A = tpu.sem_alloc : memref<!tpu.dma_semaphore, #tpu.memory_space<semaphore_mem>>
        tpu.enqueue_dma source(%arg4 : memref<100000xf32, #tpu.memory_space<hbm>>) target(%arg20 : memref<100000xf32, #tpu.memory_space<vmem_shared>>) target_semaphore(%run_scoped3A : memref<!tpu.dma_semaphore, #tpu.memory_space<semaphore_mem>>)
        tpu.wait_dma2 semaphore(%run_scoped3A : memref<!tpu.dma_semaphore, #tpu.memory_space<semaphore_mem>>) src(%arg4 : memref<100000xf32, #tpu.memory_space<hbm>>) dst(%arg20 : memref<100000xf32, #tpu.memory_space<vmem_shared>>)
        tpu.yield
      }) : () -> ()
    } else {
    }
    %eq3A_26 = arith.constant 3 : i32
    %eq3A_27 = arith.cmpi eq, %arg1, %eq3A_26 : i32
    %convert_element_type3A_28 = arith.extui %eq3A_27 : i1 to i32
    %cond3A_29 = arith.constant 0 : i32
    %cond3A_30 = arith.cmpi ne, %convert_element_type3A_28, %cond3A_29 : i32
    scf.if %cond3A_30 {
      "tpu.region"() ({
        %run_scoped3A = tpu.sem_alloc : memref<!tpu.dma_semaphore, #tpu.memory_space<semaphore_mem>>
        tpu.enqueue_dma source(%arg5 : memref<100000xf32, #tpu.memory_space<hbm>>) target(%arg21 : memref<100000xf32, #tpu.memory_space<vmem_shared>>) target_semaphore(%run_scoped3A : memref<!tpu.dma_semaphore, #tpu.memory_space<semaphore_mem>>)
        tpu.wait_dma2 semaphore(%run_scoped3A : memref<!tpu.dma_semaphore, #tpu.memory_space<semaphore_mem>>) src(%arg5 : memref<100000xf32, #tpu.memory_space<hbm>>) dst(%arg21 : memref<100000xf32, #tpu.memory_space<vmem_shared>>)
        tpu.yield
      }) : () -> ()
    } else {
    }
    "tpu.region"() ({
      %run_scoped3A = tpu.sem_alloc : memref<!tpu.dma_semaphore, #tpu.memory_space<semaphore_mem>>
      tpu.enqueue_dma source(%arg10 : memref<96xi32, #tpu.memory_space<hbm>>) target(%arg62 : memref<96xi32, #tpu.memory_space<vmem>>) target_semaphore(%run_scoped3A : memref<!tpu.dma_semaphore, #tpu.memory_space<semaphore_mem>>)
      tpu.wait_dma2 semaphore(%run_scoped3A : memref<!tpu.dma_semaphore, #tpu.memory_space<semaphore_mem>>) src(%arg10 : memref<96xi32, #tpu.memory_space<hbm>>) dst(%arg62 : memref<96xi32, #tpu.memory_space<vmem>>)
      tpu.yield
    }) : () -> ()
    %barrier3A = arith.constant 0 : index
    tpu.barrier barrier_id(%barrier3A)
    %iota3A = tpu.iota {dimensions = array<i32: 0>} : vector<16xi32>
    %add3A_31 = arith.constant 0 : i32
    %add3A_32 = arith.addi %mul3A_6, %add3A_31 : i32
    %sub3A = arith.constant 1184 : i32
    %sub3A_33 = arith.subi %add3A_13, %sub3A : i32
    %min3A_34 = arith.minsi %add3A_32, %sub3A_33 : i32
    "tpu.region"() ({
      %run_scoped3A = tpu.sem_alloc : memref<!tpu.dma_semaphore, #tpu.memory_space<semaphore_mem>>
      %dma_start3A_71 = tpu.memref_slice %arg6[%min3A_34] : memref<300000xi32, #tpu.memory_space<hbm>> -> memref<1184xi32, #tpu.memory_space<hbm>>
      %dma_start3A_72 = tpu.memref_slice %arg6[%min3A_34] : memref<300000xi32, #tpu.memory_space<hbm>> -> memref<1184xi32, #tpu.memory_space<hbm>>
      tpu.enqueue_dma source(%dma_start3A_72 : memref<1184xi32, #tpu.memory_space<hbm>>) target(%arg22 : memref<1184xi32, #tpu.memory_space<vmem>>) target_semaphore(%run_scoped3A : memref<!tpu.dma_semaphore, #tpu.memory_space<semaphore_mem>>)
      %dma_wait3A = tpu.memref_slice %arg6[%min3A_34] : memref<300000xi32, #tpu.memory_space<hbm>> -> memref<1184xi32, #tpu.memory_space<hbm>>
      %dma_wait3A_73 = tpu.memref_slice %arg6[%min3A_34] : memref<300000xi32, #tpu.memory_space<hbm>> -> memref<1184xi32, #tpu.memory_space<hbm>>
      tpu.wait_dma2 semaphore(%run_scoped3A : memref<!tpu.dma_semaphore, #tpu.memory_space<semaphore_mem>>) src(%dma_wait3A_73 : memref<1184xi32, #tpu.memory_space<hbm>>) dst(%arg22 : memref<1184xi32, #tpu.memory_space<vmem>>)
      tpu.yield
    }) : () -> ()
    "tpu.region"() ({
      %run_scoped3A = tpu.sem_alloc : memref<!tpu.dma_semaphore, #tpu.memory_space<semaphore_mem>>
      %dma_start3A_71 = tpu.memref_slice %arg7[%min3A_34] : memref<300000xi32, #tpu.memory_space<hbm>> -> memref<1184xi32, #tpu.memory_space<hbm>>
      %dma_start3A_72 = tpu.memref_slice %arg7[%min3A_34] : memref<300000xi32, #tpu.memory_space<hbm>> -> memref<1184xi32, #tpu.memory_space<hbm>>
      tpu.enqueue_dma source(%dma_start3A_72 : memref<1184xi32, #tpu.memory_space<hbm>>) target(%arg23 : memref<1184xi32, #tpu.memory_space<vmem>>) target_semaphore(%run_scoped3A : memref<!tpu.dma_semaphore, #tpu.memory_space<semaphore_mem>>)
      %dma_wait3A = tpu.memref_slice %arg7[%min3A_34] : memref<300000xi32, #tpu.memory_space<hbm>> -> memref<1184xi32, #tpu.memory_space<hbm>>
      %dma_wait3A_73 = tpu.memref_slice %arg7[%min3A_34] : memref<300000xi32, #tpu.memory_space<hbm>> -> memref<1184xi32, #tpu.memory_space<hbm>>
      tpu.wait_dma2 semaphore(%run_scoped3A : memref<!tpu.dma_semaphore, #tpu.memory_space<semaphore_mem>>) src(%dma_wait3A_73 : memref<1184xi32, #tpu.memory_space<hbm>>) dst(%arg23 : memref<1184xi32, #tpu.memory_space<vmem>>)
      tpu.yield
    }) : () -> ()
    "tpu.region"() ({
      %run_scoped3A = tpu.sem_alloc : memref<!tpu.dma_semaphore, #tpu.memory_space<semaphore_mem>>
      %dma_start3A_71 = tpu.memref_slice %arg8[%min3A_34] : memref<300000xi32, #tpu.memory_space<hbm>> -> memref<1184xi32, #tpu.memory_space<hbm>>
      %dma_start3A_72 = tpu.memref_slice %arg8[%min3A_34] : memref<300000xi32, #tpu.memory_space<hbm>> -> memref<1184xi32, #tpu.memory_space<hbm>>
      tpu.enqueue_dma source(%dma_start3A_72 : memref<1184xi32, #tpu.memory_space<hbm>>) target(%arg24 : memref<1184xi32, #tpu.memory_space<vmem>>) target_semaphore(%run_scoped3A : memref<!tpu.dma_semaphore, #tpu.memory_space<semaphore_mem>>)
      %dma_wait3A = tpu.memref_slice %arg8[%min3A_34] : memref<300000xi32, #tpu.memory_space<hbm>> -> memref<1184xi32, #tpu.memory_space<hbm>>
      %dma_wait3A_73 = tpu.memref_slice %arg8[%min3A_34] : memref<300000xi32, #tpu.memory_space<hbm>> -> memref<1184xi32, #tpu.memory_space<hbm>>
      tpu.wait_dma2 semaphore(%run_scoped3A : memref<!tpu.dma_semaphore, #tpu.memory_space<semaphore_mem>>) src(%dma_wait3A_73 : memref<1184xi32, #tpu.memory_space<hbm>>) dst(%arg24 : memref<1184xi32, #tpu.memory_space<vmem>>)
      tpu.yield
    }) : () -> ()
    "tpu.region"() ({
      %run_scoped3A = tpu.sem_alloc : memref<!tpu.dma_semaphore, #tpu.memory_space<semaphore_mem>>
      %dma_start3A_71 = tpu.memref_slice %arg9[%min3A_34] : memref<300000xi32, #tpu.memory_space<hbm>> -> memref<1184xi32, #tpu.memory_space<hbm>>
      %dma_start3A_72 = tpu.memref_slice %arg9[%min3A_34] : memref<300000xi32, #tpu.memory_space<hbm>> -> memref<1184xi32, #tpu.memory_space<hbm>>
      tpu.enqueue_dma source(%dma_start3A_72 : memref<1184xi32, #tpu.memory_space<hbm>>) target(%arg25 : memref<1184xi32, #tpu.memory_space<vmem>>) target_semaphore(%run_scoped3A : memref<!tpu.dma_semaphore, #tpu.memory_space<semaphore_mem>>)
      %dma_wait3A = tpu.memref_slice %arg9[%min3A_34] : memref<300000xi32, #tpu.memory_space<hbm>> -> memref<1184xi32, #tpu.memory_space<hbm>>
      %dma_wait3A_73 = tpu.memref_slice %arg9[%min3A_34] : memref<300000xi32, #tpu.memory_space<hbm>> -> memref<1184xi32, #tpu.memory_space<hbm>>
      tpu.wait_dma2 semaphore(%run_scoped3A : memref<!tpu.dma_semaphore, #tpu.memory_space<semaphore_mem>>) src(%dma_wait3A_73 : memref<1184xi32, #tpu.memory_space<hbm>>) dst(%arg25 : memref<1184xi32, #tpu.memory_space<vmem>>)
      tpu.yield
    }) : () -> ()
    %dma_start3A = arith.constant 0 : i32
    %dma_start3A_35 = tpu.memref_slice %arg18[%dma_start3A] : memref<100000xf32, #tpu.memory_space<vmem_shared>> -> memref<100000xf32, #tpu.memory_space<vmem_shared>>
    tpu.enqueue_indirect_dma source(%dma_start3A_35 : memref<100000xf32, #tpu.memory_space<vmem_shared>>) target(%arg30 : memref<1184xf32, #tpu.memory_space<vmem>>) offsets(%arg22 : memref<1184xi32, #tpu.memory_space<vmem>>) semaphore(%arg70 : memref<!tpu.dma_semaphore, #tpu.memory_space<semaphore_mem>>)
    %dma_start3A_36 = arith.constant 0 : i32
    %dma_start3A_37 = tpu.memref_slice %arg19[%dma_start3A_36] : memref<100000xf32, #tpu.memory_space<vmem_shared>> -> memref<100000xf32, #tpu.memory_space<vmem_shared>>
    tpu.enqueue_indirect_dma source(%dma_start3A_37 : memref<100000xf32, #tpu.memory_space<vmem_shared>>) target(%arg34 : memref<1184xf32, #tpu.memory_space<vmem>>) offsets(%arg22 : memref<1184xi32, #tpu.memory_space<vmem>>) semaphore(%arg70 : memref<!tpu.dma_semaphore, #tpu.memory_space<semaphore_mem>>)
    %dma_start3A_38 = arith.constant 0 : i32
    %dma_start3A_39 = tpu.memref_slice %arg20[%dma_start3A_38] : memref<100000xf32, #tpu.memory_space<vmem_shared>> -> memref<100000xf32, #tpu.memory_space<vmem_shared>>
    tpu.enqueue_indirect_dma source(%dma_start3A_39 : memref<100000xf32, #tpu.memory_space<vmem_shared>>) target(%arg38 : memref<1184xf32, #tpu.memory_space<vmem>>) offsets(%arg22 : memref<1184xi32, #tpu.memory_space<vmem>>) semaphore(%arg70 : memref<!tpu.dma_semaphore, #tpu.memory_space<semaphore_mem>>)
    %dma_start3A_40 = arith.constant 0 : i32
    %dma_start3A_41 = tpu.memref_slice %arg21[%dma_start3A_40] : memref<100000xf32, #tpu.memory_space<vmem_shared>> -> memref<100000xf32, #tpu.memory_space<vmem_shared>>
    tpu.enqueue_indirect_dma source(%dma_start3A_41 : memref<100000xf32, #tpu.memory_space<vmem_shared>>) target(%arg42 : memref<1184xf32, #tpu.memory_space<vmem>>) offsets(%arg22 : memref<1184xi32, #tpu.memory_space<vmem>>) semaphore(%arg70 : memref<!tpu.dma_semaphore, #tpu.memory_space<semaphore_mem>>)
    %dma_start3A_42 = arith.constant 0 : i32
    %dma_start3A_43 = tpu.memref_slice %arg18[%dma_start3A_42] : memref<100000xf32, #tpu.memory_space<vmem_shared>> -> memref<100000xf32, #tpu.memory_space<vmem_shared>>
    tpu.enqueue_indirect_dma source(%dma_start3A_43 : memref<100000xf32, #tpu.memory_space<vmem_shared>>) target(%arg31 : memref<1184xf32, #tpu.memory_space<vmem>>) offsets(%arg23 : memref<1184xi32, #tpu.memory_space<vmem>>) semaphore(%arg70 : memref<!tpu.dma_semaphore, #tpu.memory_space<semaphore_mem>>)
    %dma_start3A_44 = arith.constant 0 : i32
    %dma_start3A_45 = tpu.memref_slice %arg19[%dma_start3A_44] : memref<100000xf32, #tpu.memory_space<vmem_shared>> -> memref<100000xf32, #tpu.memory_space<vmem_shared>>
    tpu.enqueue_indirect_dma source(%dma_start3A_45 : memref<100000xf32, #tpu.memory_space<vmem_shared>>) target(%arg35 : memref<1184xf32, #tpu.memory_space<vmem>>) offsets(%arg23 : memref<1184xi32, #tpu.memory_space<vmem>>) semaphore(%arg70 : memref<!tpu.dma_semaphore, #tpu.memory_space<semaphore_mem>>)
    %dma_start3A_46 = arith.constant 0 : i32
    %dma_start3A_47 = tpu.memref_slice %arg20[%dma_start3A_46] : memref<100000xf32, #tpu.memory_space<vmem_shared>> -> memref<100000xf32, #tpu.memory_space<vmem_shared>>
    tpu.enqueue_indirect_dma source(%dma_start3A_47 : memref<100000xf32, #tpu.memory_space<vmem_shared>>) target(%arg39 : memref<1184xf32, #tpu.memory_space<vmem>>) offsets(%arg23 : memref<1184xi32, #tpu.memory_space<vmem>>) semaphore(%arg70 : memref<!tpu.dma_semaphore, #tpu.memory_space<semaphore_mem>>)
    %dma_start3A_48 = arith.constant 0 : i32
    %dma_start3A_49 = tpu.memref_slice %arg21[%dma_start3A_48] : memref<100000xf32, #tpu.memory_space<vmem_shared>> -> memref<100000xf32, #tpu.memory_space<vmem_shared>>
    tpu.enqueue_indirect_dma source(%dma_start3A_49 : memref<100000xf32, #tpu.memory_space<vmem_shared>>) target(%arg43 : memref<1184xf32, #tpu.memory_space<vmem>>) offsets(%arg23 : memref<1184xi32, #tpu.memory_space<vmem>>) semaphore(%arg70 : memref<!tpu.dma_semaphore, #tpu.memory_space<semaphore_mem>>)
    %dma_start3A_50 = arith.constant 0 : i32
    %dma_start3A_51 = tpu.memref_slice %arg18[%dma_start3A_50] : memref<100000xf32, #tpu.memory_space<vmem_shared>> -> memref<100000xf32, #tpu.memory_space<vmem_shared>>
    tpu.enqueue_indirect_dma source(%dma_start3A_51 : memref<100000xf32, #tpu.memory_space<vmem_shared>>) target(%arg32 : memref<1184xf32, #tpu.memory_space<vmem>>) offsets(%arg24 : memref<1184xi32, #tpu.memory_space<vmem>>) semaphore(%arg70 : memref<!tpu.dma_semaphore, #tpu.memory_space<semaphore_mem>>)
    %dma_start3A_52 = arith.constant 0 : i32
    %dma_start3A_53 = tpu.memref_slice %arg19[%dma_start3A_52] : memref<100000xf32, #tpu.memory_space<vmem_shared>> -> memref<100000xf32, #tpu.memory_space<vmem_shared>>
    tpu.enqueue_indirect_dma source(%dma_start3A_53 : memref<100000xf32, #tpu.memory_space<vmem_shared>>) target(%arg36 : memref<1184xf32, #tpu.memory_space<vmem>>) offsets(%arg24 : memref<1184xi32, #tpu.memory_space<vmem>>) semaphore(%arg70 : memref<!tpu.dma_semaphore, #tpu.memory_space<semaphore_mem>>)
    %dma_start3A_54 = arith.constant 0 : i32
    %dma_start3A_55 = tpu.memref_slice %arg20[%dma_start3A_54] : memref<100000xf32, #tpu.memory_space<vmem_shared>> -> memref<100000xf32, #tpu.memory_space<vmem_shared>>
    tpu.enqueue_indirect_dma source(%dma_start3A_55 : memref<100000xf32, #tpu.memory_space<vmem_shared>>) target(%arg40 : memref<1184xf32, #tpu.memory_space<vmem>>) offsets(%arg24 : memref<1184xi32, #tpu.memory_space<vmem>>) semaphore(%arg70 : memref<!tpu.dma_semaphore, #tpu.memory_space<semaphore_mem>>)
    %dma_start3A_56 = arith.constant 0 : i32
    %dma_start3A_57 = tpu.memref_slice %arg21[%dma_start3A_56] : memref<100000xf32, #tpu.memory_space<vmem_shared>> -> memref<100000xf32, #tpu.memory_space<vmem_shared>>
    tpu.enqueue_indirect_dma source(%dma_start3A_57 : memref<100000xf32, #tpu.memory_space<vmem_shared>>) target(%arg44 : memref<1184xf32, #tpu.memory_space<vmem>>) offsets(%arg24 : memref<1184xi32, #tpu.memory_space<vmem>>) semaphore(%arg70 : memref<!tpu.dma_semaphore, #tpu.memory_space<semaphore_mem>>)
    %dma_start3A_58 = arith.constant 0 : i32
    %dma_start3A_59 = tpu.memref_slice %arg18[%dma_start3A_58] : memref<100000xf32, #tpu.memory_space<vmem_shared>> -> memref<100000xf32, #tpu.memory_space<vmem_shared>>
    tpu.enqueue_indirect_dma source(%dma_start3A_59 : memref<100000xf32, #tpu.memory_space<vmem_shared>>) target(%arg33 : memref<1184xf32, #tpu.memory_space<vmem>>) offsets(%arg25 : memref<1184xi32, #tpu.memory_space<vmem>>) semaphore(%arg70 : memref<!tpu.dma_semaphore, #tpu.memory_space<semaphore_mem>>)
    %dma_start3A_60 = arith.constant 0 : i32
    %dma_start3A_61 = tpu.memref_slice %arg19[%dma_start3A_60] : memref<100000xf32, #tpu.memory_space<vmem_shared>> -> memref<100000xf32, #tpu.memory_space<vmem_shared>>
    tpu.enqueue_indirect_dma source(%dma_start3A_61 : memref<100000xf32, #tpu.memory_space<vmem_shared>>) target(%arg37 : memref<1184xf32, #tpu.memory_space<vmem>>) offsets(%arg25 : memref<1184xi32, #tpu.memory_space<vmem>>) semaphore(%arg70 : memref<!tpu.dma_semaphore, #tpu.memory_space<semaphore_mem>>)
    %dma_start3A_62 = arith.constant 0 : i32
    %dma_start3A_63 = tpu.memref_slice %arg20[%dma_start3A_62] : memref<100000xf32, #tpu.memory_space<vmem_shared>> -> memref<100000xf32, #tpu.memory_space<vmem_shared>>
    tpu.enqueue_indirect_dma source(%dma_start3A_63 : memref<100000xf32, #tpu.memory_space<vmem_shared>>) target(%arg41 : memref<1184xf32, #tpu.memory_space<vmem>>) offsets(%arg25 : memref<1184xi32, #tpu.memory_space<vmem>>) semaphore(%arg70 : memref<!tpu.dma_semaphore, #tpu.memory_space<semaphore_mem>>)
    %dma_start3A_64 = arith.constant 0 : i32
    %dma_start3A_65 = tpu.memref_slice %arg21[%dma_start3A_64] : memref<100000xf32, #tpu.memory_space<vmem_shared>> -> memref<100000xf32, #tpu.memory_space<vmem_shared>>
    tpu.enqueue_indirect_dma source(%dma_start3A_65 : memref<100000xf32, #tpu.memory_space<vmem_shared>>) target(%arg45 : memref<1184xf32, #tpu.memory_space<vmem>>) offsets(%arg25 : memref<1184xi32, #tpu.memory_space<vmem>>) semaphore(%arg70 : memref<!tpu.dma_semaphore, #tpu.memory_space<semaphore_mem>>)
    %scan3A = arith.constant 0 : i32
    %scan3A_66 = arith.constant 0 : i32
    %scan3A_67 = arith.constant 4 : i32
    %scan3A_68 = arith.addi %scan3A_66, %scan3A_67 : i32
    %scan3A_69 = arith.constant 1 : i32
    scf.for %scan3A_71 = %scan3A_66 to %scan3A_68 step %scan3A_69  : i32 {
      %mul3A_72 = arith.constant 2 : i32
      %mul3A_73 = arith.muli %mul3A_72, %scan3A_71 : i32
      %add3A_74 = arith.constant 1 : i32
      %add3A_75 = arith.addi %mul3A_73, %add3A_74 : i32
      %mul3A_76 = arith.constant 1184 : i32
      %mul3A_77 = arith.muli %add3A_75, %mul3A_76 : i32
      %add3A_78 = arith.addi %mul3A_6, %mul3A_77 : i32
      %sub3A_79 = arith.constant 1184 : i32
      %sub3A_80 = arith.subi %add3A_13, %sub3A_79 : i32
      %min3A_81 = arith.minsi %add3A_78, %sub3A_80 : i32
      "tpu.region"() ({
        %run_scoped3A = tpu.sem_alloc : memref<!tpu.dma_semaphore, #tpu.memory_space<semaphore_mem>>
        %dma_start3A_240 = tpu.memref_slice %arg6[%min3A_81] : memref<300000xi32, #tpu.memory_space<hbm>> -> memref<1184xi32, #tpu.memory_space<hbm>>
        %dma_start3A_241 = tpu.memref_slice %arg6[%min3A_81] : memref<300000xi32, #tpu.memory_space<hbm>> -> memref<1184xi32, #tpu.memory_space<hbm>>
        tpu.enqueue_dma source(%dma_start3A_241 : memref<1184xi32, #tpu.memory_space<hbm>>) target(%arg26 : memref<1184xi32, #tpu.memory_space<vmem>>) target_semaphore(%run_scoped3A : memref<!tpu.dma_semaphore, #tpu.memory_space<semaphore_mem>>)
        %dma_wait3A_242 = tpu.memref_slice %arg6[%min3A_81] : memref<300000xi32, #tpu.memory_space<hbm>> -> memref<1184xi32, #tpu.memory_space<hbm>>
        %dma_wait3A_243 = tpu.memref_slice %arg6[%min3A_81] : memref<300000xi32, #tpu.memory_space<hbm>> -> memref<1184xi32, #tpu.memory_space<hbm>>
        tpu.wait_dma2 semaphore(%run_scoped3A : memref<!tpu.dma_semaphore, #tpu.memory_space<semaphore_mem>>) src(%dma_wait3A_243 : memref<1184xi32, #tpu.memory_space<hbm>>) dst(%arg26 : memref<1184xi32, #tpu.memory_space<vmem>>)
        tpu.yield
      }) : () -> ()
      "tpu.region"() ({
        %run_scoped3A = tpu.sem_alloc : memref<!tpu.dma_semaphore, #tpu.memory_space<semaphore_mem>>
        %dma_start3A_240 = tpu.memref_slice %arg7[%min3A_81] : memref<300000xi32, #tpu.memory_space<hbm>> -> memref<1184xi32, #tpu.memory_space<hbm>>
        %dma_start3A_241 = tpu.memref_slice %arg7[%min3A_81] : memref<300000xi32, #tpu.memory_space<hbm>> -> memref<1184xi32, #tpu.memory_space<hbm>>
        tpu.enqueue_dma source(%dma_start3A_241 : memref<1184xi32, #tpu.memory_space<hbm>>) target(%arg27 : memref<1184xi32, #tpu.memory_space<vmem>>) target_semaphore(%run_scoped3A : memref<!tpu.dma_semaphore, #tpu.memory_space<semaphore_mem>>)
        %dma_wait3A_242 = tpu.memref_slice %arg7[%min3A_81] : memref<300000xi32, #tpu.memory_space<hbm>> -> memref<1184xi32, #tpu.memory_space<hbm>>
        %dma_wait3A_243 = tpu.memref_slice %arg7[%min3A_81] : memref<300000xi32, #tpu.memory_space<hbm>> -> memref<1184xi32, #tpu.memory_space<hbm>>
        tpu.wait_dma2 semaphore(%run_scoped3A : memref<!tpu.dma_semaphore, #tpu.memory_space<semaphore_mem>>) src(%dma_wait3A_243 : memref<1184xi32, #tpu.memory_space<hbm>>) dst(%arg27 : memref<1184xi32, #tpu.memory_space<vmem>>)
        tpu.yield
      }) : () -> ()
      "tpu.region"() ({
        %run_scoped3A = tpu.sem_alloc : memref<!tpu.dma_semaphore, #tpu.memory_space<semaphore_mem>>
        %dma_start3A_240 = tpu.memref_slice %arg8[%min3A_81] : memref<300000xi32, #tpu.memory_space<hbm>> -> memref<1184xi32, #tpu.memory_space<hbm>>
        %dma_start3A_241 = tpu.memref_slice %arg8[%min3A_81] : memref<300000xi32, #tpu.memory_space<hbm>> -> memref<1184xi32, #tpu.memory_space<hbm>>
        tpu.enqueue_dma source(%dma_start3A_241 : memref<1184xi32, #tpu.memory_space<hbm>>) target(%arg28 : memref<1184xi32, #tpu.memory_space<vmem>>) target_semaphore(%run_scoped3A : memref<!tpu.dma_semaphore, #tpu.memory_space<semaphore_mem>>)
        %dma_wait3A_242 = tpu.memref_slice %arg8[%min3A_81] : memref<300000xi32, #tpu.memory_space<hbm>> -> memref<1184xi32, #tpu.memory_space<hbm>>
        %dma_wait3A_243 = tpu.memref_slice %arg8[%min3A_81] : memref<300000xi32, #tpu.memory_space<hbm>> -> memref<1184xi32, #tpu.memory_space<hbm>>
        tpu.wait_dma2 semaphore(%run_scoped3A : memref<!tpu.dma_semaphore, #tpu.memory_space<semaphore_mem>>) src(%dma_wait3A_243 : memref<1184xi32, #tpu.memory_space<hbm>>) dst(%arg28 : memref<1184xi32, #tpu.memory_space<vmem>>)
        tpu.yield
      }) : () -> ()
      "tpu.region"() ({
        %run_scoped3A = tpu.sem_alloc : memref<!tpu.dma_semaphore, #tpu.memory_space<semaphore_mem>>
        %dma_start3A_240 = tpu.memref_slice %arg9[%min3A_81] : memref<300000xi32, #tpu.memory_space<hbm>> -> memref<1184xi32, #tpu.memory_space<hbm>>
        %dma_start3A_241 = tpu.memref_slice %arg9[%min3A_81] : memref<300000xi32, #tpu.memory_space<hbm>> -> memref<1184xi32, #tpu.memory_space<hbm>>
        tpu.enqueue_dma source(%dma_start3A_241 : memref<1184xi32, #tpu.memory_space<hbm>>) target(%arg29 : memref<1184xi32, #tpu.memory_space<vmem>>) target_semaphore(%run_scoped3A : memref<!tpu.dma_semaphore, #tpu.memory_space<semaphore_mem>>)
        %dma_wait3A_242 = tpu.memref_slice %arg9[%min3A_81] : memref<300000xi32, #tpu.memory_space<hbm>> -> memref<1184xi32, #tpu.memory_space<hbm>>
        %dma_wait3A_243 = tpu.memref_slice %arg9[%min3A_81] : memref<300000xi32, #tpu.memory_space<hbm>> -> memref<1184xi32, #tpu.memory_space<hbm>>
        tpu.wait_dma2 semaphore(%run_scoped3A : memref<!tpu.dma_semaphore, #tpu.memory_space<semaphore_mem>>) src(%dma_wait3A_243 : memref<1184xi32, #tpu.memory_space<hbm>>) dst(%arg29 : memref<1184xi32, #tpu.memory_space<vmem>>)
        tpu.yield
      }) : () -> ()
      %dma_start3A_82 = arith.constant 0 : i32
      %dma_start3A_83 = tpu.memref_slice %arg18[%dma_start3A_82] : memref<100000xf32, #tpu.memory_space<vmem_shared>> -> memref<100000xf32, #tpu.memory_space<vmem_shared>>
      tpu.enqueue_indirect_dma source(%dma_start3A_83 : memref<100000xf32, #tpu.memory_space<vmem_shared>>) target(%arg46 : memref<1184xf32, #tpu.memory_space<vmem>>) offsets(%arg26 : memref<1184xi32, #tpu.memory_space<vmem>>) semaphore(%arg71 : memref<!tpu.dma_semaphore, #tpu.memory_space<semaphore_mem>>)
      %dma_start3A_84 = arith.constant 0 : i32
      %dma_start3A_85 = tpu.memref_slice %arg19[%dma_start3A_84] : memref<100000xf32, #tpu.memory_space<vmem_shared>> -> memref<100000xf32, #tpu.memory_space<vmem_shared>>
      tpu.enqueue_indirect_dma source(%dma_start3A_85 : memref<100000xf32, #tpu.memory_space<vmem_shared>>) target(%arg50 : memref<1184xf32, #tpu.memory_space<vmem>>) offsets(%arg26 : memref<1184xi32, #tpu.memory_space<vmem>>) semaphore(%arg71 : memref<!tpu.dma_semaphore, #tpu.memory_space<semaphore_mem>>)
      %dma_start3A_86 = arith.constant 0 : i32
      %dma_start3A_87 = tpu.memref_slice %arg20[%dma_start3A_86] : memref<100000xf32, #tpu.memory_space<vmem_shared>> -> memref<100000xf32, #tpu.memory_space<vmem_shared>>
      tpu.enqueue_indirect_dma source(%dma_start3A_87 : memref<100000xf32, #tpu.memory_space<vmem_shared>>) target(%arg54 : memref<1184xf32, #tpu.memory_space<vmem>>) offsets(%arg26 : memref<1184xi32, #tpu.memory_space<vmem>>) semaphore(%arg71 : memref<!tpu.dma_semaphore, #tpu.memory_space<semaphore_mem>>)
      %dma_start3A_88 = arith.constant 0 : i32
      %dma_start3A_89 = tpu.memref_slice %arg21[%dma_start3A_88] : memref<100000xf32, #tpu.memory_space<vmem_shared>> -> memref<100000xf32, #tpu.memory_space<vmem_shared>>
      tpu.enqueue_indirect_dma source(%dma_start3A_89 : memref<100000xf32, #tpu.memory_space<vmem_shared>>) target(%arg58 : memref<1184xf32, #tpu.memory_space<vmem>>) offsets(%arg26 : memref<1184xi32, #tpu.memory_space<vmem>>) semaphore(%arg71 : memref<!tpu.dma_semaphore, #tpu.memory_space<semaphore_mem>>)
      %dma_start3A_90 = arith.constant 0 : i32
      %dma_start3A_91 = tpu.memref_slice %arg18[%dma_start3A_90] : memref<100000xf32, #tpu.memory_space<vmem_shared>> -> memref<100000xf32, #tpu.memory_space<vmem_shared>>
      tpu.enqueue_indirect_dma source(%dma_start3A_91 : memref<100000xf32, #tpu.memory_space<vmem_shared>>) target(%arg47 : memref<1184xf32, #tpu.memory_space<vmem>>) offsets(%arg27 : memref<1184xi32, #tpu.memory_space<vmem>>) semaphore(%arg71 : memref<!tpu.dma_semaphore, #tpu.memory_space<semaphore_mem>>)
      %dma_start3A_92 = arith.constant 0 : i32
      %dma_start3A_93 = tpu.memref_slice %arg19[%dma_start3A_92] : memref<100000xf32, #tpu.memory_space<vmem_shared>> -> memref<100000xf32, #tpu.memory_space<vmem_shared>>
      tpu.enqueue_indirect_dma source(%dma_start3A_93 : memref<100000xf32, #tpu.memory_space<vmem_shared>>) target(%arg51 : memref<1184xf32, #tpu.memory_space<vmem>>) offsets(%arg27 : memref<1184xi32, #tpu.memory_space<vmem>>) semaphore(%arg71 : memref<!tpu.dma_semaphore, #tpu.memory_space<semaphore_mem>>)
      %dma_start3A_94 = arith.constant 0 : i32
      %dma_start3A_95 = tpu.memref_slice %arg20[%dma_start3A_94] : memref<100000xf32, #tpu.memory_space<vmem_shared>> -> memref<100000xf32, #tpu.memory_space<vmem_shared>>
      tpu.enqueue_indirect_dma source(%dma_start3A_95 : memref<100000xf32, #tpu.memory_space<vmem_shared>>) target(%arg55 : memref<1184xf32, #tpu.memory_space<vmem>>) offsets(%arg27 : memref<1184xi32, #tpu.memory_space<vmem>>) semaphore(%arg71 : memref<!tpu.dma_semaphore, #tpu.memory_space<semaphore_mem>>)
      %dma_start3A_96 = arith.constant 0 : i32
      %dma_start3A_97 = tpu.memref_slice %arg21[%dma_start3A_96] : memref<100000xf32, #tpu.memory_space<vmem_shared>> -> memref<100000xf32, #tpu.memory_space<vmem_shared>>
      tpu.enqueue_indirect_dma source(%dma_start3A_97 : memref<100000xf32, #tpu.memory_space<vmem_shared>>) target(%arg59 : memref<1184xf32, #tpu.memory_space<vmem>>) offsets(%arg27 : memref<1184xi32, #tpu.memory_space<vmem>>) semaphore(%arg71 : memref<!tpu.dma_semaphore, #tpu.memory_space<semaphore_mem>>)
      %dma_start3A_98 = arith.constant 0 : i32
      %dma_start3A_99 = tpu.memref_slice %arg18[%dma_start3A_98] : memref<100000xf32, #tpu.memory_space<vmem_shared>> -> memref<100000xf32, #tpu.memory_space<vmem_shared>>
      tpu.enqueue_indirect_dma source(%dma_start3A_99 : memref<100000xf32, #tpu.memory_space<vmem_shared>>) target(%arg48 : memref<1184xf32, #tpu.memory_space<vmem>>) offsets(%arg28 : memref<1184xi32, #tpu.memory_space<vmem>>) semaphore(%arg71 : memref<!tpu.dma_semaphore, #tpu.memory_space<semaphore_mem>>)
      %dma_start3A_100 = arith.constant 0 : i32
      %dma_start3A_101 = tpu.memref_slice %arg19[%dma_start3A_100] : memref<100000xf32, #tpu.memory_space<vmem_shared>> -> memref<100000xf32, #tpu.memory_space<vmem_shared>>
      tpu.enqueue_indirect_dma source(%dma_start3A_101 : memref<100000xf32, #tpu.memory_space<vmem_shared>>) target(%arg52 : memref<1184xf32, #tpu.memory_space<vmem>>) offsets(%arg28 : memref<1184xi32, #tpu.memory_space<vmem>>) semaphore(%arg71 : memref<!tpu.dma_semaphore, #tpu.memory_space<semaphore_mem>>)
      %dma_start3A_102 = arith.constant 0 : i32
      %dma_start3A_103 = tpu.memref_slice %arg20[%dma_start3A_102] : memref<100000xf32, #tpu.memory_space<vmem_shared>> -> memref<100000xf32, #tpu.memory_space<vmem_shared>>
      tpu.enqueue_indirect_dma source(%dma_start3A_103 : memref<100000xf32, #tpu.memory_space<vmem_shared>>) target(%arg56 : memref<1184xf32, #tpu.memory_space<vmem>>) offsets(%arg28 : memref<1184xi32, #tpu.memory_space<vmem>>) semaphore(%arg71 : memref<!tpu.dma_semaphore, #tpu.memory_space<semaphore_mem>>)
      %dma_start3A_104 = arith.constant 0 : i32
      %dma_start3A_105 = tpu.memref_slice %arg21[%dma_start3A_104] : memref<100000xf32, #tpu.memory_space<vmem_shared>> -> memref<100000xf32, #tpu.memory_space<vmem_shared>>
      tpu.enqueue_indirect_dma source(%dma_start3A_105 : memref<100000xf32, #tpu.memory_space<vmem_shared>>) target(%arg60 : memref<1184xf32, #tpu.memory_space<vmem>>) offsets(%arg28 : memref<1184xi32, #tpu.memory_space<vmem>>) semaphore(%arg71 : memref<!tpu.dma_semaphore, #tpu.memory_space<semaphore_mem>>)
      %dma_start3A_106 = arith.constant 0 : i32
      %dma_start3A_107 = tpu.memref_slice %arg18[%dma_start3A_106] : memref<100000xf32, #tpu.memory_space<vmem_shared>> -> memref<100000xf32, #tpu.memory_space<vmem_shared>>
      tpu.enqueue_indirect_dma source(%dma_start3A_107 : memref<100000xf32, #tpu.memory_space<vmem_shared>>) target(%arg49 : memref<1184xf32, #tpu.memory_space<vmem>>) offsets(%arg29 : memref<1184xi32, #tpu.memory_space<vmem>>) semaphore(%arg71 : memref<!tpu.dma_semaphore, #tpu.memory_space<semaphore_mem>>)
      %dma_start3A_108 = arith.constant 0 : i32
      %dma_start3A_109 = tpu.memref_slice %arg19[%dma_start3A_108] : memref<100000xf32, #tpu.memory_space<vmem_shared>> -> memref<100000xf32, #tpu.memory_space<vmem_shared>>
      tpu.enqueue_indirect_dma source(%dma_start3A_109 : memref<100000xf32, #tpu.memory_space<vmem_shared>>) target(%arg53 : memref<1184xf32, #tpu.memory_space<vmem>>) offsets(%arg29 : memref<1184xi32, #tpu.memory_space<vmem>>) semaphore(%arg71 : memref<!tpu.dma_semaphore, #tpu.memory_space<semaphore_mem>>)
      %dma_start3A_110 = arith.constant 0 : i32
      %dma_start3A_111 = tpu.memref_slice %arg20[%dma_start3A_110] : memref<100000xf32, #tpu.memory_space<vmem_shared>> -> memref<100000xf32, #tpu.memory_space<vmem_shared>>
      tpu.enqueue_indirect_dma source(%dma_start3A_111 : memref<100000xf32, #tpu.memory_space<vmem_shared>>) target(%arg57 : memref<1184xf32, #tpu.memory_space<vmem>>) offsets(%arg29 : memref<1184xi32, #tpu.memory_space<vmem>>) semaphore(%arg71 : memref<!tpu.dma_semaphore, #tpu.memory_space<semaphore_mem>>)
      %dma_start3A_112 = arith.constant 0 : i32
      %dma_start3A_113 = tpu.memref_slice %arg21[%dma_start3A_112] : memref<100000xf32, #tpu.memory_space<vmem_shared>> -> memref<100000xf32, #tpu.memory_space<vmem_shared>>
      tpu.enqueue_indirect_dma source(%dma_start3A_113 : memref<100000xf32, #tpu.memory_space<vmem_shared>>) target(%arg61 : memref<1184xf32, #tpu.memory_space<vmem>>) offsets(%arg29 : memref<1184xi32, #tpu.memory_space<vmem>>) semaphore(%arg71 : memref<!tpu.dma_semaphore, #tpu.memory_space<semaphore_mem>>)
      %dma_wait3A = arith.constant 0 : i32
      %dma_wait3A_114 = tpu.memref_slice %arg18[%dma_wait3A] : memref<100000xf32, #tpu.memory_space<vmem_shared>> -> memref<100000xf32, #tpu.memory_space<vmem_shared>>
      tpu.wait_indirect_dma semaphore(%arg70 : memref<!tpu.dma_semaphore, #tpu.memory_space<semaphore_mem>>) src(%dma_wait3A_114 : memref<100000xf32, #tpu.memory_space<vmem_shared>>) dst(%arg30 : memref<1184xf32, #tpu.memory_space<vmem>>)
      %dma_wait3A_115 = arith.constant 0 : i32
      %dma_wait3A_116 = tpu.memref_slice %arg19[%dma_wait3A_115] : memref<100000xf32, #tpu.memory_space<vmem_shared>> -> memref<100000xf32, #tpu.memory_space<vmem_shared>>
      tpu.wait_indirect_dma semaphore(%arg70 : memref<!tpu.dma_semaphore, #tpu.memory_space<semaphore_mem>>) src(%dma_wait3A_116 : memref<100000xf32, #tpu.memory_space<vmem_shared>>) dst(%arg34 : memref<1184xf32, #tpu.memory_space<vmem>>)
      %dma_wait3A_117 = arith.constant 0 : i32
      %dma_wait3A_118 = tpu.memref_slice %arg20[%dma_wait3A_117] : memref<100000xf32, #tpu.memory_space<vmem_shared>> -> memref<100000xf32, #tpu.memory_space<vmem_shared>>
      tpu.wait_indirect_dma semaphore(%arg70 : memref<!tpu.dma_semaphore, #tpu.memory_space<semaphore_mem>>) src(%dma_wait3A_118 : memref<100000xf32, #tpu.memory_space<vmem_shared>>) dst(%arg38 : memref<1184xf32, #tpu.memory_space<vmem>>)
      %dma_wait3A_119 = arith.constant 0 : i32
      %dma_wait3A_120 = tpu.memref_slice %arg21[%dma_wait3A_119] : memref<100000xf32, #tpu.memory_space<vmem_shared>> -> memref<100000xf32, #tpu.memory_space<vmem_shared>>
      tpu.wait_indirect_dma semaphore(%arg70 : memref<!tpu.dma_semaphore, #tpu.memory_space<semaphore_mem>>) src(%dma_wait3A_120 : memref<100000xf32, #tpu.memory_space<vmem_shared>>) dst(%arg42 : memref<1184xf32, #tpu.memory_space<vmem>>)
      %dma_wait3A_121 = arith.constant 0 : i32
      %dma_wait3A_122 = tpu.memref_slice %arg18[%dma_wait3A_121] : memref<100000xf32, #tpu.memory_space<vmem_shared>> -> memref<100000xf32, #tpu.memory_space<vmem_shared>>
      tpu.wait_indirect_dma semaphore(%arg70 : memref<!tpu.dma_semaphore, #tpu.memory_space<semaphore_mem>>) src(%dma_wait3A_122 : memref<100000xf32, #tpu.memory_space<vmem_shared>>) dst(%arg31 : memref<1184xf32, #tpu.memory_space<vmem>>)
      %dma_wait3A_123 = arith.constant 0 : i32
      %dma_wait3A_124 = tpu.memref_slice %arg19[%dma_wait3A_123] : memref<100000xf32, #tpu.memory_space<vmem_shared>> -> memref<100000xf32, #tpu.memory_space<vmem_shared>>
      tpu.wait_indirect_dma semaphore(%arg70 : memref<!tpu.dma_semaphore, #tpu.memory_space<semaphore_mem>>) src(%dma_wait3A_124 : memref<100000xf32, #tpu.memory_space<vmem_shared>>) dst(%arg35 : memref<1184xf32, #tpu.memory_space<vmem>>)
      %dma_wait3A_125 = arith.constant 0 : i32
      %dma_wait3A_126 = tpu.memref_slice %arg20[%dma_wait3A_125] : memref<100000xf32, #tpu.memory_space<vmem_shared>> -> memref<100000xf32, #tpu.memory_space<vmem_shared>>
      tpu.wait_indirect_dma semaphore(%arg70 : memref<!tpu.dma_semaphore, #tpu.memory_space<semaphore_mem>>) src(%dma_wait3A_126 : memref<100000xf32, #tpu.memory_space<vmem_shared>>) dst(%arg39 : memref<1184xf32, #tpu.memory_space<vmem>>)
      %dma_wait3A_127 = arith.constant 0 : i32
      %dma_wait3A_128 = tpu.memref_slice %arg21[%dma_wait3A_127] : memref<100000xf32, #tpu.memory_space<vmem_shared>> -> memref<100000xf32, #tpu.memory_space<vmem_shared>>
      tpu.wait_indirect_dma semaphore(%arg70 : memref<!tpu.dma_semaphore, #tpu.memory_space<semaphore_mem>>) src(%dma_wait3A_128 : memref<100000xf32, #tpu.memory_space<vmem_shared>>) dst(%arg43 : memref<1184xf32, #tpu.memory_space<vmem>>)
      %dma_wait3A_129 = arith.constant 0 : i32
      %dma_wait3A_130 = tpu.memref_slice %arg18[%dma_wait3A_129] : memref<100000xf32, #tpu.memory_space<vmem_shared>> -> memref<100000xf32, #tpu.memory_space<vmem_shared>>
      tpu.wait_indirect_dma semaphore(%arg70 : memref<!tpu.dma_semaphore, #tpu.memory_space<semaphore_mem>>) src(%dma_wait3A_130 : memref<100000xf32, #tpu.memory_space<vmem_shared>>) dst(%arg32 : memref<1184xf32, #tpu.memory_space<vmem>>)
      %dma_wait3A_131 = arith.constant 0 : i32
      %dma_wait3A_132 = tpu.memref_slice %arg19[%dma_wait3A_131] : memref<100000xf32, #tpu.memory_space<vmem_shared>> -> memref<100000xf32, #tpu.memory_space<vmem_shared>>
      tpu.wait_indirect_dma semaphore(%arg70 : memref<!tpu.dma_semaphore, #tpu.memory_space<semaphore_mem>>) src(%dma_wait3A_132 : memref<100000xf32, #tpu.memory_space<vmem_shared>>) dst(%arg36 : memref<1184xf32, #tpu.memory_space<vmem>>)
      %dma_wait3A_133 = arith.constant 0 : i32
      %dma_wait3A_134 = tpu.memref_slice %arg20[%dma_wait3A_133] : memref<100000xf32, #tpu.memory_space<vmem_shared>> -> memref<100000xf32, #tpu.memory_space<vmem_shared>>
      tpu.wait_indirect_dma semaphore(%arg70 : memref<!tpu.dma_semaphore, #tpu.memory_space<semaphore_mem>>) src(%dma_wait3A_134 : memref<100000xf32, #tpu.memory_space<vmem_shared>>) dst(%arg40 : memref<1184xf32, #tpu.memory_space<vmem>>)
      %dma_wait3A_135 = arith.constant 0 : i32
      %dma_wait3A_136 = tpu.memref_slice %arg21[%dma_wait3A_135] : memref<100000xf32, #tpu.memory_space<vmem_shared>> -> memref<100000xf32, #tpu.memory_space<vmem_shared>>
      tpu.wait_indirect_dma semaphore(%arg70 : memref<!tpu.dma_semaphore, #tpu.memory_space<semaphore_mem>>) src(%dma_wait3A_136 : memref<100000xf32, #tpu.memory_space<vmem_shared>>) dst(%arg44 : memref<1184xf32, #tpu.memory_space<vmem>>)
      %dma_wait3A_137 = arith.constant 0 : i32
      %dma_wait3A_138 = tpu.memref_slice %arg18[%dma_wait3A_137] : memref<100000xf32, #tpu.memory_space<vmem_shared>> -> memref<100000xf32, #tpu.memory_space<vmem_shared>>
      tpu.wait_indirect_dma semaphore(%arg70 : memref<!tpu.dma_semaphore, #tpu.memory_space<semaphore_mem>>) src(%dma_wait3A_138 : memref<100000xf32, #tpu.memory_space<vmem_shared>>) dst(%arg33 : memref<1184xf32, #tpu.memory_space<vmem>>)
      %dma_wait3A_139 = arith.constant 0 : i32
      %dma_wait3A_140 = tpu.memref_slice %arg19[%dma_wait3A_139] : memref<100000xf32, #tpu.memory_space<vmem_shared>> -> memref<100000xf32, #tpu.memory_space<vmem_shared>>
      tpu.wait_indirect_dma semaphore(%arg70 : memref<!tpu.dma_semaphore, #tpu.memory_space<semaphore_mem>>) src(%dma_wait3A_140 : memref<100000xf32, #tpu.memory_space<vmem_shared>>) dst(%arg37 : memref<1184xf32, #tpu.memory_space<vmem>>)
      %dma_wait3A_141 = arith.constant 0 : i32
      %dma_wait3A_142 = tpu.memref_slice %arg20[%dma_wait3A_141] : memref<100000xf32, #tpu.memory_space<vmem_shared>> -> memref<100000xf32, #tpu.memory_space<vmem_shared>>
      tpu.wait_indirect_dma semaphore(%arg70 : memref<!tpu.dma_semaphore, #tpu.memory_space<semaphore_mem>>) src(%dma_wait3A_142 : memref<100000xf32, #tpu.memory_space<vmem_shared>>) dst(%arg41 : memref<1184xf32, #tpu.memory_space<vmem>>)
      %dma_wait3A_143 = arith.constant 0 : i32
      %dma_wait3A_144 = tpu.memref_slice %arg21[%dma_wait3A_143] : memref<100000xf32, #tpu.memory_space<vmem_shared>> -> memref<100000xf32, #tpu.memory_space<vmem_shared>>
      tpu.wait_indirect_dma semaphore(%arg70 : memref<!tpu.dma_semaphore, #tpu.memory_space<semaphore_mem>>) src(%dma_wait3A_144 : memref<100000xf32, #tpu.memory_space<vmem_shared>>) dst(%arg45 : memref<1184xf32, #tpu.memory_space<vmem>>)
      %mul3A_145 = arith.constant 2 : i32
      %mul3A_146 = arith.muli %mul3A_145, %scan3A_71 : i32
      %mul3A_147 = arith.constant 1184 : i32
      %mul3A_148 = arith.muli %mul3A_146, %mul3A_147 : i32
      %add3A_149 = arith.addi %mul3A_6, %mul3A_148 : i32
      %sub3A_150 = arith.constant 1184 : i32
      %sub3A_151 = arith.subi %add3A_13, %sub3A_150 : i32
      %min3A_152 = arith.minsi %add3A_149, %sub3A_151 : i32
      %scan3A_153 = arith.constant 0 : i32
      %scan3A_154 = arith.constant 0 : i32
      %scan3A_155 = arith.constant 74 : i32
      %scan3A_156 = arith.addi %scan3A_154, %scan3A_155 : i32
      %scan3A_157 = arith.constant 1 : i32
      scf.for %scan3A_240 = %scan3A_154 to %scan3A_156 step %scan3A_157  : i32 {
        %mul3A_241 = arith.constant 16 : i32
        %mul3A_242 = arith.muli %scan3A_240, %mul3A_241 : i32
        %mul3A_243 = arith.constant 16 : i32
        %mul3A_244 = arith.muli %scan3A_240, %mul3A_243 : i32
        %add3A_245 = vector.broadcast %mul3A_244 : i32 to vector<16xi32>
        %add3A_246 = arith.addi %add3A_245, %iota3A : vector<16xi32>
        %get3A = arith.index_cast %mul3A_242 : i32 to index
        %get3A_247 = tpu.vector_load %arg30[%get3A] {strides = array<i32>} : memref<1184xf32, #tpu.memory_space<vmem>>, vector<16xf32>,
        %get3A_248 = arith.index_cast %mul3A_242 : i32 to index
        %get3A_249 = tpu.vector_load %arg31[%get3A_248] {strides = array<i32>} : memref<1184xf32, #tpu.memory_space<vmem>>, vector<16xf32>,
        %get3A_250 = arith.index_cast %mul3A_242 : i32 to index
        %get3A_251 = tpu.vector_load %arg32[%get3A_250] {strides = array<i32>} : memref<1184xf32, #tpu.memory_space<vmem>>, vector<16xf32>,
        %get3A_252 = arith.index_cast %mul3A_242 : i32 to index
        %get3A_253 = tpu.vector_load %arg33[%get3A_252] {strides = array<i32>} : memref<1184xf32, #tpu.memory_space<vmem>>, vector<16xf32>,
        %get3A_254 = arith.index_cast %mul3A_242 : i32 to index
        %get3A_255 = tpu.vector_load %arg34[%get3A_254] {strides = array<i32>} : memref<1184xf32, #tpu.memory_space<vmem>>, vector<16xf32>,
        %get3A_256 = arith.index_cast %mul3A_242 : i32 to index
        %get3A_257 = tpu.vector_load %arg35[%get3A_256] {strides = array<i32>} : memref<1184xf32, #tpu.memory_space<vmem>>, vector<16xf32>,
        %get3A_258 = arith.index_cast %mul3A_242 : i32 to index
        %get3A_259 = tpu.vector_load %arg36[%get3A_258] {strides = array<i32>} : memref<1184xf32, #tpu.memory_space<vmem>>, vector<16xf32>,
        %get3A_260 = arith.index_cast %mul3A_242 : i32 to index
        %get3A_261 = tpu.vector_load %arg37[%get3A_260] {strides = array<i32>} : memref<1184xf32, #tpu.memory_space<vmem>>, vector<16xf32>,
        %get3A_262 = arith.index_cast %mul3A_242 : i32 to index
        %get3A_263 = tpu.vector_load %arg38[%get3A_262] {strides = array<i32>} : memref<1184xf32, #tpu.memory_space<vmem>>, vector<16xf32>,
        %get3A_264 = arith.index_cast %mul3A_242 : i32 to index
        %get3A_265 = tpu.vector_load %arg39[%get3A_264] {strides = array<i32>} : memref<1184xf32, #tpu.memory_space<vmem>>, vector<16xf32>,
        %get3A_266 = arith.index_cast %mul3A_242 : i32 to index
        %get3A_267 = tpu.vector_load %arg40[%get3A_266] {strides = array<i32>} : memref<1184xf32, #tpu.memory_space<vmem>>, vector<16xf32>,
        %get3A_268 = arith.index_cast %mul3A_242 : i32 to index
        %get3A_269 = tpu.vector_load %arg41[%get3A_268] {strides = array<i32>} : memref<1184xf32, #tpu.memory_space<vmem>>, vector<16xf32>,
        %get3A_270 = arith.index_cast %mul3A_242 : i32 to index
        %get3A_271 = tpu.vector_load %arg42[%get3A_270] {strides = array<i32>} : memref<1184xf32, #tpu.memory_space<vmem>>, vector<16xf32>,
        %get3A_272 = arith.index_cast %mul3A_242 : i32 to index
        %get3A_273 = tpu.vector_load %arg43[%get3A_272] {strides = array<i32>} : memref<1184xf32, #tpu.memory_space<vmem>>, vector<16xf32>,
        %get3A_274 = arith.index_cast %mul3A_242 : i32 to index
        %get3A_275 = tpu.vector_load %arg44[%get3A_274] {strides = array<i32>} : memref<1184xf32, #tpu.memory_space<vmem>>, vector<16xf32>,
        %get3A_276 = arith.index_cast %mul3A_242 : i32 to index
        %get3A_277 = tpu.vector_load %arg45[%get3A_276] {strides = array<i32>} : memref<1184xf32, #tpu.memory_space<vmem>>, vector<16xf32>,
        %gt3A = arith.constant 0.000000e+00 : f32
        %gt3A_278 = vector.broadcast %gt3A : f32 to vector<16xf32>
        %gt3A_279 = arith.cmpf ogt, %get3A_271, %gt3A_278 : vector<16xf32>
        %convert_element_type3A_280 = arith.extui %gt3A_279 : vector<16xi1> to vector<16xi32>
        %gt3A_281 = arith.constant 0.000000e+00 : f32
        %gt3A_282 = vector.broadcast %gt3A_281 : f32 to vector<16xf32>
        %gt3A_283 = arith.cmpf ogt, %get3A_273, %gt3A_282 : vector<16xf32>
        %convert_element_type3A_284 = arith.extui %gt3A_283 : vector<16xi1> to vector<16xi32>
        %mul3A_285 = arith.constant 2 : i32
        %mul3A_286 = vector.broadcast %mul3A_285 : i32 to vector<16xi32>
        %mul3A_287 = arith.muli %mul3A_286, %convert_element_type3A_284 : vector<16xi32>
        %add3A_288 = arith.addi %convert_element_type3A_280, %mul3A_287 : vector<16xi32>
        %gt3A_289 = arith.constant 0.000000e+00 : f32
        %gt3A_290 = vector.broadcast %gt3A_289 : f32 to vector<16xf32>
        %gt3A_291 = arith.cmpf ogt, %get3A_275, %gt3A_290 : vector<16xf32>
        %convert_element_type3A_292 = arith.extui %gt3A_291 : vector<16xi1> to vector<16xi32>
        %mul3A_293 = arith.constant 4 : i32
        %mul3A_294 = vector.broadcast %mul3A_293 : i32 to vector<16xi32>
        %mul3A_295 = arith.muli %mul3A_294, %convert_element_type3A_292 : vector<16xi32>
        %add3A_296 = arith.addi %add3A_288, %mul3A_295 : vector<16xi32>
        %gt3A_297 = arith.constant 0.000000e+00 : f32
        %gt3A_298 = vector.broadcast %gt3A_297 : f32 to vector<16xf32>
        %gt3A_299 = arith.cmpf ogt, %get3A_277, %gt3A_298 : vector<16xf32>
        %convert_element_type3A_300 = arith.extui %gt3A_299 : vector<16xi1> to vector<16xi32>
        %mul3A_301 = arith.constant 8 : i32
        %mul3A_302 = vector.broadcast %mul3A_301 : i32 to vector<16xi32>
        %mul3A_303 = arith.muli %mul3A_302, %convert_element_type3A_300 : vector<16xi32>
        %add3A_304 = arith.addi %add3A_296, %mul3A_303 : vector<16xi32>
        %mul3A_305 = arith.constant 6 : i32
        %mul3A_306 = vector.broadcast %mul3A_305 : i32 to vector<16xi32>
        %mul3A_307 = arith.muli %add3A_304, %mul3A_306 : vector<16xi32>
        %add3A_308 = vector.broadcast %min3A_152 : i32 to vector<16xi32>
        %add3A_309 = arith.addi %add3A_308, %add3A_246 : vector<16xi32>
        %mul3A_310 = arith.constant 6 : i32
        %mul3A_311 = vector.broadcast %mul3A_310 : i32 to vector<16xi32>
        %mul3A_312 = arith.muli %add3A_309, %mul3A_311 : vector<16xi32>
        %add3A_313 = arith.constant 0 : i32
        %add3A_314 = vector.broadcast %add3A_313 : i32 to vector<16xi32>
        %add3A_315 = arith.addi %mul3A_307, %add3A_314 : vector<16xi32>
        %gather3A = tpu.vector_load_idx %arg62[%add3A_315] : memref<96xi32, #tpu.memory_space<vmem>>[vector<16xi32>], vector<16xi32>,
        %ge3A = arith.constant 0 : i32
        %ge3A_316 = vector.broadcast %ge3A : i32 to vector<16xi32>
        %ge3A_317 = arith.cmpi sge, %gather3A, %ge3A_316 : vector<16xi32>
        %jit3A_318 = arith.constant 0 : i32
        %broadcast_in_dim3A = vector.broadcast %jit3A_318 : i32 to vector<16xi32>
        %select_n3A_319 = arith.select %ge3A_317, %gather3A, %broadcast_in_dim3A : vector<16xi1>, vector<16xi32>
        %add3A_320 = arith.addi %mul3A_312, %select_n3A_319 : vector<16xi32>
        %mul3A_321 = arith.constant 2 : i32
        %mul3A_322 = vector.broadcast %mul3A_321 : i32 to vector<16xi32>
        %mul3A_323 = arith.muli %mul3A_322, %add3A_246 : vector<16xi32>
        %add3A_324 = arith.constant 0 : i32
        %add3A_325 = vector.broadcast %add3A_324 : i32 to vector<16xi32>
        %add3A_326 = arith.addi %mul3A_323, %add3A_325 : vector<16xi32>
        tpu.vector_store_idx %arg66[%add3A_326], %add3A_320 : memref<2368xi32, #tpu.memory_space<vmem>>[vector<16xi32>], vector<16xi32>,
        %add3A_327 = arith.constant 1 : i32
        %add3A_328 = vector.broadcast %add3A_327 : i32 to vector<16xi32>
        %add3A_329 = arith.addi %mul3A_307, %add3A_328 : vector<16xi32>
        %gather3A_330 = tpu.vector_load_idx %arg62[%add3A_329] : memref<96xi32, #tpu.memory_space<vmem>>[vector<16xi32>], vector<16xi32>,
        %ge3A_331 = arith.constant 0 : i32
        %ge3A_332 = vector.broadcast %ge3A_331 : i32 to vector<16xi32>
        %ge3A_333 = arith.cmpi sge, %gather3A_330, %ge3A_332 : vector<16xi32>
        %jit3A_334 = arith.constant 0 : i32
        %broadcast_in_dim3A_335 = vector.broadcast %jit3A_334 : i32 to vector<16xi32>
        %select_n3A_336 = arith.select %ge3A_333, %gather3A_330, %broadcast_in_dim3A_335 : vector<16xi1>, vector<16xi32>
        %add3A_337 = arith.addi %mul3A_312, %select_n3A_336 : vector<16xi32>
        %mul3A_338 = arith.constant 2 : i32
        %mul3A_339 = vector.broadcast %mul3A_338 : i32 to vector<16xi32>
        %mul3A_340 = arith.muli %mul3A_339, %add3A_246 : vector<16xi32>
        %add3A_341 = arith.constant 0 : i32
        %add3A_342 = vector.broadcast %add3A_341 : i32 to vector<16xi32>
        %add3A_343 = arith.addi %mul3A_340, %add3A_342 : vector<16xi32>
        tpu.vector_store_idx %arg67[%add3A_343], %add3A_337 : memref<2368xi32, #tpu.memory_space<vmem>>[vector<16xi32>], vector<16xi32>,
        %add3A_344 = arith.constant 2 : i32
        %add3A_345 = vector.broadcast %add3A_344 : i32 to vector<16xi32>
        %add3A_346 = arith.addi %mul3A_307, %add3A_345 : vector<16xi32>
        %gather3A_347 = tpu.vector_load_idx %arg62[%add3A_346] : memref<96xi32, #tpu.memory_space<vmem>>[vector<16xi32>], vector<16xi32>,
        %ge3A_348 = arith.constant 0 : i32
        %ge3A_349 = vector.broadcast %ge3A_348 : i32 to vector<16xi32>
        %ge3A_350 = arith.cmpi sge, %gather3A_347, %ge3A_349 : vector<16xi32>
        %jit3A_351 = arith.constant 0 : i32
        %broadcast_in_dim3A_352 = vector.broadcast %jit3A_351 : i32 to vector<16xi32>
        %select_n3A_353 = arith.select %ge3A_350, %gather3A_347, %broadcast_in_dim3A_352 : vector<16xi1>, vector<16xi32>
        %add3A_354 = arith.addi %mul3A_312, %select_n3A_353 : vector<16xi32>
        %mul3A_355 = arith.constant 2 : i32
        %mul3A_356 = vector.broadcast %mul3A_355 : i32 to vector<16xi32>
        %mul3A_357 = arith.muli %mul3A_356, %add3A_246 : vector<16xi32>
        %add3A_358 = arith.constant 0 : i32
        %add3A_359 = vector.broadcast %add3A_358 : i32 to vector<16xi32>
        %add3A_360 = arith.addi %mul3A_357, %add3A_359 : vector<16xi32>
        tpu.vector_store_idx %arg68[%add3A_360], %add3A_354 : memref<2368xi32, #tpu.memory_space<vmem>>[vector<16xi32>], vector<16xi32>,
        %add3A_361 = arith.constant 3 : i32
        %add3A_362 = vector.broadcast %add3A_361 : i32 to vector<16xi32>
        %add3A_363 = arith.addi %mul3A_307, %add3A_362 : vector<16xi32>
        %gather3A_364 = tpu.vector_load_idx %arg62[%add3A_363] : memref<96xi32, #tpu.memory_space<vmem>>[vector<16xi32>], vector<16xi32>,
        %ge3A_365 = arith.constant 0 : i32
        %ge3A_366 = vector.broadcast %ge3A_365 : i32 to vector<16xi32>
        %ge3A_367 = arith.cmpi sge, %gather3A_364, %ge3A_366 : vector<16xi32>
        %jit3A_368 = arith.constant 0 : i32
        %broadcast_in_dim3A_369 = vector.broadcast %jit3A_368 : i32 to vector<16xi32>
        %select_n3A_370 = arith.select %ge3A_367, %gather3A_364, %broadcast_in_dim3A_369 : vector<16xi1>, vector<16xi32>
        %add3A_371 = arith.addi %mul3A_312, %select_n3A_370 : vector<16xi32>
        %mul3A_372 = arith.constant 2 : i32
        %mul3A_373 = vector.broadcast %mul3A_372 : i32 to vector<16xi32>
        %mul3A_374 = arith.muli %mul3A_373, %add3A_246 : vector<16xi32>
        %add3A_375 = arith.constant 1 : i32
        %add3A_376 = vector.broadcast %add3A_375 : i32 to vector<16xi32>
        %add3A_377 = arith.addi %mul3A_374, %add3A_376 : vector<16xi32>
        tpu.vector_store_idx %arg66[%add3A_377], %add3A_371 : memref<2368xi32, #tpu.memory_space<vmem>>[vector<16xi32>], vector<16xi32>,
        %add3A_378 = arith.constant 4 : i32
        %add3A_379 = vector.broadcast %add3A_378 : i32 to vector<16xi32>
        %add3A_380 = arith.addi %mul3A_307, %add3A_379 : vector<16xi32>
        %gather3A_381 = tpu.vector_load_idx %arg62[%add3A_380] : memref<96xi32, #tpu.memory_space<vmem>>[vector<16xi32>], vector<16xi32>,
        %ge3A_382 = arith.constant 0 : i32
        %ge3A_383 = vector.broadcast %ge3A_382 : i32 to vector<16xi32>
        %ge3A_384 = arith.cmpi sge, %gather3A_381, %ge3A_383 : vector<16xi32>
        %jit3A_385 = arith.constant 0 : i32
        %broadcast_in_dim3A_386 = vector.broadcast %jit3A_385 : i32 to vector<16xi32>
        %select_n3A_387 = arith.select %ge3A_384, %gather3A_381, %broadcast_in_dim3A_386 : vector<16xi1>, vector<16xi32>
        %add3A_388 = arith.addi %mul3A_312, %select_n3A_387 : vector<16xi32>
        %mul3A_389 = arith.constant 2 : i32
        %mul3A_390 = vector.broadcast %mul3A_389 : i32 to vector<16xi32>
        %mul3A_391 = arith.muli %mul3A_390, %add3A_246 : vector<16xi32>
        %add3A_392 = arith.constant 1 : i32
        %add3A_393 = vector.broadcast %add3A_392 : i32 to vector<16xi32>
        %add3A_394 = arith.addi %mul3A_391, %add3A_393 : vector<16xi32>
        tpu.vector_store_idx %arg67[%add3A_394], %add3A_388 : memref<2368xi32, #tpu.memory_space<vmem>>[vector<16xi32>], vector<16xi32>,
        %add3A_395 = arith.constant 5 : i32
        %add3A_396 = vector.broadcast %add3A_395 : i32 to vector<16xi32>
        %add3A_397 = arith.addi %mul3A_307, %add3A_396 : vector<16xi32>
        %gather3A_398 = tpu.vector_load_idx %arg62[%add3A_397] : memref<96xi32, #tpu.memory_space<vmem>>[vector<16xi32>], vector<16xi32>,
        %ge3A_399 = arith.constant 0 : i32
        %ge3A_400 = vector.broadcast %ge3A_399 : i32 to vector<16xi32>
        %ge3A_401 = arith.cmpi sge, %gather3A_398, %ge3A_400 : vector<16xi32>
        %jit3A_402 = arith.constant 0 : i32
        %broadcast_in_dim3A_403 = vector.broadcast %jit3A_402 : i32 to vector<16xi32>
        %select_n3A_404 = arith.select %ge3A_401, %gather3A_398, %broadcast_in_dim3A_403 : vector<16xi1>, vector<16xi32>
        %add3A_405 = arith.addi %mul3A_312, %select_n3A_404 : vector<16xi32>
        %mul3A_406 = arith.constant 2 : i32
        %mul3A_407 = vector.broadcast %mul3A_406 : i32 to vector<16xi32>
        %mul3A_408 = arith.muli %mul3A_407, %add3A_246 : vector<16xi32>
        %add3A_409 = arith.constant 1 : i32
        %add3A_410 = vector.broadcast %add3A_409 : i32 to vector<16xi32>
        %add3A_411 = arith.addi %mul3A_408, %add3A_410 : vector<16xi32>
        tpu.vector_store_idx %arg68[%add3A_411], %add3A_405 : memref<2368xi32, #tpu.memory_space<vmem>>[vector<16xi32>], vector<16xi32>,
        %and3A = arith.andi %ge3A_317, %ge3A_333 : vector<16xi1>
        %and3A_412 = arith.andi %and3A, %ge3A_350 : vector<16xi1>
        %mul3A_413 = arith.constant 2 : i32
        %mul3A_414 = vector.broadcast %mul3A_413 : i32 to vector<16xi32>
        %mul3A_415 = arith.muli %mul3A_414, %add3A_246 : vector<16xi32>
        %add3A_416 = arith.constant 0 : i32
        %add3A_417 = vector.broadcast %add3A_416 : i32 to vector<16xi32>
        %add3A_418 = arith.addi %mul3A_415, %add3A_417 : vector<16xi32>
        %convert_element_type3A_419 = arith.extui %and3A_412 : vector<16xi1> to vector<16xi32>
        tpu.vector_store_idx %arg69[%add3A_418], %convert_element_type3A_419 : memref<2368xi32, #tpu.memory_space<vmem>>[vector<16xi32>], vector<16xi32>,
        %and3A_420 = arith.andi %ge3A_367, %ge3A_384 : vector<16xi1>
        %and3A_421 = arith.andi %and3A_420, %ge3A_401 : vector<16xi1>
        %mul3A_422 = arith.constant 2 : i32
        %mul3A_423 = vector.broadcast %mul3A_422 : i32 to vector<16xi32>
        %mul3A_424 = arith.muli %mul3A_423, %add3A_246 : vector<16xi32>
        %add3A_425 = arith.constant 1 : i32
        %add3A_426 = vector.broadcast %add3A_425 : i32 to vector<16xi32>
        %add3A_427 = arith.addi %mul3A_424, %add3A_426 : vector<16xi32>
        %convert_element_type3A_428 = arith.extui %and3A_421 : vector<16xi1> to vector<16xi32>
        tpu.vector_store_idx %arg69[%add3A_427], %convert_element_type3A_428 : memref<2368xi32, #tpu.memory_space<vmem>>[vector<16xi32>], vector<16xi32>,
        %mul3A_429 = arith.constant 6 : i32
        %mul3A_430 = vector.broadcast %mul3A_429 : i32 to vector<16xi32>
        %mul3A_431 = arith.muli %add3A_246, %mul3A_430 : vector<16xi32>
        %sub3A_432 = arith.subf %get3A_273, %get3A_271 : vector<16xf32>
        %abs3A = math.absf %sub3A_432 : vector<16xf32>
        %lt3A_433 = arith.constant 1.000000e-10 : f32
        %lt3A_434 = vector.broadcast %lt3A_433 : f32 to vector<16xf32>
        %lt3A_435 = arith.cmpf olt, %abs3A, %lt3A_434 : vector<16xf32>
        %jit3A_436 = arith.constant 1.000000e+00 : f32
        %broadcast_in_dim3A_437 = vector.broadcast %jit3A_436 : f32 to vector<16xf32>
        %select_n3A_438 = arith.select %lt3A_435, %broadcast_in_dim3A_437, %sub3A_432 : vector<16xi1>, vector<16xf32>
        %div3A = arith.divf %get3A_273, %select_n3A_438 : vector<16xf32>
        %jit3A_439 = arith.constant 5.000000e-01 : f32
        %broadcast_in_dim3A_440 = vector.broadcast %jit3A_439 : f32 to vector<16xf32>
        %select_n3A_441 = arith.select %lt3A_435, %broadcast_in_dim3A_440, %div3A : vector<16xi1>, vector<16xf32>
        %sub3A_442 = arith.constant 1.000000e+00 : f32
        %sub3A_443 = vector.broadcast %sub3A_442 : f32 to vector<16xf32>
        %sub3A_444 = arith.subf %sub3A_443, %select_n3A_441 : vector<16xf32>
        %add3A_445 = arith.constant 0 : i32
        %add3A_446 = vector.broadcast %add3A_445 : i32 to vector<16xi32>
        %add3A_447 = arith.addi %mul3A_431, %add3A_446 : vector<16xi32>
        %mul3A_448 = arith.mulf %get3A_247, %select_n3A_441 : vector<16xf32>
        %mul3A_449 = arith.mulf %get3A_249, %sub3A_444 : vector<16xf32>
        %add3A_450 = arith.addf %mul3A_448, %mul3A_449 : vector<16xf32>
        tpu.vector_store_idx %arg63[%add3A_447], %add3A_450 : memref<7104xf32, #tpu.memory_space<vmem>>[vector<16xi32>], vector<16xf32>,
        %add3A_451 = arith.constant 0 : i32
        %add3A_452 = vector.broadcast %add3A_451 : i32 to vector<16xi32>
        %add3A_453 = arith.addi %mul3A_431, %add3A_452 : vector<16xi32>
        %mul3A_454 = arith.mulf %get3A_255, %select_n3A_441 : vector<16xf32>
        %mul3A_455 = arith.mulf %get3A_257, %sub3A_444 : vector<16xf32>
        %add3A_456 = arith.addf %mul3A_454, %mul3A_455 : vector<16xf32>
        tpu.vector_store_idx %arg64[%add3A_453], %add3A_456 : memref<7104xf32, #tpu.memory_space<vmem>>[vector<16xi32>], vector<16xf32>,
        %add3A_457 = arith.constant 0 : i32
        %add3A_458 = vector.broadcast %add3A_457 : i32 to vector<16xi32>
        %add3A_459 = arith.addi %mul3A_431, %add3A_458 : vector<16xi32>
        %mul3A_460 = arith.mulf %get3A_263, %select_n3A_441 : vector<16xf32>
        %mul3A_461 = arith.mulf %get3A_265, %sub3A_444 : vector<16xf32>
        %add3A_462 = arith.addf %mul3A_460, %mul3A_461 : vector<16xf32>
        tpu.vector_store_idx %arg65[%add3A_459], %add3A_462 : memref<7104xf32, #tpu.memory_space<vmem>>[vector<16xi32>], vector<16xf32>,
        %sub3A_463 = arith.subf %get3A_275, %get3A_271 : vector<16xf32>
        %abs3A_464 = math.absf %sub3A_463 : vector<16xf32>
        %lt3A_465 = arith.constant 1.000000e-10 : f32
        %lt3A_466 = vector.broadcast %lt3A_465 : f32 to vector<16xf32>
        %lt3A_467 = arith.cmpf olt, %abs3A_464, %lt3A_466 : vector<16xf32>
        %jit3A_468 = arith.constant 1.000000e+00 : f32
        %broadcast_in_dim3A_469 = vector.broadcast %jit3A_468 : f32 to vector<16xf32>
        %select_n3A_470 = arith.select %lt3A_467, %broadcast_in_dim3A_469, %sub3A_463 : vector<16xi1>, vector<16xf32>
        %div3A_471 = arith.divf %get3A_275, %select_n3A_470 : vector<16xf32>
        %jit3A_472 = arith.constant 5.000000e-01 : f32
        %broadcast_in_dim3A_473 = vector.broadcast %jit3A_472 : f32 to vector<16xf32>
        %select_n3A_474 = arith.select %lt3A_467, %broadcast_in_dim3A_473, %div3A_471 : vector<16xi1>, vector<16xf32>
        %sub3A_475 = arith.constant 1.000000e+00 : f32
        %sub3A_476 = vector.broadcast %sub3A_475 : f32 to vector<16xf32>
        %sub3A_477 = arith.subf %sub3A_476, %select_n3A_474 : vector<16xf32>
        %add3A_478 = arith.constant 1 : i32
        %add3A_479 = vector.broadcast %add3A_478 : i32 to vector<16xi32>
        %add3A_480 = arith.addi %mul3A_431, %add3A_479 : vector<16xi32>
        %mul3A_481 = arith.mulf %get3A_247, %select_n3A_474 : vector<16xf32>
        %mul3A_482 = arith.mulf %get3A_251, %sub3A_477 : vector<16xf32>
        %add3A_483 = arith.addf %mul3A_481, %mul3A_482 : vector<16xf32>
        tpu.vector_store_idx %arg63[%add3A_480], %add3A_483 : memref<7104xf32, #tpu.memory_space<vmem>>[vector<16xi32>], vector<16xf32>,
        %add3A_484 = arith.constant 1 : i32
        %add3A_485 = vector.broadcast %add3A_484 : i32 to vector<16xi32>
        %add3A_486 = arith.addi %mul3A_431, %add3A_485 : vector<16xi32>
        %mul3A_487 = arith.mulf %get3A_255, %select_n3A_474 : vector<16xf32>
        %mul3A_488 = arith.mulf %get3A_259, %sub3A_477 : vector<16xf32>
        %add3A_489 = arith.addf %mul3A_487, %mul3A_488 : vector<16xf32>
        tpu.vector_store_idx %arg64[%add3A_486], %add3A_489 : memref<7104xf32, #tpu.memory_space<vmem>>[vector<16xi32>], vector<16xf32>,
        %add3A_490 = arith.constant 1 : i32
        %add3A_491 = vector.broadcast %add3A_490 : i32 to vector<16xi32>
        %add3A_492 = arith.addi %mul3A_431, %add3A_491 : vector<16xi32>
        %mul3A_493 = arith.mulf %get3A_263, %select_n3A_474 : vector<16xf32>
        %mul3A_494 = arith.mulf %get3A_267, %sub3A_477 : vector<16xf32>
        %add3A_495 = arith.addf %mul3A_493, %mul3A_494 : vector<16xf32>
        tpu.vector_store_idx %arg65[%add3A_492], %add3A_495 : memref<7104xf32, #tpu.memory_space<vmem>>[vector<16xi32>], vector<16xf32>,
        %sub3A_496 = arith.subf %get3A_277, %get3A_271 : vector<16xf32>
        %abs3A_497 = math.absf %sub3A_496 : vector<16xf32>
        %lt3A_498 = arith.constant 1.000000e-10 : f32
        %lt3A_499 = vector.broadcast %lt3A_498 : f32 to vector<16xf32>
        %lt3A_500 = arith.cmpf olt, %abs3A_497, %lt3A_499 : vector<16xf32>
        %jit3A_501 = arith.constant 1.000000e+00 : f32
        %broadcast_in_dim3A_502 = vector.broadcast %jit3A_501 : f32 to vector<16xf32>
        %select_n3A_503 = arith.select %lt3A_500, %broadcast_in_dim3A_502, %sub3A_496 : vector<16xi1>, vector<16xf32>
        %div3A_504 = arith.divf %get3A_277, %select_n3A_503 : vector<16xf32>
        %jit3A_505 = arith.constant 5.000000e-01 : f32
        %broadcast_in_dim3A_506 = vector.broadcast %jit3A_505 : f32 to vector<16xf32>
        %select_n3A_507 = arith.select %lt3A_500, %broadcast_in_dim3A_506, %div3A_504 : vector<16xi1>, vector<16xf32>
        %sub3A_508 = arith.constant 1.000000e+00 : f32
        %sub3A_509 = vector.broadcast %sub3A_508 : f32 to vector<16xf32>
        %sub3A_510 = arith.subf %sub3A_509, %select_n3A_507 : vector<16xf32>
        %add3A_511 = arith.constant 2 : i32
        %add3A_512 = vector.broadcast %add3A_511 : i32 to vector<16xi32>
        %add3A_513 = arith.addi %mul3A_431, %add3A_512 : vector<16xi32>
        %mul3A_514 = arith.mulf %get3A_247, %select_n3A_507 : vector<16xf32>
        %mul3A_515 = arith.mulf %get3A_253, %sub3A_510 : vector<16xf32>
        %add3A_516 = arith.addf %mul3A_514, %mul3A_515 : vector<16xf32>
        tpu.vector_store_idx %arg63[%add3A_513], %add3A_516 : memref<7104xf32, #tpu.memory_space<vmem>>[vector<16xi32>], vector<16xf32>,
        %add3A_517 = arith.constant 2 : i32
        %add3A_518 = vector.broadcast %add3A_517 : i32 to vector<16xi32>
        %add3A_519 = arith.addi %mul3A_431, %add3A_518 : vector<16xi32>
        %mul3A_520 = arith.mulf %get3A_255, %select_n3A_507 : vector<16xf32>
        %mul3A_521 = arith.mulf %get3A_261, %sub3A_510 : vector<16xf32>
        %add3A_522 = arith.addf %mul3A_520, %mul3A_521 : vector<16xf32>
        tpu.vector_store_idx %arg64[%add3A_519], %add3A_522 : memref<7104xf32, #tpu.memory_space<vmem>>[vector<16xi32>], vector<16xf32>,
        %add3A_523 = arith.constant 2 : i32
        %add3A_524 = vector.broadcast %add3A_523 : i32 to vector<16xi32>
        %add3A_525 = arith.addi %mul3A_431, %add3A_524 : vector<16xi32>
        %mul3A_526 = arith.mulf %get3A_263, %select_n3A_507 : vector<16xf32>
        %mul3A_527 = arith.mulf %get3A_269, %sub3A_510 : vector<16xf32>
        %add3A_528 = arith.addf %mul3A_526, %mul3A_527 : vector<16xf32>
        tpu.vector_store_idx %arg65[%add3A_525], %add3A_528 : memref<7104xf32, #tpu.memory_space<vmem>>[vector<16xi32>], vector<16xf32>,
        %sub3A_529 = arith.subf %get3A_275, %get3A_273 : vector<16xf32>
        %abs3A_530 = math.absf %sub3A_529 : vector<16xf32>
        %lt3A_531 = arith.constant 1.000000e-10 : f32
        %lt3A_532 = vector.broadcast %lt3A_531 : f32 to vector<16xf32>
        %lt3A_533 = arith.cmpf olt, %abs3A_530, %lt3A_532 : vector<16xf32>
        %jit3A_534 = arith.constant 1.000000e+00 : f32
        %broadcast_in_dim3A_535 = vector.broadcast %jit3A_534 : f32 to vector<16xf32>
        %select_n3A_536 = arith.select %lt3A_533, %broadcast_in_dim3A_535, %sub3A_529 : vector<16xi1>, vector<16xf32>
        %div3A_537 = arith.divf %get3A_275, %select_n3A_536 : vector<16xf32>
        %jit3A_538 = arith.constant 5.000000e-01 : f32
        %broadcast_in_dim3A_539 = vector.broadcast %jit3A_538 : f32 to vector<16xf32>
        %select_n3A_540 = arith.select %lt3A_533, %broadcast_in_dim3A_539, %div3A_537 : vector<16xi1>, vector<16xf32>
        %sub3A_541 = arith.constant 1.000000e+00 : f32
        %sub3A_542 = vector.broadcast %sub3A_541 : f32 to vector<16xf32>
        %sub3A_543 = arith.subf %sub3A_542, %select_n3A_540 : vector<16xf32>
        %add3A_544 = arith.constant 3 : i32
        %add3A_545 = vector.broadcast %add3A_544 : i32 to vector<16xi32>
        %add3A_546 = arith.addi %mul3A_431, %add3A_545 : vector<16xi32>
        %mul3A_547 = arith.mulf %get3A_249, %select_n3A_540 : vector<16xf32>
        %mul3A_548 = arith.mulf %get3A_251, %sub3A_543 : vector<16xf32>
        %add3A_549 = arith.addf %mul3A_547, %mul3A_548 : vector<16xf32>
        tpu.vector_store_idx %arg63[%add3A_546], %add3A_549 : memref<7104xf32, #tpu.memory_space<vmem>>[vector<16xi32>], vector<16xf32>,
        %add3A_550 = arith.constant 3 : i32
        %add3A_551 = vector.broadcast %add3A_550 : i32 to vector<16xi32>
        %add3A_552 = arith.addi %mul3A_431, %add3A_551 : vector<16xi32>
        %mul3A_553 = arith.mulf %get3A_257, %select_n3A_540 : vector<16xf32>
        %mul3A_554 = arith.mulf %get3A_259, %sub3A_543 : vector<16xf32>
        %add3A_555 = arith.addf %mul3A_553, %mul3A_554 : vector<16xf32>
        tpu.vector_store_idx %arg64[%add3A_552], %add3A_555 : memref<7104xf32, #tpu.memory_space<vmem>>[vector<16xi32>], vector<16xf32>,
        %add3A_556 = arith.constant 3 : i32
        %add3A_557 = vector.broadcast %add3A_556 : i32 to vector<16xi32>
        %add3A_558 = arith.addi %mul3A_431, %add3A_557 : vector<16xi32>
        %mul3A_559 = arith.mulf %get3A_265, %select_n3A_540 : vector<16xf32>
        %mul3A_560 = arith.mulf %get3A_267, %sub3A_543 : vector<16xf32>
        %add3A_561 = arith.addf %mul3A_559, %mul3A_560 : vector<16xf32>
        tpu.vector_store_idx %arg65[%add3A_558], %add3A_561 : memref<7104xf32, #tpu.memory_space<vmem>>[vector<16xi32>], vector<16xf32>,
        %sub3A_562 = arith.subf %get3A_277, %get3A_273 : vector<16xf32>
        %abs3A_563 = math.absf %sub3A_562 : vector<16xf32>
        %lt3A_564 = arith.constant 1.000000e-10 : f32
        %lt3A_565 = vector.broadcast %lt3A_564 : f32 to vector<16xf32>
        %lt3A_566 = arith.cmpf olt, %abs3A_563, %lt3A_565 : vector<16xf32>
        %jit3A_567 = arith.constant 1.000000e+00 : f32
        %broadcast_in_dim3A_568 = vector.broadcast %jit3A_567 : f32 to vector<16xf32>
        %select_n3A_569 = arith.select %lt3A_566, %broadcast_in_dim3A_568, %sub3A_562 : vector<16xi1>, vector<16xf32>
        %div3A_570 = arith.divf %get3A_277, %select_n3A_569 : vector<16xf32>
        %jit3A_571 = arith.constant 5.000000e-01 : f32
        %broadcast_in_dim3A_572 = vector.broadcast %jit3A_571 : f32 to vector<16xf32>
        %select_n3A_573 = arith.select %lt3A_566, %broadcast_in_dim3A_572, %div3A_570 : vector<16xi1>, vector<16xf32>
        %sub3A_574 = arith.constant 1.000000e+00 : f32
        %sub3A_575 = vector.broadcast %sub3A_574 : f32 to vector<16xf32>
        %sub3A_576 = arith.subf %sub3A_575, %select_n3A_573 : vector<16xf32>
        %add3A_577 = arith.constant 4 : i32
        %add3A_578 = vector.broadcast %add3A_577 : i32 to vector<16xi32>
        %add3A_579 = arith.addi %mul3A_431, %add3A_578 : vector<16xi32>
        %mul3A_580 = arith.mulf %get3A_249, %select_n3A_573 : vector<16xf32>
        %mul3A_581 = arith.mulf %get3A_253, %sub3A_576 : vector<16xf32>
        %add3A_582 = arith.addf %mul3A_580, %mul3A_581 : vector<16xf32>
        tpu.vector_store_idx %arg63[%add3A_579], %add3A_582 : memref<7104xf32, #tpu.memory_space<vmem>>[vector<16xi32>], vector<16xf32>,
        %add3A_583 = arith.constant 4 : i32
        %add3A_584 = vector.broadcast %add3A_583 : i32 to vector<16xi32>
        %add3A_585 = arith.addi %mul3A_431, %add3A_584 : vector<16xi32>
        %mul3A_586 = arith.mulf %get3A_257, %select_n3A_573 : vector<16xf32>
        %mul3A_587 = arith.mulf %get3A_261, %sub3A_576 : vector<16xf32>
        %add3A_588 = arith.addf %mul3A_586, %mul3A_587 : vector<16xf32>
        tpu.vector_store_idx %arg64[%add3A_585], %add3A_588 : memref<7104xf32, #tpu.memory_space<vmem>>[vector<16xi32>], vector<16xf32>,
        %add3A_589 = arith.constant 4 : i32
        %add3A_590 = vector.broadcast %add3A_589 : i32 to vector<16xi32>
        %add3A_591 = arith.addi %mul3A_431, %add3A_590 : vector<16xi32>
        %mul3A_592 = arith.mulf %get3A_265, %select_n3A_573 : vector<16xf32>
        %mul3A_593 = arith.mulf %get3A_269, %sub3A_576 : vector<16xf32>
        %add3A_594 = arith.addf %mul3A_592, %mul3A_593 : vector<16xf32>
        tpu.vector_store_idx %arg65[%add3A_591], %add3A_594 : memref<7104xf32, #tpu.memory_space<vmem>>[vector<16xi32>], vector<16xf32>,
        %sub3A_595 = arith.subf %get3A_277, %get3A_275 : vector<16xf32>
        %abs3A_596 = math.absf %sub3A_595 : vector<16xf32>
        %lt3A_597 = arith.constant 1.000000e-10 : f32
        %lt3A_598 = vector.broadcast %lt3A_597 : f32 to vector<16xf32>
        %lt3A_599 = arith.cmpf olt, %abs3A_596, %lt3A_598 : vector<16xf32>
        %jit3A_600 = arith.constant 1.000000e+00 : f32
        %broadcast_in_dim3A_601 = vector.broadcast %jit3A_600 : f32 to vector<16xf32>
        %select_n3A_602 = arith.select %lt3A_599, %broadcast_in_dim3A_601, %sub3A_595 : vector<16xi1>, vector<16xf32>
        %div3A_603 = arith.divf %get3A_277, %select_n3A_602 : vector<16xf32>
        %jit3A_604 = arith.constant 5.000000e-01 : f32
        %broadcast_in_dim3A_605 = vector.broadcast %jit3A_604 : f32 to vector<16xf32>
        %select_n3A_606 = arith.select %lt3A_599, %broadcast_in_dim3A_605, %div3A_603 : vector<16xi1>, vector<16xf32>
        %sub3A_607 = arith.constant 1.000000e+00 : f32
        %sub3A_608 = vector.broadcast %sub3A_607 : f32 to vector<16xf32>
        %sub3A_609 = arith.subf %sub3A_608, %select_n3A_606 : vector<16xf32>
        %add3A_610 = arith.constant 5 : i32
        %add3A_611 = vector.broadcast %add3A_610 : i32 to vector<16xi32>
        %add3A_612 = arith.addi %mul3A_431, %add3A_611 : vector<16xi32>
        %mul3A_613 = arith.mulf %get3A_251, %select_n3A_606 : vector<16xf32>
        %mul3A_614 = arith.mulf %get3A_253, %sub3A_609 : vector<16xf32>
        %add3A_615 = arith.addf %mul3A_613, %mul3A_614 : vector<16xf32>
        tpu.vector_store_idx %arg63[%add3A_612], %add3A_615 : memref<7104xf32, #tpu.memory_space<vmem>>[vector<16xi32>], vector<16xf32>,
        %add3A_616 = arith.constant 5 : i32
        %add3A_617 = vector.broadcast %add3A_616 : i32 to vector<16xi32>
        %add3A_618 = arith.addi %mul3A_431, %add3A_617 : vector<16xi32>
        %mul3A_619 = arith.mulf %get3A_259, %select_n3A_606 : vector<16xf32>
        %mul3A_620 = arith.mulf %get3A_261, %sub3A_609 : vector<16xf32>
        %add3A_621 = arith.addf %mul3A_619, %mul3A_620 : vector<16xf32>
        tpu.vector_store_idx %arg64[%add3A_618], %add3A_621 : memref<7104xf32, #tpu.memory_space<vmem>>[vector<16xi32>], vector<16xf32>,
        %add3A_622 = arith.constant 5 : i32
        %add3A_623 = vector.broadcast %add3A_622 : i32 to vector<16xi32>
        %add3A_624 = arith.addi %mul3A_431, %add3A_623 : vector<16xi32>
        %mul3A_625 = arith.mulf %get3A_267, %select_n3A_606 : vector<16xf32>
        %mul3A_626 = arith.mulf %get3A_269, %sub3A_609 : vector<16xf32>
        %add3A_627 = arith.addf %mul3A_625, %mul3A_626 : vector<16xf32>
        tpu.vector_store_idx %arg65[%add3A_624], %add3A_627 : memref<7104xf32, #tpu.memory_space<vmem>>[vector<16xi32>], vector<16xf32>,
      }
      %scan3A_158 = arith.constant 74 : i32
      %mul3A_159 = arith.constant 6 : i32
      %mul3A_160 = arith.muli %min3A_152, %mul3A_159 : i32
      "tpu.region"() ({
        %run_scoped3A = tpu.sem_alloc : memref<!tpu.dma_semaphore, #tpu.memory_space<semaphore_mem>>
        %dma_start3A_240 = tpu.memref_slice %arg11[%mul3A_160] : memref<1800000xf32, #tpu.memory_space<hbm>> -> memref<7104xf32, #tpu.memory_space<hbm>>
        %dma_start3A_241 = tpu.memref_slice %arg11[%mul3A_160] : memref<1800000xf32, #tpu.memory_space<hbm>> -> memref<7104xf32, #tpu.memory_space<hbm>>
        tpu.enqueue_dma source(%arg63 : memref<7104xf32, #tpu.memory_space<vmem>>) target(%dma_start3A_241 : memref<7104xf32, #tpu.memory_space<hbm>>) target_semaphore(%run_scoped3A : memref<!tpu.dma_semaphore, #tpu.memory_space<semaphore_mem>>)
        %dma_wait3A_242 = tpu.memref_slice %arg11[%mul3A_160] : memref<1800000xf32, #tpu.memory_space<hbm>> -> memref<7104xf32, #tpu.memory_space<hbm>>
        %dma_wait3A_243 = tpu.memref_slice %arg11[%mul3A_160] : memref<1800000xf32, #tpu.memory_space<hbm>> -> memref<7104xf32, #tpu.memory_space<hbm>>
        tpu.wait_dma2 semaphore(%run_scoped3A : memref<!tpu.dma_semaphore, #tpu.memory_space<semaphore_mem>>) src(%arg63 : memref<7104xf32, #tpu.memory_space<vmem>>) dst(%dma_wait3A_243 : memref<7104xf32, #tpu.memory_space<hbm>>)
        tpu.yield
      }) : () -> ()
      %mul3A_161 = arith.constant 6 : i32
      %mul3A_162 = arith.muli %min3A_152, %mul3A_161 : i32
      "tpu.region"() ({
        %run_scoped3A = tpu.sem_alloc : memref<!tpu.dma_semaphore, #tpu.memory_space<semaphore_mem>>
        %dma_start3A_240 = tpu.memref_slice %arg12[%mul3A_162] : memref<1800000xf32, #tpu.memory_space<hbm>> -> memref<7104xf32, #tpu.memory_space<hbm>>
        %dma_start3A_241 = tpu.memref_slice %arg12[%mul3A_162] : memref<1800000xf32, #tpu.memory_space<hbm>> -> memref<7104xf32, #tpu.memory_space<hbm>>
        tpu.enqueue_dma source(%arg64 : memref<7104xf32, #tpu.memory_space<vmem>>) target(%dma_start3A_241 : memref<7104xf32, #tpu.memory_space<hbm>>) target_semaphore(%run_scoped3A : memref<!tpu.dma_semaphore, #tpu.memory_space<semaphore_mem>>)
        %dma_wait3A_242 = tpu.memref_slice %arg12[%mul3A_162] : memref<1800000xf32, #tpu.memory_space<hbm>> -> memref<7104xf32, #tpu.memory_space<hbm>>
        %dma_wait3A_243 = tpu.memref_slice %arg12[%mul3A_162] : memref<1800000xf32, #tpu.memory_space<hbm>> -> memref<7104xf32, #tpu.memory_space<hbm>>
        tpu.wait_dma2 semaphore(%run_scoped3A : memref<!tpu.dma_semaphore, #tpu.memory_space<semaphore_mem>>) src(%arg64 : memref<7104xf32, #tpu.memory_space<vmem>>) dst(%dma_wait3A_243 : memref<7104xf32, #tpu.memory_space<hbm>>)
        tpu.yield
      }) : () -> ()
      %mul3A_163 = arith.constant 6 : i32
      %mul3A_164 = arith.muli %min3A_152, %mul3A_163 : i32
      "tpu.region"() ({
        %run_scoped3A = tpu.sem_alloc : memref<!tpu.dma_semaphore, #tpu.memory_space<semaphore_mem>>
        %dma_start3A_240 = tpu.memref_slice %arg13[%mul3A_164] : memref<1800000xf32, #tpu.memory_space<hbm>> -> memref<7104xf32, #tpu.memory_space<hbm>>
        %dma_start3A_241 = tpu.memref_slice %arg13[%mul3A_164] : memref<1800000xf32, #tpu.memory_space<hbm>> -> memref<7104xf32, #tpu.memory_space<hbm>>
        tpu.enqueue_dma source(%arg65 : memref<7104xf32, #tpu.memory_space<vmem>>) target(%dma_start3A_241 : memref<7104xf32, #tpu.memory_space<hbm>>) target_semaphore(%run_scoped3A : memref<!tpu.dma_semaphore, #tpu.memory_space<semaphore_mem>>)
        %dma_wait3A_242 = tpu.memref_slice %arg13[%mul3A_164] : memref<1800000xf32, #tpu.memory_space<hbm>> -> memref<7104xf32, #tpu.memory_space<hbm>>
        %dma_wait3A_243 = tpu.memref_slice %arg13[%mul3A_164] : memref<1800000xf32, #tpu.memory_space<hbm>> -> memref<7104xf32, #tpu.memory_space<hbm>>
        tpu.wait_dma2 semaphore(%run_scoped3A : memref<!tpu.dma_semaphore, #tpu.memory_space<semaphore_mem>>) src(%arg65 : memref<7104xf32, #tpu.memory_space<vmem>>) dst(%dma_wait3A_243 : memref<7104xf32, #tpu.memory_space<hbm>>)
        tpu.yield
      }) : () -> ()
      %mul3A_165 = arith.constant 2 : i32
      %mul3A_166 = arith.muli %min3A_152, %mul3A_165 : i32
      "tpu.region"() ({
        %run_scoped3A = tpu.sem_alloc : memref<!tpu.dma_semaphore, #tpu.memory_space<semaphore_mem>>
        %dma_start3A_240 = tpu.memref_slice %arg14[%mul3A_166] : memref<600000xi32, #tpu.memory_space<hbm>> -> memref<2368xi32, #tpu.memory_space<hbm>>
        %dma_start3A_241 = tpu.memref_slice %arg14[%mul3A_166] : memref<600000xi32, #tpu.memory_space<hbm>> -> memref<2368xi32, #tpu.memory_space<hbm>>
        tpu.enqueue_dma source(%arg66 : memref<2368xi32, #tpu.memory_space<vmem>>) target(%dma_start3A_241 : memref<2368xi32, #tpu.memory_space<hbm>>) target_semaphore(%run_scoped3A : memref<!tpu.dma_semaphore, #tpu.memory_space<semaphore_mem>>)
        %dma_wait3A_242 = tpu.memref_slice %arg14[%mul3A_166] : memref<600000xi32, #tpu.memory_space<hbm>> -> memref<2368xi32, #tpu.memory_space<hbm>>
        %dma_wait3A_243 = tpu.memref_slice %arg14[%mul3A_166] : memref<600000xi32, #tpu.memory_space<hbm>> -> memref<2368xi32, #tpu.memory_space<hbm>>
        tpu.wait_dma2 semaphore(%run_scoped3A : memref<!tpu.dma_semaphore, #tpu.memory_space<semaphore_mem>>) src(%arg66 : memref<2368xi32, #tpu.memory_space<vmem>>) dst(%dma_wait3A_243 : memref<2368xi32, #tpu.memory_space<hbm>>)
        tpu.yield
      }) : () -> ()
      %mul3A_167 = arith.constant 2 : i32
      %mul3A_168 = arith.muli %min3A_152, %mul3A_167 : i32
      "tpu.region"() ({
        %run_scoped3A = tpu.sem_alloc : memref<!tpu.dma_semaphore, #tpu.memory_space<semaphore_mem>>
        %dma_start3A_240 = tpu.memref_slice %arg15[%mul3A_168] : memref<600000xi32, #tpu.memory_space<hbm>> -> memref<2368xi32, #tpu.memory_space<hbm>>
        %dma_start3A_241 = tpu.memref_slice %arg15[%mul3A_168] : memref<600000xi32, #tpu.memory_space<hbm>> -> memref<2368xi32, #tpu.memory_space<hbm>>
        tpu.enqueue_dma source(%arg67 : memref<2368xi32, #tpu.memory_space<vmem>>) target(%dma_start3A_241 : memref<2368xi32, #tpu.memory_space<hbm>>) target_semaphore(%run_scoped3A : memref<!tpu.dma_semaphore, #tpu.memory_space<semaphore_mem>>)
        %dma_wait3A_242 = tpu.memref_slice %arg15[%mul3A_168] : memref<600000xi32, #tpu.memory_space<hbm>> -> memref<2368xi32, #tpu.memory_space<hbm>>
        %dma_wait3A_243 = tpu.memref_slice %arg15[%mul3A_168] : memref<600000xi32, #tpu.memory_space<hbm>> -> memref<2368xi32, #tpu.memory_space<hbm>>
        tpu.wait_dma2 semaphore(%run_scoped3A : memref<!tpu.dma_semaphore, #tpu.memory_space<semaphore_mem>>) src(%arg67 : memref<2368xi32, #tpu.memory_space<vmem>>) dst(%dma_wait3A_243 : memref<2368xi32, #tpu.memory_space<hbm>>)
        tpu.yield
      }) : () -> ()
      %mul3A_169 = arith.constant 2 : i32
      %mul3A_170 = arith.muli %min3A_152, %mul3A_169 : i32
      "tpu.region"() ({
        %run_scoped3A = tpu.sem_alloc : memref<!tpu.dma_semaphore, #tpu.memory_space<semaphore_mem>>
        %dma_start3A_240 = tpu.memref_slice %arg16[%mul3A_170] : memref<600000xi32, #tpu.memory_space<hbm>> -> memref<2368xi32, #tpu.memory_space<hbm>>
        %dma_start3A_241 = tpu.memref_slice %arg16[%mul3A_170] : memref<600000xi32, #tpu.memory_space<hbm>> -> memref<2368xi32, #tpu.memory_space<hbm>>
        tpu.enqueue_dma source(%arg68 : memref<2368xi32, #tpu.memory_space<vmem>>) target(%dma_start3A_241 : memref<2368xi32, #tpu.memory_space<hbm>>) target_semaphore(%run_scoped3A : memref<!tpu.dma_semaphore, #tpu.memory_space<semaphore_mem>>)
        %dma_wait3A_242 = tpu.memref_slice %arg16[%mul3A_170] : memref<600000xi32, #tpu.memory_space<hbm>> -> memref<2368xi32, #tpu.memory_space<hbm>>
        %dma_wait3A_243 = tpu.memref_slice %arg16[%mul3A_170] : memref<600000xi32, #tpu.memory_space<hbm>> -> memref<2368xi32, #tpu.memory_space<hbm>>
        tpu.wait_dma2 semaphore(%run_scoped3A : memref<!tpu.dma_semaphore, #tpu.memory_space<semaphore_mem>>) src(%arg68 : memref<2368xi32, #tpu.memory_space<vmem>>) dst(%dma_wait3A_243 : memref<2368xi32, #tpu.memory_space<hbm>>)
        tpu.yield
      }) : () -> ()
      %mul3A_171 = arith.constant 2 : i32
      %mul3A_172 = arith.muli %min3A_152, %mul3A_171 : i32
      "tpu.region"() ({
        %run_scoped3A = tpu.sem_alloc : memref<!tpu.dma_semaphore, #tpu.memory_space<semaphore_mem>>
        %dma_start3A_240 = tpu.memref_slice %arg17[%mul3A_172] : memref<600000xi32, #tpu.memory_space<hbm>> -> memref<2368xi32, #tpu.memory_space<hbm>>
        %dma_start3A_241 = tpu.memref_slice %arg17[%mul3A_172] : memref<600000xi32, #tpu.memory_space<hbm>> -> memref<2368xi32, #tpu.memory_space<hbm>>
        tpu.enqueue_dma source(%arg69 : memref<2368xi32, #tpu.memory_space<vmem>>) target(%dma_start3A_241 : memref<2368xi32, #tpu.memory_space<hbm>>) target_semaphore(%run_scoped3A : memref<!tpu.dma_semaphore, #tpu.memory_space<semaphore_mem>>)
        %dma_wait3A_242 = tpu.memref_slice %arg17[%mul3A_172] : memref<600000xi32, #tpu.memory_space<hbm>> -> memref<2368xi32, #tpu.memory_space<hbm>>
        %dma_wait3A_243 = tpu.memref_slice %arg17[%mul3A_172] : memref<600000xi32, #tpu.memory_space<hbm>> -> memref<2368xi32, #tpu.memory_space<hbm>>
        tpu.wait_dma2 semaphore(%run_scoped3A : memref<!tpu.dma_semaphore, #tpu.memory_space<semaphore_mem>>) src(%arg69 : memref<2368xi32, #tpu.memory_space<vmem>>) dst(%dma_wait3A_243 : memref<2368xi32, #tpu.memory_space<hbm>>)
        tpu.yield
      }) : () -> ()
      %lt3A_173 = arith.constant 3 : i32
      %lt3A_174 = arith.cmpi slt, %scan3A_71, %lt3A_173 : i32
      %convert_element_type3A_175 = arith.extui %lt3A_174 : i1 to i32
      %cond3A_176 = arith.constant 0 : i32
      %cond3A_177 = arith.cmpi ne, %convert_element_type3A_175, %cond3A_176 : i32
      scf.if %cond3A_177 {
        %mul3A_240 = arith.constant 2 : i32
        %mul3A_241 = arith.muli %mul3A_240, %scan3A_71 : i32
        %add3A_242 = arith.constant 2 : i32
        %add3A_243 = arith.addi %mul3A_241, %add3A_242 : i32
        %mul3A_244 = arith.constant 1184 : i32
        %mul3A_245 = arith.muli %add3A_243, %mul3A_244 : i32
        %add3A_246 = arith.addi %mul3A_6, %mul3A_245 : i32
        %sub3A_247 = arith.constant 1184 : i32
        %sub3A_248 = arith.subi %add3A_13, %sub3A_247 : i32
        %min3A_249 = arith.minsi %add3A_246, %sub3A_248 : i32
        "tpu.region"() ({
          %run_scoped3A = tpu.sem_alloc : memref<!tpu.dma_semaphore, #tpu.memory_space<semaphore_mem>>
          %dma_start3A_282 = tpu.memref_slice %arg6[%min3A_249] : memref<300000xi32, #tpu.memory_space<hbm>> -> memref<1184xi32, #tpu.memory_space<hbm>>
          %dma_start3A_283 = tpu.memref_slice %arg6[%min3A_249] : memref<300000xi32, #tpu.memory_space<hbm>> -> memref<1184xi32, #tpu.memory_space<hbm>>
          tpu.enqueue_dma source(%dma_start3A_283 : memref<1184xi32, #tpu.memory_space<hbm>>) target(%arg22 : memref<1184xi32, #tpu.memory_space<vmem>>) target_semaphore(%run_scoped3A : memref<!tpu.dma_semaphore, #tpu.memory_space<semaphore_mem>>)
          %dma_wait3A_284 = tpu.memref_slice %arg6[%min3A_249] : memref<300000xi32, #tpu.memory_space<hbm>> -> memref<1184xi32, #tpu.memory_space<hbm>>
          %dma_wait3A_285 = tpu.memref_slice %arg6[%min3A_249] : memref<300000xi32, #tpu.memory_space<hbm>> -> memref<1184xi32, #tpu.memory_space<hbm>>
          tpu.wait_dma2 semaphore(%run_scoped3A : memref<!tpu.dma_semaphore, #tpu.memory_space<semaphore_mem>>) src(%dma_wait3A_285 : memref<1184xi32, #tpu.memory_space<hbm>>) dst(%arg22 : memref<1184xi32, #tpu.memory_space<vmem>>)
          tpu.yield
        }) : () -> ()
        "tpu.region"() ({
          %run_scoped3A = tpu.sem_alloc : memref<!tpu.dma_semaphore, #tpu.memory_space<semaphore_mem>>
          %dma_start3A_282 = tpu.memref_slice %arg7[%min3A_249] : memref<300000xi32, #tpu.memory_space<hbm>> -> memref<1184xi32, #tpu.memory_space<hbm>>
          %dma_start3A_283 = tpu.memref_slice %arg7[%min3A_249] : memref<300000xi32, #tpu.memory_space<hbm>> -> memref<1184xi32, #tpu.memory_space<hbm>>
          tpu.enqueue_dma source(%dma_start3A_283 : memref<1184xi32, #tpu.memory_space<hbm>>) target(%arg23 : memref<1184xi32, #tpu.memory_space<vmem>>) target_semaphore(%run_scoped3A : memref<!tpu.dma_semaphore, #tpu.memory_space<semaphore_mem>>)
          %dma_wait3A_284 = tpu.memref_slice %arg7[%min3A_249] : memref<300000xi32, #tpu.memory_space<hbm>> -> memref<1184xi32, #tpu.memory_space<hbm>>
          %dma_wait3A_285 = tpu.memref_slice %arg7[%min3A_249] : memref<300000xi32, #tpu.memory_space<hbm>> -> memref<1184xi32, #tpu.memory_space<hbm>>
          tpu.wait_dma2 semaphore(%run_scoped3A : memref<!tpu.dma_semaphore, #tpu.memory_space<semaphore_mem>>) src(%dma_wait3A_285 : memref<1184xi32, #tpu.memory_space<hbm>>) dst(%arg23 : memref<1184xi32, #tpu.memory_space<vmem>>)
          tpu.yield
        }) : () -> ()
        "tpu.region"() ({
          %run_scoped3A = tpu.sem_alloc : memref<!tpu.dma_semaphore, #tpu.memory_space<semaphore_mem>>
          %dma_start3A_282 = tpu.memref_slice %arg8[%min3A_249] : memref<300000xi32, #tpu.memory_space<hbm>> -> memref<1184xi32, #tpu.memory_space<hbm>>
          %dma_start3A_283 = tpu.memref_slice %arg8[%min3A_249] : memref<300000xi32, #tpu.memory_space<hbm>> -> memref<1184xi32, #tpu.memory_space<hbm>>
          tpu.enqueue_dma source(%dma_start3A_283 : memref<1184xi32, #tpu.memory_space<hbm>>) target(%arg24 : memref<1184xi32, #tpu.memory_space<vmem>>) target_semaphore(%run_scoped3A : memref<!tpu.dma_semaphore, #tpu.memory_space<semaphore_mem>>)
          %dma_wait3A_284 = tpu.memref_slice %arg8[%min3A_249] : memref<300000xi32, #tpu.memory_space<hbm>> -> memref<1184xi32, #tpu.memory_space<hbm>>
          %dma_wait3A_285 = tpu.memref_slice %arg8[%min3A_249] : memref<300000xi32, #tpu.memory_space<hbm>> -> memref<1184xi32, #tpu.memory_space<hbm>>
          tpu.wait_dma2 semaphore(%run_scoped3A : memref<!tpu.dma_semaphore, #tpu.memory_space<semaphore_mem>>) src(%dma_wait3A_285 : memref<1184xi32, #tpu.memory_space<hbm>>) dst(%arg24 : memref<1184xi32, #tpu.memory_space<vmem>>)
          tpu.yield
        }) : () -> ()
        "tpu.region"() ({
          %run_scoped3A = tpu.sem_alloc : memref<!tpu.dma_semaphore, #tpu.memory_space<semaphore_mem>>
          %dma_start3A_282 = tpu.memref_slice %arg9[%min3A_249] : memref<300000xi32, #tpu.memory_space<hbm>> -> memref<1184xi32, #tpu.memory_space<hbm>>
          %dma_start3A_283 = tpu.memref_slice %arg9[%min3A_249] : memref<300000xi32, #tpu.memory_space<hbm>> -> memref<1184xi32, #tpu.memory_space<hbm>>
          tpu.enqueue_dma source(%dma_start3A_283 : memref<1184xi32, #tpu.memory_space<hbm>>) target(%arg25 : memref<1184xi32, #tpu.memory_space<vmem>>) target_semaphore(%run_scoped3A : memref<!tpu.dma_semaphore, #tpu.memory_space<semaphore_mem>>)
          %dma_wait3A_284 = tpu.memref_slice %arg9[%min3A_249] : memref<300000xi32, #tpu.memory_space<hbm>> -> memref<1184xi32, #tpu.memory_space<hbm>>
          %dma_wait3A_285 = tpu.memref_slice %arg9[%min3A_249] : memref<300000xi32, #tpu.memory_space<hbm>> -> memref<1184xi32, #tpu.memory_space<hbm>>
          tpu.wait_dma2 semaphore(%run_scoped3A : memref<!tpu.dma_semaphore, #tpu.memory_space<semaphore_mem>>) src(%dma_wait3A_285 : memref<1184xi32, #tpu.memory_space<hbm>>) dst(%arg25 : memref<1184xi32, #tpu.memory_space<vmem>>)
          tpu.yield
        }) : () -> ()
        %dma_start3A_250 = arith.constant 0 : i32
        %dma_start3A_251 = tpu.memref_slice %arg18[%dma_start3A_250] : memref<100000xf32, #tpu.memory_space<vmem_shared>> -> memref<100000xf32, #tpu.memory_space<vmem_shared>>
        tpu.enqueue_indirect_dma source(%dma_start3A_251 : memref<100000xf32, #tpu.memory_space<vmem_shared>>) target(%arg30 : memref<1184xf32, #tpu.memory_space<vmem>>) offsets(%arg22 : memref<1184xi32, #tpu.memory_space<vmem>>) semaphore(%arg70 : memref<!tpu.dma_semaphore, #tpu.memory_space<semaphore_mem>>)
        %dma_start3A_252 = arith.constant 0 : i32
        %dma_start3A_253 = tpu.memref_slice %arg19[%dma_start3A_252] : memref<100000xf32, #tpu.memory_space<vmem_shared>> -> memref<100000xf32, #tpu.memory_space<vmem_shared>>
        tpu.enqueue_indirect_dma source(%dma_start3A_253 : memref<100000xf32, #tpu.memory_space<vmem_shared>>) target(%arg34 : memref<1184xf32, #tpu.memory_space<vmem>>) offsets(%arg22 : memref<1184xi32, #tpu.memory_space<vmem>>) semaphore(%arg70 : memref<!tpu.dma_semaphore, #tpu.memory_space<semaphore_mem>>)
        %dma_start3A_254 = arith.constant 0 : i32
        %dma_start3A_255 = tpu.memref_slice %arg20[%dma_start3A_254] : memref<100000xf32, #tpu.memory_space<vmem_shared>> -> memref<100000xf32, #tpu.memory_space<vmem_shared>>
        tpu.enqueue_indirect_dma source(%dma_start3A_255 : memref<100000xf32, #tpu.memory_space<vmem_shared>>) target(%arg38 : memref<1184xf32, #tpu.memory_space<vmem>>) offsets(%arg22 : memref<1184xi32, #tpu.memory_space<vmem>>) semaphore(%arg70 : memref<!tpu.dma_semaphore, #tpu.memory_space<semaphore_mem>>)
        %dma_start3A_256 = arith.constant 0 : i32
        %dma_start3A_257 = tpu.memref_slice %arg21[%dma_start3A_256] : memref<100000xf32, #tpu.memory_space<vmem_shared>> -> memref<100000xf32, #tpu.memory_space<vmem_shared>>
        tpu.enqueue_indirect_dma source(%dma_start3A_257 : memref<100000xf32, #tpu.memory_space<vmem_shared>>) target(%arg42 : memref<1184xf32, #tpu.memory_space<vmem>>) offsets(%arg22 : memref<1184xi32, #tpu.memory_space<vmem>>) semaphore(%arg70 : memref<!tpu.dma_semaphore, #tpu.memory_space<semaphore_mem>>)
        %dma_start3A_258 = arith.constant 0 : i32
        %dma_start3A_259 = tpu.memref_slice %arg18[%dma_start3A_258] : memref<100000xf32, #tpu.memory_space<vmem_shared>> -> memref<100000xf32, #tpu.memory_space<vmem_shared>>
        tpu.enqueue_indirect_dma source(%dma_start3A_259 : memref<100000xf32, #tpu.memory_space<vmem_shared>>) target(%arg31 : memref<1184xf32, #tpu.memory_space<vmem>>) offsets(%arg23 : memref<1184xi32, #tpu.memory_space<vmem>>) semaphore(%arg70 : memref<!tpu.dma_semaphore, #tpu.memory_space<semaphore_mem>>)
        %dma_start3A_260 = arith.constant 0 : i32
        %dma_start3A_261 = tpu.memref_slice %arg19[%dma_start3A_260] : memref<100000xf32, #tpu.memory_space<vmem_shared>> -> memref<100000xf32, #tpu.memory_space<vmem_shared>>
        tpu.enqueue_indirect_dma source(%dma_start3A_261 : memref<100000xf32, #tpu.memory_space<vmem_shared>>) target(%arg35 : memref<1184xf32, #tpu.memory_space<vmem>>) offsets(%arg23 : memref<1184xi32, #tpu.memory_space<vmem>>) semaphore(%arg70 : memref<!tpu.dma_semaphore, #tpu.memory_space<semaphore_mem>>)
        %dma_start3A_262 = arith.constant 0 : i32
        %dma_start3A_263 = tpu.memref_slice %arg20[%dma_start3A_262] : memref<100000xf32, #tpu.memory_space<vmem_shared>> -> memref<100000xf32, #tpu.memory_space<vmem_shared>>
        tpu.enqueue_indirect_dma source(%dma_start3A_263 : memref<100000xf32, #tpu.memory_space<vmem_shared>>) target(%arg39 : memref<1184xf32, #tpu.memory_space<vmem>>) offsets(%arg23 : memref<1184xi32, #tpu.memory_space<vmem>>) semaphore(%arg70 : memref<!tpu.dma_semaphore, #tpu.memory_space<semaphore_mem>>)
        %dma_start3A_264 = arith.constant 0 : i32
        %dma_start3A_265 = tpu.memref_slice %arg21[%dma_start3A_264] : memref<100000xf32, #tpu.memory_space<vmem_shared>> -> memref<100000xf32, #tpu.memory_space<vmem_shared>>
        tpu.enqueue_indirect_dma source(%dma_start3A_265 : memref<100000xf32, #tpu.memory_space<vmem_shared>>) target(%arg43 : memref<1184xf32, #tpu.memory_space<vmem>>) offsets(%arg23 : memref<1184xi32, #tpu.memory_space<vmem>>) semaphore(%arg70 : memref<!tpu.dma_semaphore, #tpu.memory_space<semaphore_mem>>)
        %dma_start3A_266 = arith.constant 0 : i32
        %dma_start3A_267 = tpu.memref_slice %arg18[%dma_start3A_266] : memref<100000xf32, #tpu.memory_space<vmem_shared>> -> memref<100000xf32, #tpu.memory_space<vmem_shared>>
        tpu.enqueue_indirect_dma source(%dma_start3A_267 : memref<100000xf32, #tpu.memory_space<vmem_shared>>) target(%arg32 : memref<1184xf32, #tpu.memory_space<vmem>>) offsets(%arg24 : memref<1184xi32, #tpu.memory_space<vmem>>) semaphore(%arg70 : memref<!tpu.dma_semaphore, #tpu.memory_space<semaphore_mem>>)
        %dma_start3A_268 = arith.constant 0 : i32
        %dma_start3A_269 = tpu.memref_slice %arg19[%dma_start3A_268] : memref<100000xf32, #tpu.memory_space<vmem_shared>> -> memref<100000xf32, #tpu.memory_space<vmem_shared>>
        tpu.enqueue_indirect_dma source(%dma_start3A_269 : memref<100000xf32, #tpu.memory_space<vmem_shared>>) target(%arg36 : memref<1184xf32, #tpu.memory_space<vmem>>) offsets(%arg24 : memref<1184xi32, #tpu.memory_space<vmem>>) semaphore(%arg70 : memref<!tpu.dma_semaphore, #tpu.memory_space<semaphore_mem>>)
        %dma_start3A_270 = arith.constant 0 : i32
        %dma_start3A_271 = tpu.memref_slice %arg20[%dma_start3A_270] : memref<100000xf32, #tpu.memory_space<vmem_shared>> -> memref<100000xf32, #tpu.memory_space<vmem_shared>>
        tpu.enqueue_indirect_dma source(%dma_start3A_271 : memref<100000xf32, #tpu.memory_space<vmem_shared>>) target(%arg40 : memref<1184xf32, #tpu.memory_space<vmem>>) offsets(%arg24 : memref<1184xi32, #tpu.memory_space<vmem>>) semaphore(%arg70 : memref<!tpu.dma_semaphore, #tpu.memory_space<semaphore_mem>>)
        %dma_start3A_272 = arith.constant 0 : i32
        %dma_start3A_273 = tpu.memref_slice %arg21[%dma_start3A_272] : memref<100000xf32, #tpu.memory_space<vmem_shared>> -> memref<100000xf32, #tpu.memory_space<vmem_shared>>
        tpu.enqueue_indirect_dma source(%dma_start3A_273 : memref<100000xf32, #tpu.memory_space<vmem_shared>>) target(%arg44 : memref<1184xf32, #tpu.memory_space<vmem>>) offsets(%arg24 : memref<1184xi32, #tpu.memory_space<vmem>>) semaphore(%arg70 : memref<!tpu.dma_semaphore, #tpu.memory_space<semaphore_mem>>)
        %dma_start3A_274 = arith.constant 0 : i32
        %dma_start3A_275 = tpu.memref_slice %arg18[%dma_start3A_274] : memref<100000xf32, #tpu.memory_space<vmem_shared>> -> memref<100000xf32, #tpu.memory_space<vmem_shared>>
        tpu.enqueue_indirect_dma source(%dma_start3A_275 : memref<100000xf32, #tpu.memory_space<vmem_shared>>) target(%arg33 : memref<1184xf32, #tpu.memory_space<vmem>>) offsets(%arg25 : memref<1184xi32, #tpu.memory_space<vmem>>) semaphore(%arg70 : memref<!tpu.dma_semaphore, #tpu.memory_space<semaphore_mem>>)
        %dma_start3A_276 = arith.constant 0 : i32
        %dma_start3A_277 = tpu.memref_slice %arg19[%dma_start3A_276] : memref<100000xf32, #tpu.memory_space<vmem_shared>> -> memref<100000xf32, #tpu.memory_space<vmem_shared>>
        tpu.enqueue_indirect_dma source(%dma_start3A_277 : memref<100000xf32, #tpu.memory_space<vmem_shared>>) target(%arg37 : memref<1184xf32, #tpu.memory_space<vmem>>) offsets(%arg25 : memref<1184xi32, #tpu.memory_space<vmem>>) semaphore(%arg70 : memref<!tpu.dma_semaphore, #tpu.memory_space<semaphore_mem>>)
        %dma_start3A_278 = arith.constant 0 : i32
        %dma_start3A_279 = tpu.memref_slice %arg20[%dma_start3A_278] : memref<100000xf32, #tpu.memory_space<vmem_shared>> -> memref<100000xf32, #tpu.memory_space<vmem_shared>>
        tpu.enqueue_indirect_dma source(%dma_start3A_279 : memref<100000xf32, #tpu.memory_space<vmem_shared>>) target(%arg41 : memref<1184xf32, #tpu.memory_space<vmem>>) offsets(%arg25 : memref<1184xi32, #tpu.memory_space<vmem>>) semaphore(%arg70 : memref<!tpu.dma_semaphore, #tpu.memory_space<semaphore_mem>>)
        %dma_start3A_280 = arith.constant 0 : i32
        %dma_start3A_281 = tpu.memref_slice %arg21[%dma_start3A_280] : memref<100000xf32, #tpu.memory_space<vmem_shared>> -> memref<100000xf32, #tpu.memory_space<vmem_shared>>
        tpu.enqueue_indirect_dma source(%dma_start3A_281 : memref<100000xf32, #tpu.memory_space<vmem_shared>>) target(%arg45 : memref<1184xf32, #tpu.memory_space<vmem>>) offsets(%arg25 : memref<1184xi32, #tpu.memory_space<vmem>>) semaphore(%arg70 : memref<!tpu.dma_semaphore, #tpu.memory_space<semaphore_mem>>)
      } else {
      }
      %dma_wait3A_178 = arith.constant 0 : i32
      %dma_wait3A_179 = tpu.memref_slice %arg18[%dma_wait3A_178] : memref<100000xf32, #tpu.memory_space<vmem_shared>> -> memref<100000xf32, #tpu.memory_space<vmem_shared>>
      tpu.wait_indirect_dma semaphore(%arg71 : memref<!tpu.dma_semaphore, #tpu.memory_space<semaphore_mem>>) src(%dma_wait3A_179 : memref<100000xf32, #tpu.memory_space<vmem_shared>>) dst(%arg46 : memref<1184xf32, #tpu.memory_space<vmem>>)
      %dma_wait3A_180 = arith.constant 0 : i32
      %dma_wait3A_181 = tpu.memref_slice %arg19[%dma_wait3A_180] : memref<100000xf32, #tpu.memory_space<vmem_shared>> -> memref<100000xf32, #tpu.memory_space<vmem_shared>>
      tpu.wait_indirect_dma semaphore(%arg71 : memref<!tpu.dma_semaphore, #tpu.memory_space<semaphore_mem>>) src(%dma_wait3A_181 : memref<100000xf32, #tpu.memory_space<vmem_shared>>) dst(%arg50 : memref<1184xf32, #tpu.memory_space<vmem>>)
      %dma_wait3A_182 = arith.constant 0 : i32
      %dma_wait3A_183 = tpu.memref_slice %arg20[%dma_wait3A_182] : memref<100000xf32, #tpu.memory_space<vmem_shared>> -> memref<100000xf32, #tpu.memory_space<vmem_shared>>
      tpu.wait_indirect_dma semaphore(%arg71 : memref<!tpu.dma_semaphore, #tpu.memory_space<semaphore_mem>>) src(%dma_wait3A_183 : memref<100000xf32, #tpu.memory_space<vmem_shared>>) dst(%arg54 : memref<1184xf32, #tpu.memory_space<vmem>>)
      %dma_wait3A_184 = arith.constant 0 : i32
      %dma_wait3A_185 = tpu.memref_slice %arg21[%dma_wait3A_184] : memref<100000xf32, #tpu.memory_space<vmem_shared>> -> memref<100000xf32, #tpu.memory_space<vmem_shared>>
      tpu.wait_indirect_dma semaphore(%arg71 : memref<!tpu.dma_semaphore, #tpu.memory_space<semaphore_mem>>) src(%dma_wait3A_185 : memref<100000xf32, #tpu.memory_space<vmem_shared>>) dst(%arg58 : memref<1184xf32, #tpu.memory_space<vmem>>)
      %dma_wait3A_186 = arith.constant 0 : i32
      %dma_wait3A_187 = tpu.memref_slice %arg18[%dma_wait3A_186] : memref<100000xf32, #tpu.memory_space<vmem_shared>> -> memref<100000xf32, #tpu.memory_space<vmem_shared>>
      tpu.wait_indirect_dma semaphore(%arg71 : memref<!tpu.dma_semaphore, #tpu.memory_space<semaphore_mem>>) src(%dma_wait3A_187 : memref<100000xf32, #tpu.memory_space<vmem_shared>>) dst(%arg47 : memref<1184xf32, #tpu.memory_space<vmem>>)
      %dma_wait3A_188 = arith.constant 0 : i32
      %dma_wait3A_189 = tpu.memref_slice %arg19[%dma_wait3A_188] : memref<100000xf32, #tpu.memory_space<vmem_shared>> -> memref<100000xf32, #tpu.memory_space<vmem_shared>>
      tpu.wait_indirect_dma semaphore(%arg71 : memref<!tpu.dma_semaphore, #tpu.memory_space<semaphore_mem>>) src(%dma_wait3A_189 : memref<100000xf32, #tpu.memory_space<vmem_shared>>) dst(%arg51 : memref<1184xf32, #tpu.memory_space<vmem>>)
      %dma_wait3A_190 = arith.constant 0 : i32
      %dma_wait3A_191 = tpu.memref_slice %arg20[%dma_wait3A_190] : memref<100000xf32, #tpu.memory_space<vmem_shared>> -> memref<100000xf32, #tpu.memory_space<vmem_shared>>
      tpu.wait_indirect_dma semaphore(%arg71 : memref<!tpu.dma_semaphore, #tpu.memory_space<semaphore_mem>>) src(%dma_wait3A_191 : memref<100000xf32, #tpu.memory_space<vmem_shared>>) dst(%arg55 : memref<1184xf32, #tpu.memory_space<vmem>>)
      %dma_wait3A_192 = arith.constant 0 : i32
      %dma_wait3A_193 = tpu.memref_slice %arg21[%dma_wait3A_192] : memref<100000xf32, #tpu.memory_space<vmem_shared>> -> memref<100000xf32, #tpu.memory_space<vmem_shared>>
      tpu.wait_indirect_dma semaphore(%arg71 : memref<!tpu.dma_semaphore, #tpu.memory_space<semaphore_mem>>) src(%dma_wait3A_193 : memref<100000xf32, #tpu.memory_space<vmem_shared>>) dst(%arg59 : memref<1184xf32, #tpu.memory_space<vmem>>)
      %dma_wait3A_194 = arith.constant 0 : i32
      %dma_wait3A_195 = tpu.memref_slice %arg18[%dma_wait3A_194] : memref<100000xf32, #tpu.memory_space<vmem_shared>> -> memref<100000xf32, #tpu.memory_space<vmem_shared>>
      tpu.wait_indirect_dma semaphore(%arg71 : memref<!tpu.dma_semaphore, #tpu.memory_space<semaphore_mem>>) src(%dma_wait3A_195 : memref<100000xf32, #tpu.memory_space<vmem_shared>>) dst(%arg48 : memref<1184xf32, #tpu.memory_space<vmem>>)
      %dma_wait3A_196 = arith.constant 0 : i32
      %dma_wait3A_197 = tpu.memref_slice %arg19[%dma_wait3A_196] : memref<100000xf32, #tpu.memory_space<vmem_shared>> -> memref<100000xf32, #tpu.memory_space<vmem_shared>>
      tpu.wait_indirect_dma semaphore(%arg71 : memref<!tpu.dma_semaphore, #tpu.memory_space<semaphore_mem>>) src(%dma_wait3A_197 : memref<100000xf32, #tpu.memory_space<vmem_shared>>) dst(%arg52 : memref<1184xf32, #tpu.memory_space<vmem>>)
      %dma_wait3A_198 = arith.constant 0 : i32
      %dma_wait3A_199 = tpu.memref_slice %arg20[%dma_wait3A_198] : memref<100000xf32, #tpu.memory_space<vmem_shared>> -> memref<100000xf32, #tpu.memory_space<vmem_shared>>
      tpu.wait_indirect_dma semaphore(%arg71 : memref<!tpu.dma_semaphore, #tpu.memory_space<semaphore_mem>>) src(%dma_wait3A_199 : memref<100000xf32, #tpu.memory_space<vmem_shared>>) dst(%arg56 : memref<1184xf32, #tpu.memory_space<vmem>>)
      %dma_wait3A_200 = arith.constant 0 : i32
      %dma_wait3A_201 = tpu.memref_slice %arg21[%dma_wait3A_200] : memref<100000xf32, #tpu.memory_space<vmem_shared>> -> memref<100000xf32, #tpu.memory_space<vmem_shared>>
      tpu.wait_indirect_dma semaphore(%arg71 : memref<!tpu.dma_semaphore, #tpu.memory_space<semaphore_mem>>) src(%dma_wait3A_201 : memref<100000xf32, #tpu.memory_space<vmem_shared>>) dst(%arg60 : memref<1184xf32, #tpu.memory_space<vmem>>)
      %dma_wait3A_202 = arith.constant 0 : i32
      %dma_wait3A_203 = tpu.memref_slice %arg18[%dma_wait3A_202] : memref<100000xf32, #tpu.memory_space<vmem_shared>> -> memref<100000xf32, #tpu.memory_space<vmem_shared>>
      tpu.wait_indirect_dma semaphore(%arg71 : memref<!tpu.dma_semaphore, #tpu.memory_space<semaphore_mem>>) src(%dma_wait3A_203 : memref<100000xf32, #tpu.memory_space<vmem_shared>>) dst(%arg49 : memref<1184xf32, #tpu.memory_space<vmem>>)
      %dma_wait3A_204 = arith.constant 0 : i32
      %dma_wait3A_205 = tpu.memref_slice %arg19[%dma_wait3A_204] : memref<100000xf32, #tpu.memory_space<vmem_shared>> -> memref<100000xf32, #tpu.memory_space<vmem_shared>>
      tpu.wait_indirect_dma semaphore(%arg71 : memref<!tpu.dma_semaphore, #tpu.memory_space<semaphore_mem>>) src(%dma_wait3A_205 : memref<100000xf32, #tpu.memory_space<vmem_shared>>) dst(%arg53 : memref<1184xf32, #tpu.memory_space<vmem>>)
      %dma_wait3A_206 = arith.constant 0 : i32
      %dma_wait3A_207 = tpu.memref_slice %arg20[%dma_wait3A_206] : memref<100000xf32, #tpu.memory_space<vmem_shared>> -> memref<100000xf32, #tpu.memory_space<vmem_shared>>
      tpu.wait_indirect_dma semaphore(%arg71 : memref<!tpu.dma_semaphore, #tpu.memory_space<semaphore_mem>>) src(%dma_wait3A_207 : memref<100000xf32, #tpu.memory_space<vmem_shared>>) dst(%arg57 : memref<1184xf32, #tpu.memory_space<vmem>>)
      %dma_wait3A_208 = arith.constant 0 : i32
      %dma_wait3A_209 = tpu.memref_slice %arg21[%dma_wait3A_208] : memref<100000xf32, #tpu.memory_space<vmem_shared>> -> memref<100000xf32, #tpu.memory_space<vmem_shared>>
      tpu.wait_indirect_dma semaphore(%arg71 : memref<!tpu.dma_semaphore, #tpu.memory_space<semaphore_mem>>) src(%dma_wait3A_209 : memref<100000xf32, #tpu.memory_space<vmem_shared>>) dst(%arg61 : memref<1184xf32, #tpu.memory_space<vmem>>)
      %mul3A_210 = arith.constant 2 : i32
      %mul3A_211 = arith.muli %mul3A_210, %scan3A_71 : i32
      %add3A_212 = arith.constant 1 : i32
      %add3A_213 = arith.addi %mul3A_211, %add3A_212 : i32
      %mul3A_214 = arith.constant 1184 : i32
      %mul3A_215 = arith.muli %add3A_213, %mul3A_214 : i32
      %add3A_216 = arith.addi %mul3A_6, %mul3A_215 : i32
      %sub3A_217 = arith.constant 1184 : i32
      %sub3A_218 = arith.subi %add3A_13, %sub3A_217 : i32
      %min3A_219 = arith.minsi %add3A_216, %sub3A_218 : i32
      %scan3A_220 = arith.constant 0 : i32
      %scan3A_221 = arith.constant 0 : i32
      %scan3A_222 = arith.constant 74 : i32
      %scan3A_223 = arith.addi %scan3A_221, %scan3A_222 : i32
      %scan3A_224 = arith.constant 1 : i32
      scf.for %scan3A_240 = %scan3A_221 to %scan3A_223 step %scan3A_224  : i32 {
        %mul3A_241 = arith.constant 16 : i32
        %mul3A_242 = arith.muli %scan3A_240, %mul3A_241 : i32
        %mul3A_243 = arith.constant 16 : i32
        %mul3A_244 = arith.muli %scan3A_240, %mul3A_243 : i32
        %add3A_245 = vector.broadcast %mul3A_244 : i32 to vector<16xi32>
        %add3A_246 = arith.addi %add3A_245, %iota3A : vector<16xi32>
        %get3A = arith.index_cast %mul3A_242 : i32 to index
        %get3A_247 = tpu.vector_load %arg46[%get3A] {strides = array<i32>} : memref<1184xf32, #tpu.memory_space<vmem>>, vector<16xf32>,
        %get3A_248 = arith.index_cast %mul3A_242 : i32 to index
        %get3A_249 = tpu.vector_load %arg47[%get3A_248] {strides = array<i32>} : memref<1184xf32, #tpu.memory_space<vmem>>, vector<16xf32>,
        %get3A_250 = arith.index_cast %mul3A_242 : i32 to index
        %get3A_251 = tpu.vector_load %arg48[%get3A_250] {strides = array<i32>} : memref<1184xf32, #tpu.memory_space<vmem>>, vector<16xf32>,
        %get3A_252 = arith.index_cast %mul3A_242 : i32 to index
        %get3A_253 = tpu.vector_load %arg49[%get3A_252] {strides = array<i32>} : memref<1184xf32, #tpu.memory_space<vmem>>, vector<16xf32>,
        %get3A_254 = arith.index_cast %mul3A_242 : i32 to index
        %get3A_255 = tpu.vector_load %arg50[%get3A_254] {strides = array<i32>} : memref<1184xf32, #tpu.memory_space<vmem>>, vector<16xf32>,
        %get3A_256 = arith.index_cast %mul3A_242 : i32 to index
        %get3A_257 = tpu.vector_load %arg51[%get3A_256] {strides = array<i32>} : memref<1184xf32, #tpu.memory_space<vmem>>, vector<16xf32>,
        %get3A_258 = arith.index_cast %mul3A_242 : i32 to index
        %get3A_259 = tpu.vector_load %arg52[%get3A_258] {strides = array<i32>} : memref<1184xf32, #tpu.memory_space<vmem>>, vector<16xf32>,
        %get3A_260 = arith.index_cast %mul3A_242 : i32 to index
        %get3A_261 = tpu.vector_load %arg53[%get3A_260] {strides = array<i32>} : memref<1184xf32, #tpu.memory_space<vmem>>, vector<16xf32>,
        %get3A_262 = arith.index_cast %mul3A_242 : i32 to index
        %get3A_263 = tpu.vector_load %arg54[%get3A_262] {strides = array<i32>} : memref<1184xf32, #tpu.memory_space<vmem>>, vector<16xf32>,
        %get3A_264 = arith.index_cast %mul3A_242 : i32 to index
        %get3A_265 = tpu.vector_load %arg55[%get3A_264] {strides = array<i32>} : memref<1184xf32, #tpu.memory_space<vmem>>, vector<16xf32>,
        %get3A_266 = arith.index_cast %mul3A_242 : i32 to index
        %get3A_267 = tpu.vector_load %arg56[%get3A_266] {strides = array<i32>} : memref<1184xf32, #tpu.memory_space<vmem>>, vector<16xf32>,
        %get3A_268 = arith.index_cast %mul3A_242 : i32 to index
        %get3A_269 = tpu.vector_load %arg57[%get3A_268] {strides = array<i32>} : memref<1184xf32, #tpu.memory_space<vmem>>, vector<16xf32>,
        %get3A_270 = arith.index_cast %mul3A_242 : i32 to index
        %get3A_271 = tpu.vector_load %arg58[%get3A_270] {strides = array<i32>} : memref<1184xf32, #tpu.memory_space<vmem>>, vector<16xf32>,
        %get3A_272 = arith.index_cast %mul3A_242 : i32 to index
        %get3A_273 = tpu.vector_load %arg59[%get3A_272] {strides = array<i32>} : memref<1184xf32, #tpu.memory_space<vmem>>, vector<16xf32>,
        %get3A_274 = arith.index_cast %mul3A_242 : i32 to index
        %get3A_275 = tpu.vector_load %arg60[%get3A_274] {strides = array<i32>} : memref<1184xf32, #tpu.memory_space<vmem>>, vector<16xf32>,
        %get3A_276 = arith.index_cast %mul3A_242 : i32 to index
        %get3A_277 = tpu.vector_load %arg61[%get3A_276] {strides = array<i32>} : memref<1184xf32, #tpu.memory_space<vmem>>, vector<16xf32>,
        %gt3A = arith.constant 0.000000e+00 : f32
        %gt3A_278 = vector.broadcast %gt3A : f32 to vector<16xf32>
        %gt3A_279 = arith.cmpf ogt, %get3A_271, %gt3A_278 : vector<16xf32>
        %convert_element_type3A_280 = arith.extui %gt3A_279 : vector<16xi1> to vector<16xi32>
        %gt3A_281 = arith.constant 0.000000e+00 : f32
        %gt3A_282 = vector.broadcast %gt3A_281 : f32 to vector<16xf32>
        %gt3A_283 = arith.cmpf ogt, %get3A_273, %gt3A_282 : vector<16xf32>
        %convert_element_type3A_284 = arith.extui %gt3A_283 : vector<16xi1> to vector<16xi32>
        %mul3A_285 = arith.constant 2 : i32
        %mul3A_286 = vector.broadcast %mul3A_285 : i32 to vector<16xi32>
        %mul3A_287 = arith.muli %mul3A_286, %convert_element_type3A_284 : vector<16xi32>
        %add3A_288 = arith.addi %convert_element_type3A_280, %mul3A_287 : vector<16xi32>
        %gt3A_289 = arith.constant 0.000000e+00 : f32
        %gt3A_290 = vector.broadcast %gt3A_289 : f32 to vector<16xf32>
        %gt3A_291 = arith.cmpf ogt, %get3A_275, %gt3A_290 : vector<16xf32>
        %convert_element_type3A_292 = arith.extui %gt3A_291 : vector<16xi1> to vector<16xi32>
        %mul3A_293 = arith.constant 4 : i32
        %mul3A_294 = vector.broadcast %mul3A_293 : i32 to vector<16xi32>
        %mul3A_295 = arith.muli %mul3A_294, %convert_element_type3A_292 : vector<16xi32>
        %add3A_296 = arith.addi %add3A_288, %mul3A_295 : vector<16xi32>
        %gt3A_297 = arith.constant 0.000000e+00 : f32
        %gt3A_298 = vector.broadcast %gt3A_297 : f32 to vector<16xf32>
        %gt3A_299 = arith.cmpf ogt, %get3A_277, %gt3A_298 : vector<16xf32>
        %convert_element_type3A_300 = arith.extui %gt3A_299 : vector<16xi1> to vector<16xi32>
        %mul3A_301 = arith.constant 8 : i32
        %mul3A_302 = vector.broadcast %mul3A_301 : i32 to vector<16xi32>
        %mul3A_303 = arith.muli %mul3A_302, %convert_element_type3A_300 : vector<16xi32>
        %add3A_304 = arith.addi %add3A_296, %mul3A_303 : vector<16xi32>
        %mul3A_305 = arith.constant 6 : i32
        %mul3A_306 = vector.broadcast %mul3A_305 : i32 to vector<16xi32>
        %mul3A_307 = arith.muli %add3A_304, %mul3A_306 : vector<16xi32>
        %add3A_308 = vector.broadcast %min3A_219 : i32 to vector<16xi32>
        %add3A_309 = arith.addi %add3A_308, %add3A_246 : vector<16xi32>
        %mul3A_310 = arith.constant 6 : i32
        %mul3A_311 = vector.broadcast %mul3A_310 : i32 to vector<16xi32>
        %mul3A_312 = arith.muli %add3A_309, %mul3A_311 : vector<16xi32>
        %add3A_313 = arith.constant 0 : i32
        %add3A_314 = vector.broadcast %add3A_313 : i32 to vector<16xi32>
        %add3A_315 = arith.addi %mul3A_307, %add3A_314 : vector<16xi32>
        %gather3A = tpu.vector_load_idx %arg62[%add3A_315] : memref<96xi32, #tpu.memory_space<vmem>>[vector<16xi32>], vector<16xi32>,
        %ge3A = arith.constant 0 : i32
        %ge3A_316 = vector.broadcast %ge3A : i32 to vector<16xi32>
        %ge3A_317 = arith.cmpi sge, %gather3A, %ge3A_316 : vector<16xi32>
        %jit3A_318 = arith.constant 0 : i32
        %broadcast_in_dim3A = vector.broadcast %jit3A_318 : i32 to vector<16xi32>
        %select_n3A_319 = arith.select %ge3A_317, %gather3A, %broadcast_in_dim3A : vector<16xi1>, vector<16xi32>
        %add3A_320 = arith.addi %mul3A_312, %select_n3A_319 : vector<16xi32>
        %mul3A_321 = arith.constant 2 : i32
        %mul3A_322 = vector.broadcast %mul3A_321 : i32 to vector<16xi32>
        %mul3A_323 = arith.muli %mul3A_322, %add3A_246 : vector<16xi32>
        %add3A_324 = arith.constant 0 : i32
        %add3A_325 = vector.broadcast %add3A_324 : i32 to vector<16xi32>
        %add3A_326 = arith.addi %mul3A_323, %add3A_325 : vector<16xi32>
        tpu.vector_store_idx %arg66[%add3A_326], %add3A_320 : memref<2368xi32, #tpu.memory_space<vmem>>[vector<16xi32>], vector<16xi32>,
        %add3A_327 = arith.constant 1 : i32
        %add3A_328 = vector.broadcast %add3A_327 : i32 to vector<16xi32>
        %add3A_329 = arith.addi %mul3A_307, %add3A_328 : vector<16xi32>
        %gather3A_330 = tpu.vector_load_idx %arg62[%add3A_329] : memref<96xi32, #tpu.memory_space<vmem>>[vector<16xi32>], vector<16xi32>,
        %ge3A_331 = arith.constant 0 : i32
        %ge3A_332 = vector.broadcast %ge3A_331 : i32 to vector<16xi32>
        %ge3A_333 = arith.cmpi sge, %gather3A_330, %ge3A_332 : vector<16xi32>
        %jit3A_334 = arith.constant 0 : i32
        %broadcast_in_dim3A_335 = vector.broadcast %jit3A_334 : i32 to vector<16xi32>
        %select_n3A_336 = arith.select %ge3A_333, %gather3A_330, %broadcast_in_dim3A_335 : vector<16xi1>, vector<16xi32>
        %add3A_337 = arith.addi %mul3A_312, %select_n3A_336 : vector<16xi32>
        %mul3A_338 = arith.constant 2 : i32
        %mul3A_339 = vector.broadcast %mul3A_338 : i32 to vector<16xi32>
        %mul3A_340 = arith.muli %mul3A_339, %add3A_246 : vector<16xi32>
        %add3A_341 = arith.constant 0 : i32
        %add3A_342 = vector.broadcast %add3A_341 : i32 to vector<16xi32>
        %add3A_343 = arith.addi %mul3A_340, %add3A_342 : vector<16xi32>
        tpu.vector_store_idx %arg67[%add3A_343], %add3A_337 : memref<2368xi32, #tpu.memory_space<vmem>>[vector<16xi32>], vector<16xi32>,
        %add3A_344 = arith.constant 2 : i32
        %add3A_345 = vector.broadcast %add3A_344 : i32 to vector<16xi32>
        %add3A_346 = arith.addi %mul3A_307, %add3A_345 : vector<16xi32>
        %gather3A_347 = tpu.vector_load_idx %arg62[%add3A_346] : memref<96xi32, #tpu.memory_space<vmem>>[vector<16xi32>], vector<16xi32>,
        %ge3A_348 = arith.constant 0 : i32
        %ge3A_349 = vector.broadcast %ge3A_348 : i32 to vector<16xi32>
        %ge3A_350 = arith.cmpi sge, %gather3A_347, %ge3A_349 : vector<16xi32>
        %jit3A_351 = arith.constant 0 : i32
        %broadcast_in_dim3A_352 = vector.broadcast %jit3A_351 : i32 to vector<16xi32>
        %select_n3A_353 = arith.select %ge3A_350, %gather3A_347, %broadcast_in_dim3A_352 : vector<16xi1>, vector<16xi32>
        %add3A_354 = arith.addi %mul3A_312, %select_n3A_353 : vector<16xi32>
        %mul3A_355 = arith.constant 2 : i32
        %mul3A_356 = vector.broadcast %mul3A_355 : i32 to vector<16xi32>
        %mul3A_357 = arith.muli %mul3A_356, %add3A_246 : vector<16xi32>
        %add3A_358 = arith.constant 0 : i32
        %add3A_359 = vector.broadcast %add3A_358 : i32 to vector<16xi32>
        %add3A_360 = arith.addi %mul3A_357, %add3A_359 : vector<16xi32>
        tpu.vector_store_idx %arg68[%add3A_360], %add3A_354 : memref<2368xi32, #tpu.memory_space<vmem>>[vector<16xi32>], vector<16xi32>,
        %add3A_361 = arith.constant 3 : i32
        %add3A_362 = vector.broadcast %add3A_361 : i32 to vector<16xi32>
        %add3A_363 = arith.addi %mul3A_307, %add3A_362 : vector<16xi32>
        %gather3A_364 = tpu.vector_load_idx %arg62[%add3A_363] : memref<96xi32, #tpu.memory_space<vmem>>[vector<16xi32>], vector<16xi32>,
        %ge3A_365 = arith.constant 0 : i32
        %ge3A_366 = vector.broadcast %ge3A_365 : i32 to vector<16xi32>
        %ge3A_367 = arith.cmpi sge, %gather3A_364, %ge3A_366 : vector<16xi32>
        %jit3A_368 = arith.constant 0 : i32
        %broadcast_in_dim3A_369 = vector.broadcast %jit3A_368 : i32 to vector<16xi32>
        %select_n3A_370 = arith.select %ge3A_367, %gather3A_364, %broadcast_in_dim3A_369 : vector<16xi1>, vector<16xi32>
        %add3A_371 = arith.addi %mul3A_312, %select_n3A_370 : vector<16xi32>
        %mul3A_372 = arith.constant 2 : i32
        %mul3A_373 = vector.broadcast %mul3A_372 : i32 to vector<16xi32>
        %mul3A_374 = arith.muli %mul3A_373, %add3A_246 : vector<16xi32>
        %add3A_375 = arith.constant 1 : i32
        %add3A_376 = vector.broadcast %add3A_375 : i32 to vector<16xi32>
        %add3A_377 = arith.addi %mul3A_374, %add3A_376 : vector<16xi32>
        tpu.vector_store_idx %arg66[%add3A_377], %add3A_371 : memref<2368xi32, #tpu.memory_space<vmem>>[vector<16xi32>], vector<16xi32>,
        %add3A_378 = arith.constant 4 : i32
        %add3A_379 = vector.broadcast %add3A_378 : i32 to vector<16xi32>
        %add3A_380 = arith.addi %mul3A_307, %add3A_379 : vector<16xi32>
        %gather3A_381 = tpu.vector_load_idx %arg62[%add3A_380] : memref<96xi32, #tpu.memory_space<vmem>>[vector<16xi32>], vector<16xi32>,
        %ge3A_382 = arith.constant 0 : i32
        %ge3A_383 = vector.broadcast %ge3A_382 : i32 to vector<16xi32>
        %ge3A_384 = arith.cmpi sge, %gather3A_381, %ge3A_383 : vector<16xi32>
        %jit3A_385 = arith.constant 0 : i32
        %broadcast_in_dim3A_386 = vector.broadcast %jit3A_385 : i32 to vector<16xi32>
        %select_n3A_387 = arith.select %ge3A_384, %gather3A_381, %broadcast_in_dim3A_386 : vector<16xi1>, vector<16xi32>
        %add3A_388 = arith.addi %mul3A_312, %select_n3A_387 : vector<16xi32>
        %mul3A_389 = arith.constant 2 : i32
        %mul3A_390 = vector.broadcast %mul3A_389 : i32 to vector<16xi32>
        %mul3A_391 = arith.muli %mul3A_390, %add3A_246 : vector<16xi32>
        %add3A_392 = arith.constant 1 : i32
        %add3A_393 = vector.broadcast %add3A_392 : i32 to vector<16xi32>
        %add3A_394 = arith.addi %mul3A_391, %add3A_393 : vector<16xi32>
        tpu.vector_store_idx %arg67[%add3A_394], %add3A_388 : memref<2368xi32, #tpu.memory_space<vmem>>[vector<16xi32>], vector<16xi32>,
        %add3A_395 = arith.constant 5 : i32
        %add3A_396 = vector.broadcast %add3A_395 : i32 to vector<16xi32>
        %add3A_397 = arith.addi %mul3A_307, %add3A_396 : vector<16xi32>
        %gather3A_398 = tpu.vector_load_idx %arg62[%add3A_397] : memref<96xi32, #tpu.memory_space<vmem>>[vector<16xi32>], vector<16xi32>,
        %ge3A_399 = arith.constant 0 : i32
        %ge3A_400 = vector.broadcast %ge3A_399 : i32 to vector<16xi32>
        %ge3A_401 = arith.cmpi sge, %gather3A_398, %ge3A_400 : vector<16xi32>
        %jit3A_402 = arith.constant 0 : i32
        %broadcast_in_dim3A_403 = vector.broadcast %jit3A_402 : i32 to vector<16xi32>
        %select_n3A_404 = arith.select %ge3A_401, %gather3A_398, %broadcast_in_dim3A_403 : vector<16xi1>, vector<16xi32>
        %add3A_405 = arith.addi %mul3A_312, %select_n3A_404 : vector<16xi32>
        %mul3A_406 = arith.constant 2 : i32
        %mul3A_407 = vector.broadcast %mul3A_406 : i32 to vector<16xi32>
        %mul3A_408 = arith.muli %mul3A_407, %add3A_246 : vector<16xi32>
        %add3A_409 = arith.constant 1 : i32
        %add3A_410 = vector.broadcast %add3A_409 : i32 to vector<16xi32>
        %add3A_411 = arith.addi %mul3A_408, %add3A_410 : vector<16xi32>
        tpu.vector_store_idx %arg68[%add3A_411], %add3A_405 : memref<2368xi32, #tpu.memory_space<vmem>>[vector<16xi32>], vector<16xi32>,
        %and3A = arith.andi %ge3A_317, %ge3A_333 : vector<16xi1>
        %and3A_412 = arith.andi %and3A, %ge3A_350 : vector<16xi1>
        %mul3A_413 = arith.constant 2 : i32
        %mul3A_414 = vector.broadcast %mul3A_413 : i32 to vector<16xi32>
        %mul3A_415 = arith.muli %mul3A_414, %add3A_246 : vector<16xi32>
        %add3A_416 = arith.constant 0 : i32
        %add3A_417 = vector.broadcast %add3A_416 : i32 to vector<16xi32>
        %add3A_418 = arith.addi %mul3A_415, %add3A_417 : vector<16xi32>
        %convert_element_type3A_419 = arith.extui %and3A_412 : vector<16xi1> to vector<16xi32>
        tpu.vector_store_idx %arg69[%add3A_418], %convert_element_type3A_419 : memref<2368xi32, #tpu.memory_space<vmem>>[vector<16xi32>], vector<16xi32>,
        %and3A_420 = arith.andi %ge3A_367, %ge3A_384 : vector<16xi1>
        %and3A_421 = arith.andi %and3A_420, %ge3A_401 : vector<16xi1>
        %mul3A_422 = arith.constant 2 : i32
        %mul3A_423 = vector.broadcast %mul3A_422 : i32 to vector<16xi32>
        %mul3A_424 = arith.muli %mul3A_423, %add3A_246 : vector<16xi32>
        %add3A_425 = arith.constant 1 : i32
        %add3A_426 = vector.broadcast %add3A_425 : i32 to vector<16xi32>
        %add3A_427 = arith.addi %mul3A_424, %add3A_426 : vector<16xi32>
        %convert_element_type3A_428 = arith.extui %and3A_421 : vector<16xi1> to vector<16xi32>
        tpu.vector_store_idx %arg69[%add3A_427], %convert_element_type3A_428 : memref<2368xi32, #tpu.memory_space<vmem>>[vector<16xi32>], vector<16xi32>,
        %mul3A_429 = arith.constant 6 : i32
        %mul3A_430 = vector.broadcast %mul3A_429 : i32 to vector<16xi32>
        %mul3A_431 = arith.muli %add3A_246, %mul3A_430 : vector<16xi32>
        %sub3A_432 = arith.subf %get3A_273, %get3A_271 : vector<16xf32>
        %abs3A = math.absf %sub3A_432 : vector<16xf32>
        %lt3A_433 = arith.constant 1.000000e-10 : f32
        %lt3A_434 = vector.broadcast %lt3A_433 : f32 to vector<16xf32>
        %lt3A_435 = arith.cmpf olt, %abs3A, %lt3A_434 : vector<16xf32>
        %jit3A_436 = arith.constant 1.000000e+00 : f32
        %broadcast_in_dim3A_437 = vector.broadcast %jit3A_436 : f32 to vector<16xf32>
        %select_n3A_438 = arith.select %lt3A_435, %broadcast_in_dim3A_437, %sub3A_432 : vector<16xi1>, vector<16xf32>
        %div3A = arith.divf %get3A_273, %select_n3A_438 : vector<16xf32>
        %jit3A_439 = arith.constant 5.000000e-01 : f32
        %broadcast_in_dim3A_440 = vector.broadcast %jit3A_439 : f32 to vector<16xf32>
        %select_n3A_441 = arith.select %lt3A_435, %broadcast_in_dim3A_440, %div3A : vector<16xi1>, vector<16xf32>
        %sub3A_442 = arith.constant 1.000000e+00 : f32
        %sub3A_443 = vector.broadcast %sub3A_442 : f32 to vector<16xf32>
        %sub3A_444 = arith.subf %sub3A_443, %select_n3A_441 : vector<16xf32>
        %add3A_445 = arith.constant 0 : i32
        %add3A_446 = vector.broadcast %add3A_445 : i32 to vector<16xi32>
        %add3A_447 = arith.addi %mul3A_431, %add3A_446 : vector<16xi32>
        %mul3A_448 = arith.mulf %get3A_247, %select_n3A_441 : vector<16xf32>
        %mul3A_449 = arith.mulf %get3A_249, %sub3A_444 : vector<16xf32>
        %add3A_450 = arith.addf %mul3A_448, %mul3A_449 : vector<16xf32>
        tpu.vector_store_idx %arg63[%add3A_447], %add3A_450 : memref<7104xf32, #tpu.memory_space<vmem>>[vector<16xi32>], vector<16xf32>,
        %add3A_451 = arith.constant 0 : i32
        %add3A_452 = vector.broadcast %add3A_451 : i32 to vector<16xi32>
        %add3A_453 = arith.addi %mul3A_431, %add3A_452 : vector<16xi32>
        %mul3A_454 = arith.mulf %get3A_255, %select_n3A_441 : vector<16xf32>
        %mul3A_455 = arith.mulf %get3A_257, %sub3A_444 : vector<16xf32>
        %add3A_456 = arith.addf %mul3A_454, %mul3A_455 : vector<16xf32>
        tpu.vector_store_idx %arg64[%add3A_453], %add3A_456 : memref<7104xf32, #tpu.memory_space<vmem>>[vector<16xi32>], vector<16xf32>,
        %add3A_457 = arith.constant 0 : i32
        %add3A_458 = vector.broadcast %add3A_457 : i32 to vector<16xi32>
        %add3A_459 = arith.addi %mul3A_431, %add3A_458 : vector<16xi32>
        %mul3A_460 = arith.mulf %get3A_263, %select_n3A_441 : vector<16xf32>
        %mul3A_461 = arith.mulf %get3A_265, %sub3A_444 : vector<16xf32>
        %add3A_462 = arith.addf %mul3A_460, %mul3A_461 : vector<16xf32>
        tpu.vector_store_idx %arg65[%add3A_459], %add3A_462 : memref<7104xf32, #tpu.memory_space<vmem>>[vector<16xi32>], vector<16xf32>,
        %sub3A_463 = arith.subf %get3A_275, %get3A_271 : vector<16xf32>
        %abs3A_464 = math.absf %sub3A_463 : vector<16xf32>
        %lt3A_465 = arith.constant 1.000000e-10 : f32
        %lt3A_466 = vector.broadcast %lt3A_465 : f32 to vector<16xf32>
        %lt3A_467 = arith.cmpf olt, %abs3A_464, %lt3A_466 : vector<16xf32>
        %jit3A_468 = arith.constant 1.000000e+00 : f32
        %broadcast_in_dim3A_469 = vector.broadcast %jit3A_468 : f32 to vector<16xf32>
        %select_n3A_470 = arith.select %lt3A_467, %broadcast_in_dim3A_469, %sub3A_463 : vector<16xi1>, vector<16xf32>
        %div3A_471 = arith.divf %get3A_275, %select_n3A_470 : vector<16xf32>
        %jit3A_472 = arith.constant 5.000000e-01 : f32
        %broadcast_in_dim3A_473 = vector.broadcast %jit3A_472 : f32 to vector<16xf32>
        %select_n3A_474 = arith.select %lt3A_467, %broadcast_in_dim3A_473, %div3A_471 : vector<16xi1>, vector<16xf32>
        %sub3A_475 = arith.constant 1.000000e+00 : f32
        %sub3A_476 = vector.broadcast %sub3A_475 : f32 to vector<16xf32>
        %sub3A_477 = arith.subf %sub3A_476, %select_n3A_474 : vector<16xf32>
        %add3A_478 = arith.constant 1 : i32
        %add3A_479 = vector.broadcast %add3A_478 : i32 to vector<16xi32>
        %add3A_480 = arith.addi %mul3A_431, %add3A_479 : vector<16xi32>
        %mul3A_481 = arith.mulf %get3A_247, %select_n3A_474 : vector<16xf32>
        %mul3A_482 = arith.mulf %get3A_251, %sub3A_477 : vector<16xf32>
        %add3A_483 = arith.addf %mul3A_481, %mul3A_482 : vector<16xf32>
        tpu.vector_store_idx %arg63[%add3A_480], %add3A_483 : memref<7104xf32, #tpu.memory_space<vmem>>[vector<16xi32>], vector<16xf32>,
        %add3A_484 = arith.constant 1 : i32
        %add3A_485 = vector.broadcast %add3A_484 : i32 to vector<16xi32>
        %add3A_486 = arith.addi %mul3A_431, %add3A_485 : vector<16xi32>
        %mul3A_487 = arith.mulf %get3A_255, %select_n3A_474 : vector<16xf32>
        %mul3A_488 = arith.mulf %get3A_259, %sub3A_477 : vector<16xf32>
        %add3A_489 = arith.addf %mul3A_487, %mul3A_488 : vector<16xf32>
        tpu.vector_store_idx %arg64[%add3A_486], %add3A_489 : memref<7104xf32, #tpu.memory_space<vmem>>[vector<16xi32>], vector<16xf32>,
        %add3A_490 = arith.constant 1 : i32
        %add3A_491 = vector.broadcast %add3A_490 : i32 to vector<16xi32>
        %add3A_492 = arith.addi %mul3A_431, %add3A_491 : vector<16xi32>
        %mul3A_493 = arith.mulf %get3A_263, %select_n3A_474 : vector<16xf32>
        %mul3A_494 = arith.mulf %get3A_267, %sub3A_477 : vector<16xf32>
        %add3A_495 = arith.addf %mul3A_493, %mul3A_494 : vector<16xf32>
        tpu.vector_store_idx %arg65[%add3A_492], %add3A_495 : memref<7104xf32, #tpu.memory_space<vmem>>[vector<16xi32>], vector<16xf32>,
        %sub3A_496 = arith.subf %get3A_277, %get3A_271 : vector<16xf32>
        %abs3A_497 = math.absf %sub3A_496 : vector<16xf32>
        %lt3A_498 = arith.constant 1.000000e-10 : f32
        %lt3A_499 = vector.broadcast %lt3A_498 : f32 to vector<16xf32>
        %lt3A_500 = arith.cmpf olt, %abs3A_497, %lt3A_499 : vector<16xf32>
        %jit3A_501 = arith.constant 1.000000e+00 : f32
        %broadcast_in_dim3A_502 = vector.broadcast %jit3A_501 : f32 to vector<16xf32>
        %select_n3A_503 = arith.select %lt3A_500, %broadcast_in_dim3A_502, %sub3A_496 : vector<16xi1>, vector<16xf32>
        %div3A_504 = arith.divf %get3A_277, %select_n3A_503 : vector<16xf32>
        %jit3A_505 = arith.constant 5.000000e-01 : f32
        %broadcast_in_dim3A_506 = vector.broadcast %jit3A_505 : f32 to vector<16xf32>
        %select_n3A_507 = arith.select %lt3A_500, %broadcast_in_dim3A_506, %div3A_504 : vector<16xi1>, vector<16xf32>
        %sub3A_508 = arith.constant 1.000000e+00 : f32
        %sub3A_509 = vector.broadcast %sub3A_508 : f32 to vector<16xf32>
        %sub3A_510 = arith.subf %sub3A_509, %select_n3A_507 : vector<16xf32>
        %add3A_511 = arith.constant 2 : i32
        %add3A_512 = vector.broadcast %add3A_511 : i32 to vector<16xi32>
        %add3A_513 = arith.addi %mul3A_431, %add3A_512 : vector<16xi32>
        %mul3A_514 = arith.mulf %get3A_247, %select_n3A_507 : vector<16xf32>
        %mul3A_515 = arith.mulf %get3A_253, %sub3A_510 : vector<16xf32>
        %add3A_516 = arith.addf %mul3A_514, %mul3A_515 : vector<16xf32>
        tpu.vector_store_idx %arg63[%add3A_513], %add3A_516 : memref<7104xf32, #tpu.memory_space<vmem>>[vector<16xi32>], vector<16xf32>,
        %add3A_517 = arith.constant 2 : i32
        %add3A_518 = vector.broadcast %add3A_517 : i32 to vector<16xi32>
        %add3A_519 = arith.addi %mul3A_431, %add3A_518 : vector<16xi32>
        %mul3A_520 = arith.mulf %get3A_255, %select_n3A_507 : vector<16xf32>
        %mul3A_521 = arith.mulf %get3A_261, %sub3A_510 : vector<16xf32>
        %add3A_522 = arith.addf %mul3A_520, %mul3A_521 : vector<16xf32>
        tpu.vector_store_idx %arg64[%add3A_519], %add3A_522 : memref<7104xf32, #tpu.memory_space<vmem>>[vector<16xi32>], vector<16xf32>,
        %add3A_523 = arith.constant 2 : i32
        %add3A_524 = vector.broadcast %add3A_523 : i32 to vector<16xi32>
        %add3A_525 = arith.addi %mul3A_431, %add3A_524 : vector<16xi32>
        %mul3A_526 = arith.mulf %get3A_263, %select_n3A_507 : vector<16xf32>
        %mul3A_527 = arith.mulf %get3A_269, %sub3A_510 : vector<16xf32>
        %add3A_528 = arith.addf %mul3A_526, %mul3A_527 : vector<16xf32>
        tpu.vector_store_idx %arg65[%add3A_525], %add3A_528 : memref<7104xf32, #tpu.memory_space<vmem>>[vector<16xi32>], vector<16xf32>,
        %sub3A_529 = arith.subf %get3A_275, %get3A_273 : vector<16xf32>
        %abs3A_530 = math.absf %sub3A_529 : vector<16xf32>
        %lt3A_531 = arith.constant 1.000000e-10 : f32
        %lt3A_532 = vector.broadcast %lt3A_531 : f32 to vector<16xf32>
        %lt3A_533 = arith.cmpf olt, %abs3A_530, %lt3A_532 : vector<16xf32>
        %jit3A_534 = arith.constant 1.000000e+00 : f32
        %broadcast_in_dim3A_535 = vector.broadcast %jit3A_534 : f32 to vector<16xf32>
        %select_n3A_536 = arith.select %lt3A_533, %broadcast_in_dim3A_535, %sub3A_529 : vector<16xi1>, vector<16xf32>
        %div3A_537 = arith.divf %get3A_275, %select_n3A_536 : vector<16xf32>
        %jit3A_538 = arith.constant 5.000000e-01 : f32
        %broadcast_in_dim3A_539 = vector.broadcast %jit3A_538 : f32 to vector<16xf32>
        %select_n3A_540 = arith.select %lt3A_533, %broadcast_in_dim3A_539, %div3A_537 : vector<16xi1>, vector<16xf32>
        %sub3A_541 = arith.constant 1.000000e+00 : f32
        %sub3A_542 = vector.broadcast %sub3A_541 : f32 to vector<16xf32>
        %sub3A_543 = arith.subf %sub3A_542, %select_n3A_540 : vector<16xf32>
        %add3A_544 = arith.constant 3 : i32
        %add3A_545 = vector.broadcast %add3A_544 : i32 to vector<16xi32>
        %add3A_546 = arith.addi %mul3A_431, %add3A_545 : vector<16xi32>
        %mul3A_547 = arith.mulf %get3A_249, %select_n3A_540 : vector<16xf32>
        %mul3A_548 = arith.mulf %get3A_251, %sub3A_543 : vector<16xf32>
        %add3A_549 = arith.addf %mul3A_547, %mul3A_548 : vector<16xf32>
        tpu.vector_store_idx %arg63[%add3A_546], %add3A_549 : memref<7104xf32, #tpu.memory_space<vmem>>[vector<16xi32>], vector<16xf32>,
        %add3A_550 = arith.constant 3 : i32
        %add3A_551 = vector.broadcast %add3A_550 : i32 to vector<16xi32>
        %add3A_552 = arith.addi %mul3A_431, %add3A_551 : vector<16xi32>
        %mul3A_553 = arith.mulf %get3A_257, %select_n3A_540 : vector<16xf32>
        %mul3A_554 = arith.mulf %get3A_259, %sub3A_543 : vector<16xf32>
        %add3A_555 = arith.addf %mul3A_553, %mul3A_554 : vector<16xf32>
        tpu.vector_store_idx %arg64[%add3A_552], %add3A_555 : memref<7104xf32, #tpu.memory_space<vmem>>[vector<16xi32>], vector<16xf32>,
        %add3A_556 = arith.constant 3 : i32
        %add3A_557 = vector.broadcast %add3A_556 : i32 to vector<16xi32>
        %add3A_558 = arith.addi %mul3A_431, %add3A_557 : vector<16xi32>
        %mul3A_559 = arith.mulf %get3A_265, %select_n3A_540 : vector<16xf32>
        %mul3A_560 = arith.mulf %get3A_267, %sub3A_543 : vector<16xf32>
        %add3A_561 = arith.addf %mul3A_559, %mul3A_560 : vector<16xf32>
        tpu.vector_store_idx %arg65[%add3A_558], %add3A_561 : memref<7104xf32, #tpu.memory_space<vmem>>[vector<16xi32>], vector<16xf32>,
        %sub3A_562 = arith.subf %get3A_277, %get3A_273 : vector<16xf32>
        %abs3A_563 = math.absf %sub3A_562 : vector<16xf32>
        %lt3A_564 = arith.constant 1.000000e-10 : f32
        %lt3A_565 = vector.broadcast %lt3A_564 : f32 to vector<16xf32>
        %lt3A_566 = arith.cmpf olt, %abs3A_563, %lt3A_565 : vector<16xf32>
        %jit3A_567 = arith.constant 1.000000e+00 : f32
        %broadcast_in_dim3A_568 = vector.broadcast %jit3A_567 : f32 to vector<16xf32>
        %select_n3A_569 = arith.select %lt3A_566, %broadcast_in_dim3A_568, %sub3A_562 : vector<16xi1>, vector<16xf32>
        %div3A_570 = arith.divf %get3A_277, %select_n3A_569 : vector<16xf32>
        %jit3A_571 = arith.constant 5.000000e-01 : f32
        %broadcast_in_dim3A_572 = vector.broadcast %jit3A_571 : f32 to vector<16xf32>
        %select_n3A_573 = arith.select %lt3A_566, %broadcast_in_dim3A_572, %div3A_570 : vector<16xi1>, vector<16xf32>
        %sub3A_574 = arith.constant 1.000000e+00 : f32
        %sub3A_575 = vector.broadcast %sub3A_574 : f32 to vector<16xf32>
        %sub3A_576 = arith.subf %sub3A_575, %select_n3A_573 : vector<16xf32>
        %add3A_577 = arith.constant 4 : i32
        %add3A_578 = vector.broadcast %add3A_577 : i32 to vector<16xi32>
        %add3A_579 = arith.addi %mul3A_431, %add3A_578 : vector<16xi32>
        %mul3A_580 = arith.mulf %get3A_249, %select_n3A_573 : vector<16xf32>
        %mul3A_581 = arith.mulf %get3A_253, %sub3A_576 : vector<16xf32>
        %add3A_582 = arith.addf %mul3A_580, %mul3A_581 : vector<16xf32>
        tpu.vector_store_idx %arg63[%add3A_579], %add3A_582 : memref<7104xf32, #tpu.memory_space<vmem>>[vector<16xi32>], vector<16xf32>,
        %add3A_583 = arith.constant 4 : i32
        %add3A_584 = vector.broadcast %add3A_583 : i32 to vector<16xi32>
        %add3A_585 = arith.addi %mul3A_431, %add3A_584 : vector<16xi32>
        %mul3A_586 = arith.mulf %get3A_257, %select_n3A_573 : vector<16xf32>
        %mul3A_587 = arith.mulf %get3A_261, %sub3A_576 : vector<16xf32>
        %add3A_588 = arith.addf %mul3A_586, %mul3A_587 : vector<16xf32>
        tpu.vector_store_idx %arg64[%add3A_585], %add3A_588 : memref<7104xf32, #tpu.memory_space<vmem>>[vector<16xi32>], vector<16xf32>,
        %add3A_589 = arith.constant 4 : i32
        %add3A_590 = vector.broadcast %add3A_589 : i32 to vector<16xi32>
        %add3A_591 = arith.addi %mul3A_431, %add3A_590 : vector<16xi32>
        %mul3A_592 = arith.mulf %get3A_265, %select_n3A_573 : vector<16xf32>
        %mul3A_593 = arith.mulf %get3A_269, %sub3A_576 : vector<16xf32>
        %add3A_594 = arith.addf %mul3A_592, %mul3A_593 : vector<16xf32>
        tpu.vector_store_idx %arg65[%add3A_591], %add3A_594 : memref<7104xf32, #tpu.memory_space<vmem>>[vector<16xi32>], vector<16xf32>,
        %sub3A_595 = arith.subf %get3A_277, %get3A_275 : vector<16xf32>
        %abs3A_596 = math.absf %sub3A_595 : vector<16xf32>
        %lt3A_597 = arith.constant 1.000000e-10 : f32
        %lt3A_598 = vector.broadcast %lt3A_597 : f32 to vector<16xf32>
        %lt3A_599 = arith.cmpf olt, %abs3A_596, %lt3A_598 : vector<16xf32>
        %jit3A_600 = arith.constant 1.000000e+00 : f32
        %broadcast_in_dim3A_601 = vector.broadcast %jit3A_600 : f32 to vector<16xf32>
        %select_n3A_602 = arith.select %lt3A_599, %broadcast_in_dim3A_601, %sub3A_595 : vector<16xi1>, vector<16xf32>
        %div3A_603 = arith.divf %get3A_277, %select_n3A_602 : vector<16xf32>
        %jit3A_604 = arith.constant 5.000000e-01 : f32
        %broadcast_in_dim3A_605 = vector.broadcast %jit3A_604 : f32 to vector<16xf32>
        %select_n3A_606 = arith.select %lt3A_599, %broadcast_in_dim3A_605, %div3A_603 : vector<16xi1>, vector<16xf32>
        %sub3A_607 = arith.constant 1.000000e+00 : f32
        %sub3A_608 = vector.broadcast %sub3A_607 : f32 to vector<16xf32>
        %sub3A_609 = arith.subf %sub3A_608, %select_n3A_606 : vector<16xf32>
        %add3A_610 = arith.constant 5 : i32
        %add3A_611 = vector.broadcast %add3A_610 : i32 to vector<16xi32>
        %add3A_612 = arith.addi %mul3A_431, %add3A_611 : vector<16xi32>
        %mul3A_613 = arith.mulf %get3A_251, %select_n3A_606 : vector<16xf32>
        %mul3A_614 = arith.mulf %get3A_253, %sub3A_609 : vector<16xf32>
        %add3A_615 = arith.addf %mul3A_613, %mul3A_614 : vector<16xf32>
        tpu.vector_store_idx %arg63[%add3A_612], %add3A_615 : memref<7104xf32, #tpu.memory_space<vmem>>[vector<16xi32>], vector<16xf32>,
        %add3A_616 = arith.constant 5 : i32
        %add3A_617 = vector.broadcast %add3A_616 : i32 to vector<16xi32>
        %add3A_618 = arith.addi %mul3A_431, %add3A_617 : vector<16xi32>
        %mul3A_619 = arith.mulf %get3A_259, %select_n3A_606 : vector<16xf32>
        %mul3A_620 = arith.mulf %get3A_261, %sub3A_609 : vector<16xf32>
        %add3A_621 = arith.addf %mul3A_619, %mul3A_620 : vector<16xf32>
        tpu.vector_store_idx %arg64[%add3A_618], %add3A_621 : memref<7104xf32, #tpu.memory_space<vmem>>[vector<16xi32>], vector<16xf32>,
        %add3A_622 = arith.constant 5 : i32
        %add3A_623 = vector.broadcast %add3A_622 : i32 to vector<16xi32>
        %add3A_624 = arith.addi %mul3A_431, %add3A_623 : vector<16xi32>
        %mul3A_625 = arith.mulf %get3A_267, %select_n3A_606 : vector<16xf32>
        %mul3A_626 = arith.mulf %get3A_269, %sub3A_609 : vector<16xf32>
        %add3A_627 = arith.addf %mul3A_625, %mul3A_626 : vector<16xf32>
        tpu.vector_store_idx %arg65[%add3A_624], %add3A_627 : memref<7104xf32, #tpu.memory_space<vmem>>[vector<16xi32>], vector<16xf32>,
      }
      %scan3A_225 = arith.constant 74 : i32
      %mul3A_226 = arith.constant 6 : i32
      %mul3A_227 = arith.muli %min3A_219, %mul3A_226 : i32
      "tpu.region"() ({
        %run_scoped3A = tpu.sem_alloc : memref<!tpu.dma_semaphore, #tpu.memory_space<semaphore_mem>>
        %dma_start3A_240 = tpu.memref_slice %arg11[%mul3A_227] : memref<1800000xf32, #tpu.memory_space<hbm>> -> memref<7104xf32, #tpu.memory_space<hbm>>
        %dma_start3A_241 = tpu.memref_slice %arg11[%mul3A_227] : memref<1800000xf32, #tpu.memory_space<hbm>> -> memref<7104xf32, #tpu.memory_space<hbm>>
        tpu.enqueue_dma source(%arg63 : memref<7104xf32, #tpu.memory_space<vmem>>) target(%dma_start3A_241 : memref<7104xf32, #tpu.memory_space<hbm>>) target_semaphore(%run_scoped3A : memref<!tpu.dma_semaphore, #tpu.memory_space<semaphore_mem>>)
        %dma_wait3A_242 = tpu.memref_slice %arg11[%mul3A_227] : memref<1800000xf32, #tpu.memory_space<hbm>> -> memref<7104xf32, #tpu.memory_space<hbm>>
        %dma_wait3A_243 = tpu.memref_slice %arg11[%mul3A_227] : memref<1800000xf32, #tpu.memory_space<hbm>> -> memref<7104xf32, #tpu.memory_space<hbm>>
        tpu.wait_dma2 semaphore(%run_scoped3A : memref<!tpu.dma_semaphore, #tpu.memory_space<semaphore_mem>>) src(%arg63 : memref<7104xf32, #tpu.memory_space<vmem>>) dst(%dma_wait3A_243 : memref<7104xf32, #tpu.memory_space<hbm>>)
        tpu.yield
      }) : () -> ()
      %mul3A_228 = arith.constant 6 : i32
      %mul3A_229 = arith.muli %min3A_219, %mul3A_228 : i32
      "tpu.region"() ({
        %run_scoped3A = tpu.sem_alloc : memref<!tpu.dma_semaphore, #tpu.memory_space<semaphore_mem>>
        %dma_start3A_240 = tpu.memref_slice %arg12[%mul3A_229] : memref<1800000xf32, #tpu.memory_space<hbm>> -> memref<7104xf32, #tpu.memory_space<hbm>>
        %dma_start3A_241 = tpu.memref_slice %arg12[%mul3A_229] : memref<1800000xf32, #tpu.memory_space<hbm>> -> memref<7104xf32, #tpu.memory_space<hbm>>
        tpu.enqueue_dma source(%arg64 : memref<7104xf32, #tpu.memory_space<vmem>>) target(%dma_start3A_241 : memref<7104xf32, #tpu.memory_space<hbm>>) target_semaphore(%run_scoped3A : memref<!tpu.dma_semaphore, #tpu.memory_space<semaphore_mem>>)
        %dma_wait3A_242 = tpu.memref_slice %arg12[%mul3A_229] : memref<1800000xf32, #tpu.memory_space<hbm>> -> memref<7104xf32, #tpu.memory_space<hbm>>
        %dma_wait3A_243 = tpu.memref_slice %arg12[%mul3A_229] : memref<1800000xf32, #tpu.memory_space<hbm>> -> memref<7104xf32, #tpu.memory_space<hbm>>
        tpu.wait_dma2 semaphore(%run_scoped3A : memref<!tpu.dma_semaphore, #tpu.memory_space<semaphore_mem>>) src(%arg64 : memref<7104xf32, #tpu.memory_space<vmem>>) dst(%dma_wait3A_243 : memref<7104xf32, #tpu.memory_space<hbm>>)
        tpu.yield
      }) : () -> ()
      %mul3A_230 = arith.constant 6 : i32
      %mul3A_231 = arith.muli %min3A_219, %mul3A_230 : i32
      "tpu.region"() ({
        %run_scoped3A = tpu.sem_alloc : memref<!tpu.dma_semaphore, #tpu.memory_space<semaphore_mem>>
        %dma_start3A_240 = tpu.memref_slice %arg13[%mul3A_231] : memref<1800000xf32, #tpu.memory_space<hbm>> -> memref<7104xf32, #tpu.memory_space<hbm>>
        %dma_start3A_241 = tpu.memref_slice %arg13[%mul3A_231] : memref<1800000xf32, #tpu.memory_space<hbm>> -> memref<7104xf32, #tpu.memory_space<hbm>>
        tpu.enqueue_dma source(%arg65 : memref<7104xf32, #tpu.memory_space<vmem>>) target(%dma_start3A_241 : memref<7104xf32, #tpu.memory_space<hbm>>) target_semaphore(%run_scoped3A : memref<!tpu.dma_semaphore, #tpu.memory_space<semaphore_mem>>)
        %dma_wait3A_242 = tpu.memref_slice %arg13[%mul3A_231] : memref<1800000xf32, #tpu.memory_space<hbm>> -> memref<7104xf32, #tpu.memory_space<hbm>>
        %dma_wait3A_243 = tpu.memref_slice %arg13[%mul3A_231] : memref<1800000xf32, #tpu.memory_space<hbm>> -> memref<7104xf32, #tpu.memory_space<hbm>>
        tpu.wait_dma2 semaphore(%run_scoped3A : memref<!tpu.dma_semaphore, #tpu.memory_space<semaphore_mem>>) src(%arg65 : memref<7104xf32, #tpu.memory_space<vmem>>) dst(%dma_wait3A_243 : memref<7104xf32, #tpu.memory_space<hbm>>)
        tpu.yield
      }) : () -> ()
      %mul3A_232 = arith.constant 2 : i32
      %mul3A_233 = arith.muli %min3A_219, %mul3A_232 : i32
      "tpu.region"() ({
        %run_scoped3A = tpu.sem_alloc : memref<!tpu.dma_semaphore, #tpu.memory_space<semaphore_mem>>
        %dma_start3A_240 = tpu.memref_slice %arg14[%mul3A_233] : memref<600000xi32, #tpu.memory_space<hbm>> -> memref<2368xi32, #tpu.memory_space<hbm>>
        %dma_start3A_241 = tpu.memref_slice %arg14[%mul3A_233] : memref<600000xi32, #tpu.memory_space<hbm>> -> memref<2368xi32, #tpu.memory_space<hbm>>
        tpu.enqueue_dma source(%arg66 : memref<2368xi32, #tpu.memory_space<vmem>>) target(%dma_start3A_241 : memref<2368xi32, #tpu.memory_space<hbm>>) target_semaphore(%run_scoped3A : memref<!tpu.dma_semaphore, #tpu.memory_space<semaphore_mem>>)
        %dma_wait3A_242 = tpu.memref_slice %arg14[%mul3A_233] : memref<600000xi32, #tpu.memory_space<hbm>> -> memref<2368xi32, #tpu.memory_space<hbm>>
        %dma_wait3A_243 = tpu.memref_slice %arg14[%mul3A_233] : memref<600000xi32, #tpu.memory_space<hbm>> -> memref<2368xi32, #tpu.memory_space<hbm>>
        tpu.wait_dma2 semaphore(%run_scoped3A : memref<!tpu.dma_semaphore, #tpu.memory_space<semaphore_mem>>) src(%arg66 : memref<2368xi32, #tpu.memory_space<vmem>>) dst(%dma_wait3A_243 : memref<2368xi32, #tpu.memory_space<hbm>>)
        tpu.yield
      }) : () -> ()
      %mul3A_234 = arith.constant 2 : i32
      %mul3A_235 = arith.muli %min3A_219, %mul3A_234 : i32
      "tpu.region"() ({
        %run_scoped3A = tpu.sem_alloc : memref<!tpu.dma_semaphore, #tpu.memory_space<semaphore_mem>>
        %dma_start3A_240 = tpu.memref_slice %arg15[%mul3A_235] : memref<600000xi32, #tpu.memory_space<hbm>> -> memref<2368xi32, #tpu.memory_space<hbm>>
        %dma_start3A_241 = tpu.memref_slice %arg15[%mul3A_235] : memref<600000xi32, #tpu.memory_space<hbm>> -> memref<2368xi32, #tpu.memory_space<hbm>>
        tpu.enqueue_dma source(%arg67 : memref<2368xi32, #tpu.memory_space<vmem>>) target(%dma_start3A_241 : memref<2368xi32, #tpu.memory_space<hbm>>) target_semaphore(%run_scoped3A : memref<!tpu.dma_semaphore, #tpu.memory_space<semaphore_mem>>)
        %dma_wait3A_242 = tpu.memref_slice %arg15[%mul3A_235] : memref<600000xi32, #tpu.memory_space<hbm>> -> memref<2368xi32, #tpu.memory_space<hbm>>
        %dma_wait3A_243 = tpu.memref_slice %arg15[%mul3A_235] : memref<600000xi32, #tpu.memory_space<hbm>> -> memref<2368xi32, #tpu.memory_space<hbm>>
        tpu.wait_dma2 semaphore(%run_scoped3A : memref<!tpu.dma_semaphore, #tpu.memory_space<semaphore_mem>>) src(%arg67 : memref<2368xi32, #tpu.memory_space<vmem>>) dst(%dma_wait3A_243 : memref<2368xi32, #tpu.memory_space<hbm>>)
        tpu.yield
      }) : () -> ()
      %mul3A_236 = arith.constant 2 : i32
      %mul3A_237 = arith.muli %min3A_219, %mul3A_236 : i32
      "tpu.region"() ({
        %run_scoped3A = tpu.sem_alloc : memref<!tpu.dma_semaphore, #tpu.memory_space<semaphore_mem>>
        %dma_start3A_240 = tpu.memref_slice %arg16[%mul3A_237] : memref<600000xi32, #tpu.memory_space<hbm>> -> memref<2368xi32, #tpu.memory_space<hbm>>
        %dma_start3A_241 = tpu.memref_slice %arg16[%mul3A_237] : memref<600000xi32, #tpu.memory_space<hbm>> -> memref<2368xi32, #tpu.memory_space<hbm>>
        tpu.enqueue_dma source(%arg68 : memref<2368xi32, #tpu.memory_space<vmem>>) target(%dma_start3A_241 : memref<2368xi32, #tpu.memory_space<hbm>>) target_semaphore(%run_scoped3A : memref<!tpu.dma_semaphore, #tpu.memory_space<semaphore_mem>>)
        %dma_wait3A_242 = tpu.memref_slice %arg16[%mul3A_237] : memref<600000xi32, #tpu.memory_space<hbm>> -> memref<2368xi32, #tpu.memory_space<hbm>>
        %dma_wait3A_243 = tpu.memref_slice %arg16[%mul3A_237] : memref<600000xi32, #tpu.memory_space<hbm>> -> memref<2368xi32, #tpu.memory_space<hbm>>
        tpu.wait_dma2 semaphore(%run_scoped3A : memref<!tpu.dma_semaphore, #tpu.memory_space<semaphore_mem>>) src(%arg68 : memref<2368xi32, #tpu.memory_space<vmem>>) dst(%dma_wait3A_243 : memref<2368xi32, #tpu.memory_space<hbm>>)
        tpu.yield
      }) : () -> ()
      %mul3A_238 = arith.constant 2 : i32
      %mul3A_239 = arith.muli %min3A_219, %mul3A_238 : i32
      "tpu.region"() ({
        %run_scoped3A = tpu.sem_alloc : memref<!tpu.dma_semaphore, #tpu.memory_space<semaphore_mem>>
        %dma_start3A_240 = tpu.memref_slice %arg17[%mul3A_239] : memref<600000xi32, #tpu.memory_space<hbm>> -> memref<2368xi32, #tpu.memory_space<hbm>>
        %dma_start3A_241 = tpu.memref_slice %arg17[%mul3A_239] : memref<600000xi32, #tpu.memory_space<hbm>> -> memref<2368xi32, #tpu.memory_space<hbm>>
        tpu.enqueue_dma source(%arg69 : memref<2368xi32, #tpu.memory_space<vmem>>) target(%dma_start3A_241 : memref<2368xi32, #tpu.memory_space<hbm>>) target_semaphore(%run_scoped3A : memref<!tpu.dma_semaphore, #tpu.memory_space<semaphore_mem>>)
        %dma_wait3A_242 = tpu.memref_slice %arg17[%mul3A_239] : memref<600000xi32, #tpu.memory_space<hbm>> -> memref<2368xi32, #tpu.memory_space<hbm>>
        %dma_wait3A_243 = tpu.memref_slice %arg17[%mul3A_239] : memref<600000xi32, #tpu.memory_space<hbm>> -> memref<2368xi32, #tpu.memory_space<hbm>>
        tpu.wait_dma2 semaphore(%run_scoped3A : memref<!tpu.dma_semaphore, #tpu.memory_space<semaphore_mem>>) src(%arg69 : memref<2368xi32, #tpu.memory_space<vmem>>) dst(%dma_wait3A_243 : memref<2368xi32, #tpu.memory_space<hbm>>)
        tpu.yield
      }) : () -> ()
    }
    %scan3A_70 = arith.constant 4 : i32
    return
  }
}

module attributes {stable_mosaic.version = 14 : i64} {
  func.func @_pack_body(%arg0: i32, %arg1: memref<2048xf32, #tpu.memory_space<vmem>>, %arg2: memref<2048xf32, #tpu.memory_space<vmem>>, %arg3: memref<2048xf32, #tpu.memory_space<vmem>>, %arg4: memref<2048xf32, #tpu.memory_space<vmem>>, %arg5: memref<2048xf32, #tpu.memory_space<vmem>>, %arg6: memref<2048xf32, #tpu.memory_space<vmem>>, %arg7: memref<2048xf32, #tpu.memory_space<vmem>>, %arg8: memref<2048xf32, #tpu.memory_space<vmem>>, %arg9: memref<2048xf32, #tpu.memory_space<vmem>>) attributes {dimension_semantics = [#tpu.dimension_semantics<arbitrary>], iteration_bounds = array<i64: 49>, scalar_prefetch = 0 : i64, scratch_operands = 0 : i64, tpu.core_type = #tpu.core_type<tc>, window_params = [{transform_indices = @transform_0, window_bounds = array<i64: 2048>}, {transform_indices = @transform_1, window_bounds = array<i64: 2048>}, {transform_indices = @transform_2, window_bounds = array<i64: 2048>}, {transform_indices = @transform_3, window_bounds = array<i64: 2048>}, {transform_indices = @transform_4, window_bounds = array<i64: 2048>}, {transform_indices = @transform_5, window_bounds = array<i64: 2048>}, {transform_indices = @transform_6, window_bounds = array<i64: 2048>}, {transform_indices = @transform_7, window_bounds = array<i64: 2048>}, {transform_indices = @transform_8, window_bounds = array<i64: 2048>}]} {
    %get3A = arith.constant 0 : index
    %get3A_0 = vector.load %arg1[%get3A] : memref<2048xf32, #tpu.memory_space<vmem>>, vector<2048xf32>
    %get3A_1 = arith.constant 0 : index
    %get3A_2 = vector.load %arg4[%get3A_1] : memref<2048xf32, #tpu.memory_space<vmem>>, vector<2048xf32>
    %tanh3A = math.tanh %get3A_2 : vector<2048xf32>
    %mul3A = arith.constant 5.000000e-05 : f32
    %mul3A_3 = vector.broadcast %mul3A : f32 to vector<2048xf32>
    %mul3A_4 = arith.mulf %tanh3A, %mul3A_3 : vector<2048xf32>
    %add3A = arith.addf %get3A_0, %mul3A_4 : vector<2048xf32>
    %swap3A = arith.constant 0 : index
    %swap3A_5 = vector.load %arg7[%swap3A] : memref<2048xf32, #tpu.memory_space<vmem>>, vector<2048xf32>
    tpu.vector_store %arg7[%swap3A], %add3A {strides = array<i32>} : memref<2048xf32, #tpu.memory_space<vmem>>, vector<2048xf32>,
    %get3A_6 = arith.constant 0 : index
    %get3A_7 = vector.load %arg2[%get3A_6] : memref<2048xf32, #tpu.memory_space<vmem>>, vector<2048xf32>
    %get3A_8 = arith.constant 0 : index
    %get3A_9 = vector.load %arg5[%get3A_8] : memref<2048xf32, #tpu.memory_space<vmem>>, vector<2048xf32>
    %tanh3A_10 = math.tanh %get3A_9 : vector<2048xf32>
    %mul3A_11 = arith.constant 5.000000e-05 : f32
    %mul3A_12 = vector.broadcast %mul3A_11 : f32 to vector<2048xf32>
    %mul3A_13 = arith.mulf %tanh3A_10, %mul3A_12 : vector<2048xf32>
    %add3A_14 = arith.addf %get3A_7, %mul3A_13 : vector<2048xf32>
    %swap3A_15 = arith.constant 0 : index
    %swap3A_16 = vector.load %arg8[%swap3A_15] : memref<2048xf32, #tpu.memory_space<vmem>>, vector<2048xf32>
    tpu.vector_store %arg8[%swap3A_15], %add3A_14 {strides = array<i32>} : memref<2048xf32, #tpu.memory_space<vmem>>, vector<2048xf32>,
    %get3A_17 = arith.constant 0 : index
    %get3A_18 = vector.load %arg3[%get3A_17] : memref<2048xf32, #tpu.memory_space<vmem>>, vector<2048xf32>
    %get3A_19 = arith.constant 0 : index
    %get3A_20 = vector.load %arg6[%get3A_19] : memref<2048xf32, #tpu.memory_space<vmem>>, vector<2048xf32>
    %tanh3A_21 = math.tanh %get3A_20 : vector<2048xf32>
    %mul3A_22 = arith.constant 5.000000e-05 : f32
    %mul3A_23 = vector.broadcast %mul3A_22 : f32 to vector<2048xf32>
    %mul3A_24 = arith.mulf %tanh3A_21, %mul3A_23 : vector<2048xf32>
    %add3A_25 = arith.addf %get3A_18, %mul3A_24 : vector<2048xf32>
    %swap3A_26 = arith.constant 0 : index
    %swap3A_27 = vector.load %arg9[%swap3A_26] : memref<2048xf32, #tpu.memory_space<vmem>>, vector<2048xf32>
    tpu.vector_store %arg9[%swap3A_26], %add3A_25 {strides = array<i32>} : memref<2048xf32, #tpu.memory_space<vmem>>, vector<2048xf32>,
    return
  }
  func.func @transform_0(%arg0: i32) -> i32 {
    %c0_i32 = arith.constant 0 : i32
    return %arg0 : i32
  }
  func.func @transform_1(%arg0: i32) -> i32 {
    %c0_i32 = arith.constant 0 : i32
    return %arg0 : i32
  }
  func.func @transform_2(%arg0: i32) -> i32 {
    %c0_i32 = arith.constant 0 : i32
    return %arg0 : i32
  }
  func.func @transform_3(%arg0: i32) -> i32 {
    %c0_i32 = arith.constant 0 : i32
    return %arg0 : i32
  }
  func.func @transform_4(%arg0: i32) -> i32 {
    %c0_i32 = arith.constant 0 : i32
    return %arg0 : i32
  }
  func.func @transform_5(%arg0: i32) -> i32 {
    %c0_i32 = arith.constant 0 : i32
    return %arg0 : i32
  }
  func.func @transform_6(%arg0: i32) -> i32 {
    %c0_i32 = arith.constant 0 : i32
    return %arg0 : i32
  }
  func.func @transform_7(%arg0: i32) -> i32 {
    %c0_i32 = arith.constant 0 : i32
    return %arg0 : i32
  }
  func.func @transform_8(%arg0: i32) -> i32 {
    %c0_i32 = arith.constant 0 : i32
    return %arg0 : i32
  }
}

</mosaic_0001>

<sc_bundles>
// kernel: kernel.4.cloned.1.call-start
scs
__scs_entry_jumppad:
0x0: {  	(pc) =	sbr.rel $0x88, $3  }
0x1: {  	(tag) =	ssettag $0x0;
	lr =	simm.s32 $0x1  }
0x2: {  	[smem:$0x3F9D] =	sst lr;
	_ =	strace $0xD0000000  }
0x3: {  	_ = 	snop  }
0x4: {  	_ = 	snop  }
0x5: {  	_ = 	snop  }
0x6: {  	_ = 	snop  }
0x7: {  	_ = 	snop  }
__scs_overlays_trampoline_lowered:
0x8: {  	[smem:$0x3FAC] =	sst s0  }
0x9: {  	[smem:$0x3FAD] =	sst s1  }
0xa: {  	[smem:$0x3FAE] =	sst s2  }
0xb: {  	[smem:$0x3FAF] =	sst s3  }
0xc: {  	[smem:$0x3FB0] =	sst s4  }
0xd: {  	[smem:$0x3FB1] =	sst s5  }
0xe: {  	[smem:$0x3FB2] =	sst s6  }
0xf: {  	[smem:$0x3FB3] =	sst s7  }
0x10: {  	[smem:$0x3FB4] =	sst s8  }
0x11: {  	[smem:$0x3FB5] =	sst s9;
	s0 =	simm.s32 @!p0 $0x0  }
0x12: {  	s1 =	sld [smem:$0x3F9B];
	s0 =	simm.s32 @p0 $0x1  }
0x13: {  	[smem:$0x3FB6] =	sst s0;
	s0 =	simm.s32 @!p1 $0x0  }
0x14: {  	s2 =	sld [smem:$0x3F9A];
	s0 =	simm.s32 @p1 $0x1  }
0x15: {  	[smem:$0x3FB7] =	sst s0;
	s0 =	simm.s32 @!p2 $0x0  }
0x16: {  	s3 =	sld [smem:$0x3FDB];
	s0 =	simm.s32 @p2 $0x1  }
0x17: {  	s4 =	simm.s32 $0x1BF5;
	[smem:$0x3FB9] =	sst s0  }
0x18: {  	s0 =	sld [smem:$0x3F9C];
	_ =	swait.ge [sflag:s4], $0x0  }
0x19: {  	s7 =	sld [smem:$0x3F9D]  }
0x1a: {  	s8 =	sadd.s32 $0xFFFFE003, lr  }
0x1b: {  	s9 =	sadd.s32 $0xFFFFFEF7, lr;
	s5 =	simm.s32 $0xFFFFFFFF;
	p2 =	slt.u32 s8, $0xFFFFF086  }
0x1c: {  	p1 =	slt.u32 s9, $0xF7A;
	s5 =	simm.s32 @!p2 $0x0  }
0x1d: {  	s5 =	simm.s32 @p1 $0x1;
	p0 =	seq.s32 s7, s2  }
0x1e: {  	s7 =	smul.u32 @!p0 $0xF7A, s2;
	p2 =	seq.s32 @!p0 s5, $0x0  }
0x1f: {  	s9 =	smul.u32 $0xF7A, s1;
	s8 =	simm.s32 @!p0 $0x1BF5;
	p2 =	por !p2, p0  }
0x20: {  	[sflag:s8] =	ssyncset.s32 @!p0 $0xFFFFF086;
	s6 =	sadd.s32 @!p0 s3, s7;
	s7 =	simm.s32 @!p0 $0x108  }
0x21: {  	s3 =	sadd.s32 s3, s9;
	s6 =	sadd.s32 @!p0 $0x88, s6;
	s7 =	simm.s32 @p2 $0x1082  }
0x22: {  	[simem:s7], [sflag:s8] =	dma.local @!p0 [hbm:s6], $0xF7A  }
0x23: {  	s9 =	sor.u32 $0xD0000000, s2;
	s6 =	simm.s32 $0x108;
	_ =	swait.ge @!p0 [sflag:s8], $0x0  }
0x24: {  	s3 =	sadd.s32 $0x88, s3;
	s6 =	simm.s32 @!p1 $0x1082;
	[sflag:s4] =	ssyncset.s32 $0xFFFFF086  }
0x25: {  	[simem:s6], [sflag:s4] =	dma.local [hbm:s3], $0xF7A  }
0x26: {  	[smem:$0x3F9D] =	sst s1;
	(tag) =	ssettag s2;
	_ =	strace s9  }
0x27: {  	s1 =	sld [smem:$0x3FAD]  }
0x28: {  	s2 =	sld [smem:$0x3FAE]  }
0x29: {  	s4 =	sld [smem:$0x3FB0]  }
0x2a: {  	p0 =	seq.s32 s5, $0x0;
	s5 =	sld [smem:$0x3FB1]  }
0x2b: {  	s6 =	sld [smem:$0x3FB2]  }
0x2c: {  	s7 =	sld [smem:$0x3FB3]  }
0x2d: {  	s3 =	simm.s32 $0x108;
	s8 =	sld [smem:$0x3FB4]  }
0x2e: {  	s3 =	simm.s32 @!p0 $0x1082;
	s9 =	sld [smem:$0x3FB5]  }
0x2f: {  	lr =	sadd.s32 s0, s3;
	s0 =	sld [smem:$0x3FAC]  }
0x30: {  	s3 =	sld [smem:$0x3FAF]  }
0x31: {  	[smem:$0x3FB8] =	sst s10  }
0x32: {  	s10 =	sld [smem:$0x3FB6];
	_ =	sdelay $0x3  }
0x33: {  	p0 =	seq.s32 s10, $0x1;
	s10 =	sld [smem:$0x3FB8];
	_ =	sdelay $0x3  }
0x34: {  	[smem:$0x3FB8] =	sst s10  }
0x35: {  	s10 =	sld [smem:$0x3FB7];
	_ =	sdelay $0x3  }
0x36: {  	p1 =	seq.s32 s10, $0x1;
	s10 =	sld [smem:$0x3FB8];
	_ =	sdelay $0x3  }
0x37: {  	[smem:$0x3FB8] =	sst s10  }
0x38: {  	s10 =	sld [smem:$0x3FB9]  }
0x39: {  	_ = 	snop;
	(pc) =	sbr.ind lr, $3  }
0x3a: {  	_ = 	snop  }
0x3b: {  	_ = 	snop  }
0x3c: {  	p2 =	seq.s32 s10, $0x1;
	s10 =	sld [smem:$0x3FB8]  }
0x3d: {  	_ =	shalt  }
0x3e: {  	_ =	shalt  }
0x3f: {  	_ =	shalt  }
0x40: {  	_ =	shalt  }
0x41: {  	_ =	shalt  }
0x42: {  	_ =	shalt  }
0x43: {  	_ =	shalt  }
0x44: {  	_ =	shalt  }
0x45: {  	_ =	shalt  }
0x46: {  	_ =	shalt  }
0x47: {  	_ =	shalt  }
0x48: {  	_ =	shalt  }
0x49: {  	_ =	shalt  }
0x4a: {  	_ =	shalt  }
0x4b: {  	_ =	shalt  }
0x4c: {  	_ =	shalt  }
0x4d: {  	_ =	shalt  }
0x4e: {  	_ =	shalt  }
0x4f: {  	_ =	shalt  }
0x50: {  	_ =	shalt  }
0x51: {  	_ =	shalt  }
0x52: {  	_ =	shalt  }
0x53: {  	_ =	shalt  }
0x54: {  	_ =	shalt  }
0x55: {  	_ =	shalt  }
0x56: {  	_ =	shalt  }
0x57: {  	_ =	shalt  }
0x58: {  	_ =	shalt  }
0x59: {  	_ =	shalt  }
0x5a: {  	_ =	shalt  }
0x5b: {  	_ =	shalt  }
0x5c: {  	_ =	shalt  }
0x5d: {  	_ =	shalt  }
0x5e: {  	_ =	shalt  }
0x5f: {  	_ =	shalt  }
0x60: {  	_ =	shalt  }
0x61: {  	_ =	shalt  }
0x62: {  	_ =	shalt  }
0x63: {  	_ =	shalt  }
0x64: {  	_ =	shalt  }
0x65: {  	_ =	shalt  }
0x66: {  	_ =	shalt  }
0x67: {  	_ =	shalt  }
0x68: {  	_ =	shalt  }
0x69: {  	_ =	shalt  }
0x6a: {  	_ =	shalt  }
0x6b: {  	_ =	shalt  }
0x6c: {  	_ =	shalt  }
0x6d: {  	_ =	shalt  }
0x6e: {  	_ =	shalt  }
0x6f: {  	_ =	shalt  }
0x70: {  	_ =	shalt  }
0x71: {  	_ =	shalt  }
0x72: {  	_ =	shalt  }
0x73: {  	_ =	shalt  }
0x74: {  	_ =	shalt  }
0x75: {  	_ =	shalt  }
0x76: {  	_ =	shalt  }
0x77: {  	_ =	shalt  }
0x78: {  	_ =	shalt  }
0x79: {  	_ =	shalt  }
0x7a: {  	_ =	shalt  }
0x7b: {  	_ =	shalt  }
0x7c: {  	_ =	shalt  }
0x7d: {  	_ =	shalt  }
0x7e: {  	_ =	shalt  }
0x7f: {  	_ =	shalt  }
0x80: {  	_ =	shalt  }
0x81: {  	_ =	shalt  }
0x82: {  	_ =	shalt  }
0x83: {  	_ =	shalt  }
0x84: {  	_ =	shalt  }
0x85: {  	_ =	shalt  }
0x86: {  	_ =	shalt  }
0x87: {  	_ =	shalt  }
.Lfunc_end0:
.L_simem_size_0:
called_computation_lowered:
.L_overlay_start_0:
0x88: {  	s2 =	sld [smem:$0x3FD9]  }
0x89: {  	s3 =	sld [smem:$0x3FFE];
	_ =	sdelay $0x1  }
0x8a: {  	s1 =	srdreg.scid  }
0x8b: {  	s0 =	sand.u32 $0x1, s1  }
0x8c: {  	s14 =	sshll.u32 s0, $0xA;
	s2 =	sadd.s32 s3, s2  }
0x8d: {  	s2 =	sadd.s32 s2, s14  }
0x8e: {  	[smem:$0x3FC4] =	sst s2  }
0x8f: {  	_ = 	snop  }
0x90: {  	s2 =	sld [smem:$0x3FD0];
	_ =	sdelay $0x2  }
0x91: {  	s4 =	simm.s32 $0xA;
	s5 =	simm.s32 $0x10;
	s15 =	sld [smem:$0x3FC8]  }
0x92: {  	[smem:s5], [sflag:s4] =	dma.local [hbm:s2], $0x1  }
0x93: {  	_ =	swait.eq [sflag:s4], $0x1  }
0x94: {  	s16 =	sld [smem:$0x10];
	[sflag:s4] =	ssyncset.done $0x0  }
0x95: {  	s17 =	sld [smem:$0x11];
	[sflag:s4] =	ssyncadd.s32 $0xFFFFFFFF  }
0x96: {  	s18 =	sld [smem:$0x12];
	(tm) =	ssettm $0x1  }
0x97: {  	s6 =	sld [smem:$0x3FFB];
	_ =	sdelay $0x3  }
0x98: {  	_ =	strace s6  }
0x99: {  	s6 =	sld [smem:$0x3FFC];
	_ =	sdelay $0x3  }
0x9a: {  	_ =	strace s6  }
0x9b: {  	s6 =	sld [smem:$0x3FFD];
	_ =	sdelay $0x3  }
0x9c: {  	_ =	strace s6  }
0x9d: {  	_ =	strace $0x8FFFFFFF  }
0x9e: {  	s19 =	sld [smem:$0x3FDB];
	_ =	sdelay $0x1  }
0x9f: {  	s7 =	simm.s32 $_scs_section_size  }
0xa0: {  	s8 =	simm.s32 $_size__tile_overlayer_lowered;
	s9 =	simm.s32 $_tile_overlayer_lowered  }
0xa1: {  	s22 =	simm.s32 $0x1BFF;
	s21 =	sshll.u32 s9, $0x1;
	s6 =	sadd.s32 s7, s19  }
0xa2: {  	s10 =	simm.s32 $0x0;
	s20 =	sshll.u32 s8, $0x1;
	s8 =	sadd.s32 s21, s6  }
0xa3: {  	[timem:s10], [sflag:s22] =	dma.local [hbm:s8], s20  }
0xa4: {  	_ =	swait.ge [sflag:s22], s20  }
0xa5: {  	s7 =	ssub.s32 $0x0, s20;
	[sflag:s22] =	ssyncset.done $0x0  }
0xa6: {  	[sflag:s22] =	ssyncadd.s32 s7;
	_ =	sdelay $0x1  }
0xa7: {  	s23 =	simm.s32 $0x1B8B  }
0xa8: {  	_ =	swait.ge [sflag:s23], $0x1  }
0xa9: {  	[sflag:s23] =	ssyncset.done $0x0  }
0xaa: {  	s25 =	simm.s32 $0x1B8E;
	s24 =	sld [smem:$0x3FFE];
	[sflag:s23] =	ssyncadd.s32 $0xFFFFFFFF  }
0xab: {  	s26 =	simm.s32 $execute0_lowered;
	[smem:$0x3FD2] =	sst s25  }
0xac: {  	s8 =	sshll.u32 s26, $0x1;
	_ =	strace $0x80000046;
	[dreg:$0x1] =	wrdreg $0xFFFFFFFF  }
0xad: {  	s28 =	simm.s32 $_size_execute0_lowered;
	s6 =	sadd.s32 s6, s8;
	[dreg:$0x0] =	wrdreg $0x0  }
0xae: {  	s8 =	sshll.u32 s28, $0x1;
	[dreg:$0x2] =	wrdreg s6  }
0xaf: {  	[dreg:$0x3] =	wrdreg s8  }
0xb0: {  	[dreg:$0x4] =	wrdreg $0xC0  }
0xb1: {  	_ =	task [dreg:s10], $0x5FFFF  }
0xb2: {  	[dreg:$0x1] =	wrdreg $0xFFFFFFFF  }
0xb3: {  	[dreg:$0x0] =	wrdreg $0x60  }
0xb4: {  	[dreg:$0x2] =	wrdreg s18  }
0xb5: {  	[dreg:$0x3] =	wrdreg s24  }
0xb6: {  	[dreg:$0x4] =	wrdreg s15  }
0xb7: {  	[dreg:$0x5] =	wrdreg s17  }
0xb8: {  	[dreg:$0x6] =	wrdreg s16  }
0xb9: {  	[dreg:$0x7] =	wrdreg $0x0  }
0xba: {  	[dreg:$0x8] =	wrdreg $0x18700  }
0xbb: {  	[dreg:$0x9] =	wrdreg $0x30E00  }
0xbc: {  	[dreg:$0xa] =	wrdreg $0x49500  }
0xbd: {  	[dreg:$0xb] =	wrdreg $0x9  }
0xbe: {  	_ =	task.clear_ibuf [dreg:s10], $0xCFFFF;
	_ =	strace $0x90000046  }
0xbf: {  	s29 =	simm.s32 $0x9;
	_ =	strace $0x80000048  }
0xc0: {  	_ =	swait.ge [sflag:s29], $0x1  }
0xc1: {  	[sflag:s29] =	ssyncadd.s32 $0xFFFFFFFF  }
0xc2: {  	_ =	strace $0x90000048  }
0xc3: {  	_ =	sfence  }
0xc4: {  	s30 =	sld [smem:$0x0];
	_ =	sdelay $0x2  }
0xc5: {  	s31 =	sshll.u32 s1, $0xD;
	s1 =	sshrl.u32 s1, $0x2  }
0xc6: {  	s3 =	sand.u32 $0x4000, s31;
	s1 =	sadd.s32 s1, s30  }
0xc7: {  	s0 =	sor.u32 s3, s0;
	s1 =	sshll.u32 s1, $0x11  }
0xc8: {  	s0 =	sor.u32 s1, s0  }
0xc9: {  	s0 =	sadd.s32 $0x8F2B, s0  }
0xca: {  	[sflag:s0] =	ssyncadd.remote.s32 $0x1  }
0xcb: {  	_ =	sfence.sel $0xFFFF  }
0xcc: {  	[dreg:$0x0] =	wrdreg $0xFFFFFFFF;
	(pc) =	sbr.abs _section_cstart, $3  }
0xcd: {  	[dreg:$0x1] =	wrdreg $0xFFFFFFFF  }
0xce: {  	_ =	task.clear_ibuf [dreg:s10], $0x2FFFF;
	_ =	strace $0x9FFFFFFF  }
0xcf: {  	(tm) =	ssettm $0x7FFFFFFF  }
tec
execute0_lowered:
.L_overlay_start_1:
0x0: {  	(tag) =	ssettag $0x1  }
0x1: {  	s0 =	rddreg [dreg:$0x1]  }
0x2: {  	s23 =	rddreg [dreg:$0x3]  }
0x3: {  	s26 =	rddreg [dreg:$0x4]  }
0x4: {  	s5 =	rddreg [dreg:$0x5]  }
0x5: {  	s6 =	rddreg [dreg:$0x6]  }
0x6: {  	s7 =	rddreg [dreg:$0x7]  }
0x7: {  	s8 =	rddreg [dreg:$0x8]  }
0x8: {  	s9 =	simm.s32 $0x0;
	s4 =	srdreg.scid;
	s11 =	stileid.u32  }
0x9: {  	s30 =	simm.s32 $0x84C0;
	[smem:$0x7FF] =	sst s9;
	s1 =	sadd.s32 $0x26000, s0  }
0xa: {  	s3 =	sadd.s32 $0x29200, s0;
	_ =	strace $0x80000047;
	[dreg:$0xa] =	wrdreg s1  }
0xb: {  	s31 =	simm.s32 $0x16240;
	s2 =	sadd.s32 $0x2C400, s0;
	[dreg:$0xb] =	wrdreg s3  }
0xc: {  	s10 =	sadd.s32 $0x1CC00, s0;
	s17 =	sadd.s32 $0x75C00, s0;
	[dreg:$0x10] =	wrdreg s2  }
0xd: {  	s12 =	sadd.s32 $0x13800, s0;
	s19 =	sadd.s32 $0x9A800, s0;
	[dreg:$0x12] =	wrdreg s17  }
0xe: {  	s13 =	sadd.s32 $0xA400, s0;
	s14 =	sadd.s32 $0x1000, s0;
	[dreg:$0x14] =	wrdreg s19  }
0xf: {  	s15 =	sshll.u32 s11, $0x1;
	p0 =	seq.s32 s11, $0xF;
	[dreg:$0xc] =	wrdreg s10  }
0x10: {  	p1 =	seq.s32 s11, $0x0;
	p2 =	seq.s32 s11, $0x1;
	[dreg:$0xd] =	wrdreg s12  }
0x11: {  	p3 =	seq.s32 s11, $0x2;
	p4 =	seq.s32 s11, $0x3;
	[dreg:$0xe] =	wrdreg s13  }
0x12: {  	s1 =	sand.u32 $0x1, s4;
	s3 =	sadd.s32 $0x3EC00, s0;
	[dreg:$0xf] =	wrdreg s14  }
0x13: {  	s17 =	simm.s32 $0x19140;
	[dreg:$0x11] =	wrdreg s3;
	s16 =	ssub.s32 $0x2, s1  }
0x14: {  	s1 =	sor.u32 s1, s15;
	s15 =	sadd.s32 $0x88200, s0;
	s3 =	simm.s32 $0x1FF0  }
0x15: {  	s0 =	sadd.s32 $0x2C600, s0;
	s18 =	sshrl.u32 s16, $0x1;
	s4 =	smul.u32 $0x249, s1  }
0x16: {  	[dreg:$0x13] =	wrdreg s15;
	s1 =	smin.u32 s1, $0x1E;
	s3 =	simm.s32 @!p0 $0x2000  }
0x17: {  	[dreg:$0x16] =	wrdreg s0;
	p0 =	sgt.s32 s11, $0x1;
	s2 =	ssub.s32 s16, s18  }
0x18: {  	s11 =	simm.s32 $0x187C0;
	s1 =	sadd.s32 s1, s4;
	s25 =	smax.u32 s2, $0x1  }
0x19: {  	s20 =	sshll.u32 s1, $0x4;
	s21 =	sshll.u32 s1, $0x1;
	[dreg:$0x1b] =	wrdreg s25  }
0x1a: {  	s4 =	simm.s32 $0x12A40;
	s1 =	sadd.s32 s10, s21;
	[dreg:$0x15] =	wrdreg s20  }
0x1b: {  	s2 =	simm.s32 $0x2;
	s22 =	sadd.s32 s12, s21;
	[dreg:$0x17] =	wrdreg s1  }
0x1c: {  	s25 =	simm.s32 $0x4A0;
	s24 =	sadd.s32 s13, s21;
	[dreg:$0x18] =	wrdreg s22  }
0x1d: {  	s18 =	sadd.s32 s20, s3;
	s0 =	sadd.s32 s14, s21;
	[dreg:$0x19] =	wrdreg s24  }
0x1e: {  	s28 =	sadd.s32 $0x4A0, s20;
	s29 =	sadd.s32 $0x940, s20;
	[dreg:$0x1a] =	wrdreg s0  }
0x1f: {  	s13 =	simm.s32 $0x1;
	s10 =	simm.s32 $0x17E40;
	[dreg:$0x1c] =	wrdreg s28  }
0x20: {  	s3 =	simm.s32 $0x19AC0;
	s14 =	simm.s32 $0x0;
	[dreg:$0x1d] =	wrdreg s29  }
0x21: {  	v0 =	vlaneseq.u32;
	v1 =	vimm.s32 $0x0;
	s0 =	simm.s32 $0x3;
	s1 =	simm.s32 $0x129C0;
	s22 =	simm.s32 $0x14640  }
.LBB2_1:
.Ltmp0:
0x22: {  	(pc) =	sbr.rel @p0 .LBB2_5-.Ltmp0, $2  }
0x23: {  	_ =	sdelay $0x2  }
0x24: {  	[dreg:$0x1e] =	wrdreg s14  }
.Ltmp1:
0x25: {  	(pc) =	sbr.rel @p1 .LBB2_8-.Ltmp1, $1  }
0x26: {  	_ =	sdelay $0x3  }
.Ltmp2:
0x27: {  	(pc) =	sbr.rel @!p2 .LBB2_11-.Ltmp2, $1  }
0x28: {  	_ =	sdelay $0x3  }
.Ltmp3:
0x29: {  	(pc) =	sbr.rel .LBB2_10-.Ltmp3, $3  }
0x2a: {  	_ =	sdelay $0x1  }
0x2b: {  	s12 =	sshrl.u32 s6, $0x3;
	s14 =	rddreg [dreg:$0xa];
	s15 =	simm.s32 $0x1C43  }
0x2c: {  	[spmem:s12], [sflag:s15] =	dma.local [hbm:s14], $0x30E0  }
.LBB2_5:
.Ltmp4:
0x2d: {  	(pc) =	sbr.rel @p3 .LBB2_9-.Ltmp4, $1  }
0x2e: {  	_ =	sdelay $0x3  }
.Ltmp5:
0x2f: {  	(pc) =	sbr.rel @!p4 .LBB2_11-.Ltmp5, $1  }
0x30: {  	_ =	sdelay $0x3  }
.Ltmp6:
0x31: {  	(pc) =	sbr.rel .LBB2_10-.Ltmp6, $3  }
0x32: {  	_ =	sdelay $0x1  }
0x33: {  	s12 =	sshrl.u32 s8, $0x3;
	s14 =	rddreg [dreg:$0x2];
	s15 =	simm.s32 $0x1CC3  }
0x34: {  	[spmem:s12], [sflag:s15] =	dma.local [hbm:s14], $0x30E0  }
.LBB2_8:
.Ltmp7:
0x35: {  	(pc) =	sbr.rel .LBB2_10-.Ltmp7, $3  }
0x36: {  	_ =	sdelay $0x1  }
0x37: {  	s12 =	sshrl.u32 s5, $0x3;
	s14 =	rddreg [dreg:$0x0];
	s15 =	simm.s32 $0x1C03  }
0x38: {  	[spmem:s12], [sflag:s15] =	dma.local [hbm:s14], $0x30E0  }
.LBB2_9:
0x39: {  	s12 =	sshrl.u32 s7, $0x3;
	s14 =	rddreg [dreg:$0xb];
	s15 =	simm.s32 $0x1C83  }
0x3a: {  	[spmem:s12], [sflag:s15] =	dma.local [hbm:s14], $0x30E0  }
.LBB2_10:
0x3b: {  	_ =	swait.ge [sflag:s0], $0x30E0  }
0x3c: {  	[sflag:s0] =	ssyncset.done $0x0  }
0x3d: {  	[sflag:s0] =	ssyncadd.s32 $0xFFFFCF20  }
.LBB2_11:
0x3e: {  	s12 =	simm.s32 $0x0;
	s14 =	rddreg [dreg:$0x10]  }
0x3f: {  	[tilespmem:s1], [sflag:$0x3] =	stream.linear.gather [hbm4b:s14+s12], $0x80, $0x38;
	[tilespmem:$0x1A440] =	vst v63  }
0x40: {  	_ =	swait.ge [sflag:s0], $0x80  }
0x41: {  	[sflag:s0] =	ssyncset.done $0x0  }
0x42: {  	[sflag:s0] =	ssyncadd.s32 $0xFFFFFF80  }
0x43: {  	[bflag:$0x0] =	sbarrier.arrive $0xFFFF  }
0x44: {  	s15 =	simm.s32 $0x61C0;
	s20 =	rddreg [dreg:$0x17]  }
0x45: {  	[tilespmem:s15], [sflag:$0x3] =	stream.linear.gather [hbm4b:s20+s12], $0x4A0, $0x38;
	[tilespmem:$0x1A440] =	vst v63  }
0x46: {  	_ =	swait.ge [sflag:s0], $0x4A0  }
0x47: {  	[sflag:s0] =	ssyncset.done $0x0  }
0x48: {  	s16 =	simm.s32 $0x66C0;
	s21 =	rddreg [dreg:$0x18];
	[sflag:s0] =	ssyncadd.s32 $0xFFFFFB60  }
0x49: {  	[tilespmem:s16], [sflag:$0x3] =	stream.linear.gather [hbm4b:s21+s12], $0x4A0, $0x38;
	[tilespmem:$0x1A440] =	vst v63  }
0x4a: {  	_ =	swait.ge [sflag:s0], $0x4A0  }
0x4b: {  	[sflag:s0] =	ssyncset.done $0x0  }
0x4c: {  	s19 =	simm.s32 $0x6BC0;
	s24 =	rddreg [dreg:$0x19];
	[sflag:s0] =	ssyncadd.s32 $0xFFFFFB60  }
0x4d: {  	[tilespmem:s19], [sflag:$0x3] =	stream.linear.gather [hbm4b:s24+s12], $0x4A0, $0x38;
	[tilespmem:$0x1A440] =	vst v63  }
0x4e: {  	_ =	swait.ge [sflag:s0], $0x4A0  }
0x4f: {  	[sflag:s0] =	ssyncset.done $0x0  }
0x50: {  	s20 =	simm.s32 $0x70C0;
	s28 =	rddreg [dreg:$0x1a];
	[sflag:s0] =	ssyncadd.s32 $0xFFFFFB60  }
0x51: {  	[tilespmem:s20], [sflag:$0x3] =	stream.linear.gather [hbm4b:s28+s12], $0x4A0, $0x38;
	[tilespmem:$0x1A440] =	vst v63  }
0x52: {  	_ =	swait.ge [sflag:s0], $0x4A0  }
0x53: {  	[sflag:s0] =	ssyncset.done $0x0  }
0x54: {  	s29 =	simm.s32 $0x89C0;
	[sflag:s0] =	ssyncadd.s32 $0xFFFFFB60  }
0x55: {  	[tilespmem:s29], [sflag:$0x1] =	stream.indirect.gather [spmem:s5], $0x1, s15, s25, $0xb8;
	[tilespmem:$0x1A440] =	vst v63  }
0x56: {  	s21 =	simm.s32 $0x9DC0  }
0x57: {  	[tilespmem:s21], [sflag:$0x1] =	stream.indirect.gather [spmem:s6], $0x1, s15, s25, $0xb8;
	[tilespmem:$0x1A440] =	vst v63  }
0x58: {  	s24 =	simm.s32 $0xB1C0  }
0x59: {  	[tilespmem:s24], [sflag:$0x1] =	stream.indirect.gather [spmem:s7], $0x1, s15, s25, $0xb8;
	[tilespmem:$0x1A440] =	vst v63  }
0x5a: {  	s28 =	simm.s32 $0xC5C0  }
0x5b: {  	[tilespmem:s28], [sflag:$0x1] =	stream.indirect.gather [spmem:s8], $0x1, s15, s25, $0xb8;
	[tilespmem:$0x1A440] =	vst v63  }
0x5c: {  	s29 =	simm.s32 $0x8EC0  }
0x5d: {  	[tilespmem:s29], [sflag:$0x1] =	stream.indirect.gather [spmem:s5], $0x1, s16, s25, $0xb8;
	[tilespmem:$0x1A440] =	vst v63  }
0x5e: {  	s15 =	simm.s32 $0xA2C0  }
0x5f: {  	[tilespmem:s15], [sflag:$0x1] =	stream.indirect.gather [spmem:s6], $0x1, s16, s25, $0xb8;
	[tilespmem:$0x1A440] =	vst v63  }
0x60: {  	s21 =	simm.s32 $0xB6C0  }
0x61: {  	[tilespmem:s21], [sflag:$0x1] =	stream.indirect.gather [spmem:s7], $0x1, s16, s25, $0xb8;
	[tilespmem:$0x1A440] =	vst v63  }
0x62: {  	s24 =	simm.s32 $0xCAC0  }
0x63: {  	[tilespmem:s24], [sflag:$0x1] =	stream.indirect.gather [spmem:s8], $0x1, s16, s25, $0xb8;
	[tilespmem:$0x1A440] =	vst v63  }
0x64: {  	s28 =	simm.s32 $0x93C0  }
0x65: {  	[tilespmem:s28], [sflag:$0x1] =	stream.indirect.gather [spmem:s5], $0x1, s19, s25, $0xb8;
	[tilespmem:$0x1A440] =	vst v63  }
0x66: {  	s29 =	simm.s32 $0xA7C0  }
0x67: {  	[tilespmem:s29], [sflag:$0x1] =	stream.indirect.gather [spmem:s6], $0x1, s19, s25, $0xb8;
	[tilespmem:$0x1A440] =	vst v63  }
0x68: {  	s15 =	simm.s32 $0xBBC0  }
0x69: {  	[tilespmem:s15], [sflag:$0x1] =	stream.indirect.gather [spmem:s7], $0x1, s19, s25, $0xb8;
	[tilespmem:$0x1A440] =	vst v63  }
0x6a: {  	s16 =	simm.s32 $0xCFC0  }
0x6b: {  	[tilespmem:s16], [sflag:$0x1] =	stream.indirect.gather [spmem:s8], $0x1, s19, s25, $0xb8;
	[tilespmem:$0x1A440] =	vst v63  }
0x6c: {  	s21 =	simm.s32 $0x98C0  }
0x6d: {  	[tilespmem:s21], [sflag:$0x1] =	stream.indirect.gather [spmem:s5], $0x1, s20, s25, $0xb8;
	[tilespmem:$0x1A440] =	vst v63  }
0x6e: {  	s24 =	simm.s32 $0xACC0  }
0x6f: {  	[tilespmem:s24], [sflag:$0x1] =	stream.indirect.gather [spmem:s6], $0x1, s20, s25, $0xb8;
	[tilespmem:$0x1A440] =	vst v63  }
0x70: {  	s28 =	simm.s32 $0xC0C0  }
0x71: {  	[tilespmem:s28], [sflag:$0x1] =	stream.indirect.gather [spmem:s7], $0x1, s20, s25, $0xb8;
	[tilespmem:$0x1A440] =	vst v63  }
0x72: {  	s14 =	simm.s32 $0x0;
	s29 =	simm.s32 $0xD4C0  }
0x73: {  	[tilespmem:s29], [sflag:$0x1] =	stream.indirect.gather [spmem:s8], $0x1, s20, s25, $0xb8;
	[tilespmem:$0x1A440] =	vst v63  }
.LBB2_12:
0x74: {  	s16 =	smul.u32 $0x940, s14  }
0x75: {  	s15 =	rddreg [dreg:$0x1c]  }
0x76: {  	s15 =	sadd.s32 s16, s15  }
0x77: {  	s24 =	smov.u32 s18;
	p5 =	slt.s32 s15, s18  }
0x78: {  	s24 =	smov.u32 @p5 s15  }
0x79: {  	s19 =	rddreg [dreg:$0xc];
	s15 =	sshrl.u32 s24, $0x3  }
0x7a: {  	s20 =	simm.s32 $0x75C0;
	s19 =	sadd.s32 s19, s15  }
0x7b: {  	[tilespmem:s20], [sflag:$0x3] =	stream.linear.gather [hbm4b:s19+s12], $0x4A0, $0x38;
	[tilespmem:$0x1A440] =	vst v63  }
0x7c: {  	_ =	swait.ge [sflag:s0], $0x4A0  }
0x7d: {  	[sflag:s0] =	ssyncset.done $0x0;
	s21 =	rddreg [dreg:$0xd]  }
0x7e: {  	[sflag:s0] =	ssyncadd.s32 $0xFFFFFB60;
	s19 =	sadd.s32 s21, s15;
	s21 =	simm.s32 $0x7AC0  }
0x7f: {  	[tilespmem:s21], [sflag:$0x3] =	stream.linear.gather [hbm4b:s19+s12], $0x4A0, $0x38;
	[tilespmem:$0x1A440] =	vst v63  }
0x80: {  	_ =	swait.ge [sflag:s0], $0x4A0  }
0x81: {  	[sflag:s0] =	ssyncset.done $0x0;
	s28 =	rddreg [dreg:$0xe]  }
0x82: {  	[sflag:s0] =	ssyncadd.s32 $0xFFFFFB60;
	s19 =	sadd.s32 s28, s15;
	s28 =	simm.s32 $0x7FC0  }
0x83: {  	[tilespmem:s28], [sflag:$0x3] =	stream.linear.gather [hbm4b:s19+s12], $0x4A0, $0x38;
	[tilespmem:$0x1A440] =	vst v63  }
0x84: {  	_ =	swait.ge [sflag:s0], $0x4A0  }
0x85: {  	[sflag:s0] =	ssyncset.done $0x0;
	s29 =	rddreg [dreg:$0xf]  }
0x86: {  	[sflag:s0] =	ssyncadd.s32 $0xFFFFFB60;
	s15 =	sadd.s32 s29, s15  }
0x87: {  	[tilespmem:s30], [sflag:$0x3] =	stream.linear.gather [hbm4b:s15+s12], $0x4A0, $0x38;
	[tilespmem:$0x1A440] =	vst v63  }
0x88: {  	_ =	swait.ge [sflag:s0], $0x4A0  }
0x89: {  	[sflag:s0] =	ssyncset.done $0x0  }
0x8a: {  	s29 =	simm.s32 $0xD9C0;
	[sflag:s0] =	ssyncadd.s32 $0xFFFFFB60  }
0x8b: {  	[tilespmem:s29], [sflag:$0x2] =	stream.indirect.gather [spmem:s5], $0x1, s20, s25, $0xb8;
	[tilespmem:$0x1A440] =	vst v63  }
0x8c: {  	s19 =	simm.s32 $0xEDC0  }
0x8d: {  	[tilespmem:s19], [sflag:$0x2] =	stream.indirect.gather [spmem:s6], $0x1, s20, s25, $0xb8;
	[tilespmem:$0x1A440] =	vst v63  }
0x8e: {  	s29 =	simm.s32 $0x101C0  }
0x8f: {  	[tilespmem:s29], [sflag:$0x2] =	stream.indirect.gather [spmem:s7], $0x1, s20, s25, $0xb8;
	[tilespmem:$0x1A440] =	vst v63  }
0x90: {  	s19 =	simm.s32 $0x115C0  }
0x91: {  	[tilespmem:s19], [sflag:$0x2] =	stream.indirect.gather [spmem:s8], $0x1, s20, s25, $0xb8;
	[tilespmem:$0x1A440] =	vst v63  }
0x92: {  	s20 =	simm.s32 $0xDEC0  }
0x93: {  	[tilespmem:s20], [sflag:$0x2] =	stream.indirect.gather [spmem:s5], $0x1, s21, s25, $0xb8;
	[tilespmem:$0x1A440] =	vst v63  }
0x94: {  	s29 =	simm.s32 $0xF2C0  }
0x95: {  	[tilespmem:s29], [sflag:$0x2] =	stream.indirect.gather [spmem:s6], $0x1, s21, s25, $0xb8;
	[tilespmem:$0x1A440] =	vst v63  }
0x96: {  	s19 =	simm.s32 $0x106C0  }
0x97: {  	[tilespmem:s19], [sflag:$0x2] =	stream.indirect.gather [spmem:s7], $0x1, s21, s25, $0xb8;
	[tilespmem:$0x1A440] =	vst v63  }
0x98: {  	s20 =	simm.s32 $0x11AC0  }
0x99: {  	[tilespmem:s20], [sflag:$0x2] =	stream.indirect.gather [spmem:s8], $0x1, s21, s25, $0xb8;
	[tilespmem:$0x1A440] =	vst v63  }
0x9a: {  	s29 =	simm.s32 $0xE3C0  }
0x9b: {  	[tilespmem:s29], [sflag:$0x2] =	stream.indirect.gather [spmem:s5], $0x1, s28, s25, $0xb8;
	[tilespmem:$0x1A440] =	vst v63  }
0x9c: {  	s19 =	simm.s32 $0xF7C0  }
0x9d: {  	[tilespmem:s19], [sflag:$0x2] =	stream.indirect.gather [spmem:s6], $0x1, s28, s25, $0xb8;
	[tilespmem:$0x1A440] =	vst v63  }
0x9e: {  	s20 =	simm.s32 $0x10BC0  }
0x9f: {  	[tilespmem:s20], [sflag:$0x2] =	stream.indirect.gather [spmem:s7], $0x1, s28, s25, $0xb8;
	[tilespmem:$0x1A440] =	vst v63  }
0xa0: {  	s21 =	simm.s32 $0x11FC0  }
0xa1: {  	[tilespmem:s21], [sflag:$0x2] =	stream.indirect.gather [spmem:s8], $0x1, s28, s25, $0xb8;
	[tilespmem:$0x1A440] =	vst v63  }
0xa2: {  	s29 =	simm.s32 $0xE8C0  }
0xa3: {  	[tilespmem:s29], [sflag:$0x2] =	stream.indirect.gather [spmem:s5], $0x1, s30, s25, $0xb8;
	[tilespmem:$0x1A440] =	vst v63  }
0xa4: {  	s19 =	simm.s32 $0xFCC0  }
0xa5: {  	[tilespmem:s19], [sflag:$0x2] =	stream.indirect.gather [spmem:s6], $0x1, s30, s25, $0xb8;
	[tilespmem:$0x1A440] =	vst v63  }
0xa6: {  	s20 =	simm.s32 $0x110C0  }
0xa7: {  	[tilespmem:s20], [sflag:$0x2] =	stream.indirect.gather [spmem:s7], $0x1, s30, s25, $0xb8;
	[tilespmem:$0x1A440] =	vst v63  }
0xa8: {  	s21 =	simm.s32 $0x124C0  }
0xa9: {  	[tilespmem:s21], [sflag:$0x2] =	stream.indirect.gather [spmem:s8], $0x1, s30, s25, $0xb8;
	[tilespmem:$0x1A440] =	vst v63  }
0xaa: {  	_ =	swait.ge [sflag:s13], $0x4A0  }
0xab: {  	[sflag:s13] =	ssyncset.done $0x0  }
0xac: {  	[sflag:s13] =	ssyncadd.s32 $0xFFFFFB60  }
0xad: {  	_ =	swait.ge [sflag:s13], $0x4A0  }
0xae: {  	[sflag:s13] =	ssyncset.done $0x0  }
0xaf: {  	[sflag:s13] =	ssyncadd.s32 $0xFFFFFB60  }
0xb0: {  	_ =	swait.ge [sflag:s13], $0x4A0  }
0xb1: {  	[sflag:s13] =	ssyncset.done $0x0  }
0xb2: {  	[sflag:s13] =	ssyncadd.s32 $0xFFFFFB60  }
0xb3: {  	_ =	swait.ge [sflag:s13], $0x4A0  }
0xb4: {  	[sflag:s13] =	ssyncset.done $0x0  }
0xb5: {  	[sflag:s13] =	ssyncadd.s32 $0xFFFFFB60  }
0xb6: {  	_ =	swait.ge [sflag:s13], $0x4A0  }
0xb7: {  	[sflag:s13] =	ssyncset.done $0x0  }
0xb8: {  	[sflag:s13] =	ssyncadd.s32 $0xFFFFFB60  }
0xb9: {  	_ =	swait.ge [sflag:s13], $0x4A0  }
0xba: {  	[sflag:s13] =	ssyncset.done $0x0  }
0xbb: {  	[sflag:s13] =	ssyncadd.s32 $0xFFFFFB60  }
0xbc: {  	_ =	swait.ge [sflag:s13], $0x4A0  }
0xbd: {  	[sflag:s13] =	ssyncset.done $0x0  }
0xbe: {  	[sflag:s13] =	ssyncadd.s32 $0xFFFFFB60  }
0xbf: {  	_ =	swait.ge [sflag:s13], $0x4A0  }
0xc0: {  	[sflag:s13] =	ssyncset.done $0x0  }
0xc1: {  	[sflag:s13] =	ssyncadd.s32 $0xFFFFFB60  }
0xc2: {  	_ =	swait.ge [sflag:s13], $0x4A0  }
0xc3: {  	[sflag:s13] =	ssyncset.done $0x0  }
0xc4: {  	[sflag:s13] =	ssyncadd.s32 $0xFFFFFB60  }
0xc5: {  	_ =	swait.ge [sflag:s13], $0x4A0  }
0xc6: {  	[sflag:s13] =	ssyncset.done $0x0  }
0xc7: {  	[sflag:s13] =	ssyncadd.s32 $0xFFFFFB60  }
0xc8: {  	_ =	swait.ge [sflag:s13], $0x4A0  }
0xc9: {  	[sflag:s13] =	ssyncset.done $0x0  }
0xca: {  	[sflag:s13] =	ssyncadd.s32 $0xFFFFFB60  }
0xcb: {  	_ =	swait.ge [sflag:s13], $0x4A0  }
0xcc: {  	[sflag:s13] =	ssyncset.done $0x0  }
0xcd: {  	[sflag:s13] =	ssyncadd.s32 $0xFFFFFB60  }
0xce: {  	_ =	swait.ge [sflag:s13], $0x4A0  }
0xcf: {  	[sflag:s13] =	ssyncset.done $0x0  }
0xd0: {  	[sflag:s13] =	ssyncadd.s32 $0xFFFFFB60  }
0xd1: {  	_ =	swait.ge [sflag:s13], $0x4A0  }
0xd2: {  	[sflag:s13] =	ssyncset.done $0x0  }
0xd3: {  	[sflag:s13] =	ssyncadd.s32 $0xFFFFFB60  }
0xd4: {  	_ =	swait.ge [sflag:s13], $0x4A0  }
0xd5: {  	[sflag:s13] =	ssyncset.done $0x0  }
0xd6: {  	[sflag:s13] =	ssyncadd.s32 $0xFFFFFB60  }
0xd7: {  	_ =	swait.ge [sflag:s13], $0x4A0  }
0xd8: {  	[sflag:s13] =	ssyncset.done $0x0  }
0xd9: {  	s28 =	simm.s32 $0x0;
	[sflag:s13] =	ssyncadd.s32 $0xFFFFFB60  }
0xda: {  	v12 =	vld [tilespmem:s28+$0xC5C0]  }
0xdb: {  	v13 =	vld [tilespmem:s28+$0xCAC0]  }
0xdc: {  	v14 =	vld [tilespmem:s28+$0xCFC0]  }
0xdd: {  	v6 =	vld [tilespmem:s28+$0xD4C0];
	_ =	sdelay $0x2  }
0xde: {  	vm0 =	vgt.f32 v12, $0.0e+00;
	vm1 =	vgt.f32 v13, $0.0e+00  }
0xdf: {  	vm2 =	vgt.f32 v14, $0.0e+00;
	v2 =	vsel vm0, $0x1, v1;
	v3 =	vsel vm1, $0x2, v1  }
0xe0: {  	vm12 =	vgt.f32 v6, $0.0e+00;
	v4 =	vsel vm2, $0x4, v1;
	v2 =	vor.u32 v2, v3  }
0xe1: {  	v3 =	vsel vm12, $0x8, v1;
	v2 =	vor.u32 v4, v2  }
0xe2: {  	v2 =	vor.u32 v3, v2  }
0xe3: {  	v15 =	vmul.u32 $0x6, v2;
	_ =	sdelay $0x1  }
0xe4: {  	v5 =	vld [tilespmem:s28+$0xBBC0]  }
0xe5: {  	v8 =	vld [tilespmem:s28+$0xB6C0]  }
0xe6: {  	v16 =	vld [tilespmem:s28+$0xB1C0]  }
0xe7: {  	s29 =	rddreg [dreg:$0x15];
	v7 =	vld [tilespmem:s28+$0xA7C0]  }
0xe8: {  	s20 =	sadd.s32 s29, s16;
	v17 =	vld.idx.msk [tilespmem:v15+s1+$0x0], $0xffff  }
0xe9: {  	s15 =	smov.u32 s18;
	p5 =	slt.s32 s20, s18;
	v10 =	vld [tilespmem:s28+$0xA2C0]  }
0xea: {  	v18 =	vor.u32 s12, v0;
	v19 =	vld [tilespmem:s28+$0x9DC0];
	s15 =	smov.u32 @p5 s20  }
0xeb: {  	v20 =	vshll.u32 v18, $0x1;
	v9 =	vld [tilespmem:s28+$0x98C0];
	v2 =	vmov s15  }
0xec: {  	v11 =	vld [tilespmem:s28+$0x93C0];
	v21 =	vadd.s32 v2, v18;
	v22 =	vor.u32 $0x1, v15  }
0xed: {  	v23 =	vld [tilespmem:s28+$0x8EC0];
	v21 =	vmul.u32 $0x6, v21;
	vm13 =	vgt.s32 v17, $0x0  }
0xee: {  	v25 =	vld [tilespmem:s28+$0x89C0];
	v24 =	vnsel vm13, $0x0, v17  }
0xef: {  	v4 =	vld [tilespmem:s28+$0xACC0];
	v24 =	vadd.s32 v21, v24  }
0xf0: {  	v3 =	vld [tilespmem:s28+$0xC0C0];
	[tilespmem:v20+s10+$0x0] =	vst.idx.msk $0xffff, v24  }
0xf1: {  	v22 =	vld.idx.msk [tilespmem:v22+s1+$0x0], $0xffff;
	_ =	sdelay $0x3  }
0xf2: {  	v55 =	vadd.s32 $0x2, v15  }
0xf3: {  	vm14 =	vgt.s32 v22, $0x0  }
0xf4: {  	v26 =	vnsel vm14, $0x0, v22  }
0xf5: {  	v26 =	vadd.s32 v21, v26  }
0xf6: {  	[tilespmem:v20+s11+$0x0] =	vst.idx.msk $0xffff, v26  }
0xf7: {  	v27 =	vsub.f32 v14, v12;
	v24 =	vld.idx.msk [tilespmem:v55+s1+$0x0], $0xffff  }
0xf8: {  	v56 =	vsub.f32 v13, v12;
	v12 =	vsub.f32 v6, v12  }
0xf9: {  	v29 =	vsub.f32 v6, v13;
	v31 =	vsub.f32 v14, v13  }
0xfa: {  	v28 =	vand.u32 $0x7FFFFFFF, v27;
	v57 =	vand.u32 $0x7FFFFFFF, v56;
	v30 =	vand.u32 $0x7FFFFFFF, v12  }
0xfb: {  	v32 =	vand.u32 $0x7FFFFFFF, v29;
	vm5 =	vlt.f32 v28, $1.000000010e-10;
	v58 =	vadd.s32 $0x3, v15  }
0xfc: {  	v59 =	vand.u32 $0x7FFFFFFF, v31;
	v27 =	vsel vm5, $0x3F800000, v27;
	vm8 =	vgt.s32 v24, $0x0  }
0xfd: {  	vm3 =	vlt.f32 v30, $1.000000010e-10;
	(erf) = vrcp.f32 v27;
	v60 =	vnsel vm8, $0x0, v24  }
0xfe: {  	vm15 =	vlt.f32 v32, $1.000000010e-10;
	v12 =	vsel vm3, $0x3F800000, v12;
	v61 =	vadd.s32 v21, v60  }
0xff: {  	vm4 =	vlt.f32 v59, $1.000000010e-10;
	v29 =	vsel vm15, $0x3F800000, v29;
	(erf) = vrcp.f32 v12;
	[tilespmem:v20+s17+$0x0] =	vst.idx.msk $0xffff, v61  }
0x100: {  	vm9 =	vlt.f32 v57, $1.000000010e-10;
	v27 =	vsel vm4, $0x3F800000, v31;
	(erf) = vrcp.f32 v29;
	v63 =	vld.idx.msk [tilespmem:v58+s1+$0x0], $0xffff  }
0x101: {  	v62 =	vsel vm9, $0x3F800000, v56;
	(erf) = vrcp.f32 v27  }
0x102: {  	(erf) = vrcp.f32 v62  }
0x103: {  	v12 =	vor.u32 $0x1, v20  }
0x104: {  	v42 =	vsub.f32 v6, v14;
	v43 =	vadd.s32 $0x4, v15  }
0x105: {  	vm10 =	vgt.s32 v63, $0x0  }
0x106: {  	v44 =	vand.u32 $0x7FFFFFFF, v42;
	v45 =	vpop (erf);
	v46 =	vnsel vm10, $0x0, v63  }
0x107: {  	vm11 =	vlt.f32 v44, $1.000000010e-10;
	v47 =	vmul.f32 v45, v14;
	v31 =	vadd.s32 v21, v46  }
0x108: {  	v27 =	vsel vm11, $0x3F800000, v42;
	v15 =	vadd.s32 $0x5, v15;
	v48 =	vpop (erf);
	[tilespmem:v12+s10+$0x0] =	vst.idx.msk $0xffff, v31  }
0x109: {  	(erf) = vrcp.f32 v27;
	v49 =	vpop (erf);
	v51 =	vmul.f32 v48, v6;
	v50 =	vsel vm5, $0x3F000000, v47;
	v28 =	vld.idx.msk [tilespmem:v43+s1+$0x0], $0xffff  }
0x10a: {  	v52 =	vpop (erf);
	v32 =	vmul.f32 v49, v6;
	v53 =	vsub.f32 $1.000000000e+00, v50;
	v33 =	vmul.f32 v50, v19  }
0x10b: {  	v34 =	vpop (erf);
	v14 =	vmul.f32 v52, v14;
	v29 =	vsel vm3, $0x3F000000, v51;
	v27 =	vmul.f32 v50, v16  }
0x10c: {  	v13 =	vmul.f32 v34, v13;
	v35 =	vsub.f32 $1.000000000e+00, v29;
	v37 =	vmul.f32 v29, v25  }
0x10d: {  	v42 =	vmul.f32 v29, v19;
	v29 =	vmul.f32 v29, v16;
	v32 =	vsel vm15, $0x3F000000, v32  }
0x10e: {  	v54 =	vmul.f32 v53, v11;
	v36 =	vmul.f32 v53, v5;
	vm12 =	vgt.s32 v28, $0x0  }
0x10f: {  	v14 =	vsel vm4, $0x3F000000, v14;
	v38 =	vmul.f32 v35, v9;
	v41 =	vnsel vm12, $0x0, v28  }
0x110: {  	v39 =	vmul.f32 v35, v4;
	v40 =	vsub.f32 $1.000000000e+00, v14;
	v41 =	vadd.s32 v21, v41  }
0x111: {  	v35 =	vmul.f32 v35, v3;
	v13 =	vsel vm9, $0x3F000000, v13;
	v45 =	vmul.f32 v14, v10;
	[tilespmem:v12+s11+$0x0] =	vst.idx.msk $0xffff, v41  }
0x112: {  	v19 =	vmul.f32 v13, v19;
	v44 =	vmul.f32 v40, v7;
	v52 =	vpop (erf);
	v26 =	vsub.f32 $1.000000000e+00, v32;
	v15 =	vld.idx.msk [tilespmem:v15+s1+$0x0], $0xffff  }
0x113: {  	v6 =	vmul.f32 v52, v6;
	v55 =	vmul.f32 v50, v25  }
0x114: {  	v17 =	vor.u32 v17, v22;
	v25 =	vmul.f32 v13, v25;
	v50 =	vmul.f32 v26, v4  }
0x115: {  	v22 =	vmul.f32 v26, v3;
	v49 =	vadd.f32 v54, v55;
	v17 =	vor.u32 v24, v17  }
0x116: {  	v54 =	vadd.f32 v38, v37;
	vm14 =	vgt.s32 v17, $0xFFFFFFFF;
	v46 =	vsub.f32 $1.000000000e+00, v13  }
0x117: {  	v13 =	vmul.f32 v13, v16;
	v16 =	vmul.u32 $0x6, v18;
	vm13 =	vgt.s32 v15, $0x0  }
0x118: {  	v61 =	vsel vm14, $0x1, v1;
	v57 =	vor.u32 v63, v28;
	v58 =	vnsel vm13, $0x0, v15  }
0x119: {  	v56 =	vmul.f32 v46, v23;
	v15 =	vor.u32 v15, v57;
	v59 =	vadd.s32 v21, v58  }
0x11a: {  	v47 =	vmul.f32 v46, v10;
	v60 =	vmul.f32 v46, v8;
	vm15 =	vgt.s32 v15, $0xFFFFFFFF;
	[tilespmem:v12+s17+$0x0] =	vst.idx.msk $0xffff, v59  }
0x11b: {  	v62 =	vadd.f32 v56, v25;
	v63 =	vor.u32 $0x1, v16;
	v24 =	vsel vm15, $0x1, v1;
	[tilespmem:v20+s3+$0x0] =	vst.idx.msk $0xffff, v61  }
0x11c: {  	v43 =	vmul.f32 v14, v23;
	v28 =	vadd.f32 v47, v19;
	[tilespmem:v12+s3+$0x0] =	vst.idx.msk $0xffff, v24  }
0x11d: {  	v46 =	vmul.f32 v53, v7;
	v13 =	vadd.f32 v60, v13;
	[tilespmem:v16+s4+$0x0] =	vst.idx.msk $0xffff, v62  }
0x11e: {  	v14 =	vmul.f32 v14, v8;
	v48 =	vadd.s32 $0x2, v16;
	v53 =	vadd.f32 v36, v27;
	[tilespmem:v16+s22+$0x0] =	vst.idx.msk $0xffff, v28  }
0x11f: {  	v6 =	vsel vm11, $0x3F000000, v6;
	v10 =	vmul.f32 v32, v10;
	v51 =	vadd.f32 v46, v33;
	[tilespmem:v16+s31+$0x0] =	vst.idx.msk $0xffff, v13  }
0x120: {  	v8 =	vmul.f32 v32, v8;
	v7 =	vmul.f32 v6, v7;
	v60 =	vsub.f32 $1.000000000e+00, v6;
	[tilespmem:v63+s4+$0x0] =	vst.idx.msk $0xffff, v49  }
0x121: {  	v55 =	vadd.s32 $0x3, v16;
	v25 =	vmul.f32 v32, v23;
	v56 =	vadd.f32 v39, v42;
	[tilespmem:v63+s22+$0x0] =	vst.idx.msk $0xffff, v51  }
0x122: {  	v3 =	vmul.f32 v60, v3;
	v41 =	vmul.f32 v40, v11;
	[tilespmem:v63+s31+$0x0] =	vst.idx.msk $0xffff, v53  }
0x123: {  	v47 =	vmul.f32 v26, v9;
	v57 =	vadd.f32 v35, v29;
	[tilespmem:v48+s4+$0x0] =	vst.idx.msk $0xffff, v54  }
0x124: {  	v40 =	vmul.f32 v40, v5;
	v58 =	vadd.f32 v41, v43;
	v59 =	vadd.s32 $0x4, v16;
	[tilespmem:v48+s22+$0x0] =	vst.idx.msk $0xffff, v56  }
0x125: {  	v11 =	vmul.f32 v6, v11;
	v61 =	vadd.f32 v44, v45;
	[tilespmem:v48+s31+$0x0] =	vst.idx.msk $0xffff, v57  }
0x126: {  	v5 =	vmul.f32 v6, v5;
	v6 =	vadd.f32 v40, v14;
	[tilespmem:v55+s4+$0x0] =	vst.idx.msk $0xffff, v58  }
0x127: {  	v62 =	vadd.f32 v47, v25;
	v63 =	vmul.f32 v60, v4;
	[tilespmem:v55+s22+$0x0] =	vst.idx.msk $0xffff, v61  }
0x128: {  	v4 =	vadd.f32 v3, v5;
	v3 =	vadd.s32 $0x5, v16;
	[tilespmem:v55+s31+$0x0] =	vst.idx.msk $0xffff, v6;
	v6 =	vadd.f32 v50, v10  }
0x129: {  	v8 =	vadd.f32 v22, v8;
	v9 =	vmul.f32 v60, v9;
	[tilespmem:v59+s4+$0x0] =	vst.idx.msk $0xffff, v62  }
0x12a: {  	[tilespmem:v59+s22+$0x0] =	vst.idx.msk $0xffff, v6  }
0x12b: {  	s19 =	simm.s32 $0x40;
	s20 =	simm.s32 $0x0;
	v5 =	vadd.f32 v63, v7;
	v6 =	vadd.f32 v9, v11;
	[tilespmem:v59+s31+$0x0] =	vst.idx.msk $0xffff, v8  }
.LBB2_13:
0x12c: {  	p5 =	sne.s32 s19, $0x1240  }
0x12d: {  	[tilespmem:v3+s4+$0x0] =	vst.idx.msk $0xffff, v6;
	s20 =	sadd.s32 $0x10, s20;
	s21 =	smov.u32 s19;
	s19 =	sadd.s32 $0x40, s19  }
0x12e: {  	[tilespmem:v3+s22+$0x0] =	vst.idx.msk $0xffff, v5  }
0x12f: {  	s21 =	sshra.s32 s21, $0x2;
	[tilespmem:v3+s31+$0x0] =	vst.idx.msk $0xffff, v4  }
0x130: {  	v11 =	vld [tilespmem:s21+$0xCFC0]  }
0x131: {  	v3 =	vld [tilespmem:s21+$0xC5C0]  }
0x132: {  	v12 =	vld [tilespmem:s21+$0xCAC0]  }
0x133: {  	v4 =	vld [tilespmem:s21+$0xD4C0];
	_ =	sdelay $0x1  }
0x134: {  	vm0 =	vgt.f32 v11, $0.0e+00  }
0x135: {  	vm1 =	vgt.f32 v3, $0.0e+00;
	v5 =	vsub.f32 v11, v3  }
0x136: {  	v6 =	vsel vm1, $0x1, v1;
	vm1 =	vgt.f32 v12, $0.0e+00;
	v8 =	vsub.f32 v12, v3  }
0x137: {  	v9 =	vsel vm0, $0x4, v1;
	v7 =	vsel vm1, $0x2, v1;
	v13 =	vsub.f32 v4, v12  }
0x138: {  	vm0 =	vgt.f32 v4, $0.0e+00;
	v6 =	vor.u32 v6, v7;
	v7 =	vand.u32 $0x7FFFFFFF, v5  }
0x139: {  	v10 =	vand.u32 $0x7FFFFFFF, v8;
	v6 =	vor.u32 v9, v6;
	v9 =	vsel vm0, $0x8, v1  }
0x13a: {  	vm4 =	vlt.f32 v7, $1.000000010e-10;
	v6 =	vor.u32 v9, v6;
	v9 =	vsub.f32 v4, v3  }
0x13b: {  	vm1 =	vlt.f32 v10, $1.000000010e-10;
	v5 =	vsel vm4, $0x3F800000, v5;
	v3 =	vmul.u32 $0x6, v6  }
0x13c: {  	v14 =	vsub.f32 v11, v12;
	v15 =	vand.u32 $0x7FFFFFFF, v13;
	v7 =	vld [tilespmem:s21+$0xC0C0];
	v6 =	vand.u32 $0x7FFFFFFF, v9  }
0x13d: {  	vm2 =	vlt.f32 v15, $1.000000010e-10;
	v10 =	vld [tilespmem:s21+$0xBBC0];
	vm3 =	vlt.f32 v6, $1.000000010e-10;
	(erf) = vrcp.f32 v5  }
0x13e: {  	v6 =	vand.u32 $0x7FFFFFFF, v14;
	v28 =	vld [tilespmem:s21+$0xB6C0];
	v5 =	vsel vm3, $0x3F800000, v9;
	v9 =	vsel vm2, $0x3F800000, v13  }
0x13f: {  	v8 =	vsel vm1, $0x3F800000, v8;
	vm5 =	vlt.f32 v6, $1.000000010e-10;
	v29 =	vld [tilespmem:s21+$0xB1C0];
	(erf) = vrcp.f32 v5  }
0x140: {  	v13 =	vsub.f32 v4, v11;
	v5 =	vsel vm5, $0x3F800000, v14;
	v24 =	vld [tilespmem:s21+$0xACC0];
	(erf) = vrcp.f32 v9  }
0x141: {  	v19 =	vld.idx.msk [tilespmem:v3+s1+$0x0], $0xffff;
	(erf) = vrcp.f32 v5  }
0x142: {  	v5 =	vand.u32 $0x7FFFFFFF, v13;
	v30 =	vld [tilespmem:s21+$0xA7C0];
	(erf) = vrcp.f32 v8  }
0x143: {  	v6 =	vor.u32 s20, v0;
	vm0 =	vlt.f32 v5, $1.000000010e-10;
	v31 =	vld [tilespmem:s21+$0xA2C0]  }
0x144: {  	v8 =	vadd.s32 v2, v6;
	v5 =	vshll.u32 v6, $0x1;
	v9 =	vsel vm0, $0x3F800000, v13;
	v32 =	vld [tilespmem:s21+$0x9DC0]  }
0x145: {  	v33 =	vld [tilespmem:s21+$0x98C0];
	(erf) = vrcp.f32 v9  }
0x146: {  	v8 =	vmul.u32 $0x6, v8;
	v9 =	vor.u32 $0x1, v3;
	v34 =	vld [tilespmem:s21+$0x93C0];
	v13 =	vpop (erf)  }
0x147: {  	vm6 =	vgt.s32 v19, $0x0;
	v35 =	vld [tilespmem:s21+$0x8EC0];
	v16 =	vmul.f32 v13, v11  }
0x148: {  	v14 =	vnsel vm6, $0x0, v19;
	v36 =	vld [tilespmem:s21+$0x89C0];
	v15 =	vpop (erf)  }
0x149: {  	v14 =	vadd.s32 v8, v14;
	v25 =	vsel vm4, $0x3F000000, v16;
	v13 =	vpop (erf)  }
0x14a: {  	[tilespmem:v5+s10+$0x0] =	vst.idx.msk $0xffff, v14;
	v37 =	vsub.f32 $1.000000000e+00, v25;
	v14 =	vmul.f32 v15, v4;
	v13 =	vmul.f32 v13, v4;
	v15 =	vpop (erf)  }
0x14b: {  	v21 =	vld.idx.msk [tilespmem:v9+s1+$0x0], $0xffff;
	v9 =	vmul.f32 v25, v32;
	v15 =	vmul.f32 v15, v11;
	v11 =	vpop (erf)  }
0x14c: {  	v26 =	vmul.f32 v11, v12;
	v12 =	vmul.f32 v37, v34;
	v20 =	vsel vm3, $0x3F000000, v14  }
0x14d: {  	v38 =	vsel vm2, $0x3F000000, v13;
	v16 =	vmul.f32 v25, v36;
	v22 =	vsub.f32 $1.000000000e+00, v20  }
0x14e: {  	v14 =	vmul.f32 v37, v10;
	v11 =	vmul.f32 v20, v36;
	v27 =	vsel vm5, $0x3F000000, v15;
	v39 =	vpop (erf)  }
0x14f: {  	v40 =	vsub.f32 $1.000000000e+00, v27;
	v17 =	vmul.f32 v22, v33;
	v13 =	vmul.f32 v22, v24  }
0x150: {  	v41 =	vadd.s32 $0x2, v3;
	v18 =	vmul.f32 v20, v32;
	v15 =	vmul.f32 v22, v7  }
0x151: {  	v20 =	vmul.f32 v20, v29;
	vm2 =	vgt.s32 v21, $0x0;
	v42 =	vor.u32 v19, v21  }
0x152: {  	v23 =	vmul.f32 v40, v34;
	v19 =	vnsel vm2, $0x0, v21;
	v21 =	vmul.f32 v27, v35  }
0x153: {  	v22 =	vmul.f32 v40, v30;
	v43 =	vadd.s32 v8, v19;
	v19 =	vmul.f32 v40, v10  }
0x154: {  	v40 =	vsel vm1, $0x3F000000, v26;
	v26 =	vmul.f32 v27, v31;
	[tilespmem:v5+s11+$0x0] =	vst.idx.msk $0xffff, v43;
	v43 =	vmul.f32 v25, v29  }
0x155: {  	v27 =	vmul.f32 v27, v28;
	v44 =	vsub.f32 $1.000000000e+00, v40;
	v25 =	vmul.f32 v38, v35;
	v41 =	vld.idx.msk [tilespmem:v41+s1+$0x0], $0xffff  }
0x156: {  	v45 =	vsub.f32 $1.000000000e+00, v38;
	v36 =	vmul.f32 v40, v36;
	v32 =	vmul.f32 v40, v32  }
0x157: {  	v35 =	vmul.f32 v44, v35;
	v46 =	vmul.f32 v44, v31  }
0x158: {  	v29 =	vmul.f32 v40, v29;
	v40 =	vmul.f32 v44, v28  }
0x159: {  	v35 =	vadd.f32 v35, v36;
	v36 =	vmul.f32 v37, v30;
	v37 =	vmul.f32 v45, v33  }
0x15a: {  	v47 =	vmul.f32 v45, v24;
	v44 =	vadd.s32 $0x3, v3;
	v45 =	vmul.f32 v45, v7  }
0x15b: {  	v31 =	vmul.f32 v38, v31;
	vm1 =	vgt.s32 v41, $0x0;
	v42 =	vor.u32 v41, v42  }
0x15c: {  	v28 =	vmul.f32 v38, v28;
	v41 =	vnsel vm1, $0x0, v41;
	vm1 =	vgt.s32 v42, $0xFFFFFFFF  }
0x15d: {  	v4 =	vmul.f32 v39, v4;
	v38 =	vadd.s32 v8, v41  }
0x15e: {  	[tilespmem:v5+s17+$0x0] =	vst.idx.msk $0xffff, v38  }
0x15f: {  	v4 =	vsel vm0, $0x3F000000, v4;
	v38 =	vld.idx.msk [tilespmem:v44+s1+$0x0], $0xffff  }
0x160: {  	v39 =	vsub.f32 $1.000000000e+00, v4;
	v34 =	vmul.f32 v4, v34;
	v30 =	vmul.f32 v4, v30  }
0x161: {  	v4 =	vmul.f32 v4, v10  }
0x162: {  	v24 =	vmul.f32 v39, v24;
	v10 =	vor.u32 $0x1, v5;
	v33 =	vmul.f32 v39, v33  }
0x163: {  	v7 =	vmul.f32 v39, v7  }
0x164: {  	v39 =	vadd.s32 $0x4, v3  }
0x165: {  	v4 =	vadd.f32 v7, v4;
	vm0 =	vgt.s32 v38, $0x0  }
0x166: {  	v7 =	vnsel vm0, $0x0, v38  }
0x167: {  	v7 =	vadd.s32 v8, v7  }
0x168: {  	[tilespmem:v10+s10+$0x0] =	vst.idx.msk $0xffff, v7  }
0x169: {  	v7 =	vld.idx.msk [tilespmem:v39+s1+$0x0], $0xffff;
	_ =	sdelay $0x4  }
0x16a: {  	v3 =	vadd.s32 $0x5, v3  }
0x16b: {  	vm0 =	vgt.s32 v7, $0x0;
	v38 =	vor.u32 v38, v7  }
0x16c: {  	v7 =	vnsel vm0, $0x0, v7  }
0x16d: {  	v7 =	vadd.s32 v8, v7  }
0x16e: {  	[tilespmem:v10+s11+$0x0] =	vst.idx.msk $0xffff, v7  }
0x16f: {  	v3 =	vld.idx.msk [tilespmem:v3+s1+$0x0], $0xffff;
	_ =	sdelay $0x4  }
0x170: {  	v6 =	vmul.u32 $0x6, v6  }
0x171: {  	vm0 =	vgt.s32 v3, $0x0;
	v7 =	vor.u32 v3, v38  }
0x172: {  	v3 =	vnsel vm0, $0x0, v3;
	vm0 =	vgt.s32 v7, $0xFFFFFFFF  }
0x173: {  	v3 =	vadd.s32 v8, v3  }
0x174: {  	v7 =	vor.u32 $0x1, v6;
	[tilespmem:v10+s17+$0x0] =	vst.idx.msk $0xffff, v3;
	v3 =	vsel vm1, $0x1, v1  }
0x175: {  	[tilespmem:v5+s3+$0x0] =	vst.idx.msk $0xffff, v3;
	v3 =	vsel vm0, $0x1, v1  }
0x176: {  	[tilespmem:v10+s3+$0x0] =	vst.idx.msk $0xffff, v3;
	v3 =	vadd.f32 v46, v32  }
0x177: {  	v8 =	vadd.s32 $0x2, v6;
	v5 =	vadd.f32 v40, v29;
	[tilespmem:v6+s4+$0x0] =	vst.idx.msk $0xffff, v35  }
0x178: {  	[tilespmem:v6+s22+$0x0] =	vst.idx.msk $0xffff, v3;
	v3 =	vadd.f32 v12, v16  }
0x179: {  	[tilespmem:v6+s31+$0x0] =	vst.idx.msk $0xffff, v5;
	v5 =	vadd.f32 v36, v9  }
0x17a: {  	[tilespmem:v7+s4+$0x0] =	vst.idx.msk $0xffff, v3;
	v3 =	vadd.f32 v14, v43  }
0x17b: {  	v9 =	vadd.s32 $0x3, v6;
	[tilespmem:v7+s22+$0x0] =	vst.idx.msk $0xffff, v5;
	v5 =	vadd.f32 v17, v11  }
0x17c: {  	[tilespmem:v7+s31+$0x0] =	vst.idx.msk $0xffff, v3;
	v3 =	vadd.f32 v13, v18  }
0x17d: {  	[tilespmem:v8+s4+$0x0] =	vst.idx.msk $0xffff, v5;
	v5 =	vadd.f32 v15, v20  }
0x17e: {  	v7 =	vadd.s32 $0x4, v6;
	[tilespmem:v8+s22+$0x0] =	vst.idx.msk $0xffff, v3;
	v3 =	vadd.f32 v23, v21  }
0x17f: {  	[tilespmem:v8+s31+$0x0] =	vst.idx.msk $0xffff, v5;
	v5 =	vadd.f32 v22, v26  }
0x180: {  	v8 =	vadd.f32 v19, v27;
	[tilespmem:v9+s4+$0x0] =	vst.idx.msk $0xffff, v3;
	v3 =	vadd.s32 $0x5, v6  }
.Ltmp8:
0x181: {  	[tilespmem:v9+s22+$0x0] =	vst.idx.msk $0xffff, v5;
	v5 =	vadd.f32 v37, v25;
	(pc) =	sbr.rel @p5 .LBB2_13-.Ltmp8, $4  }
0x182: {  	v6 =	vadd.f32 v47, v31;
	[tilespmem:v9+s31+$0x0] =	vst.idx.msk $0xffff, v8  }
0x183: {  	[tilespmem:v7+s4+$0x0] =	vst.idx.msk $0xffff, v5;
	v5 =	vadd.f32 v45, v28  }
0x184: {  	[tilespmem:v7+s22+$0x0] =	vst.idx.msk $0xffff, v6;
	v6 =	vadd.f32 v33, v34  }
0x185: {  	[tilespmem:v7+s31+$0x0] =	vst.idx.msk $0xffff, v5;
	v5 =	vadd.f32 v24, v30  }
0x186: {  	_ =	sdelay $0x2  }
0x187: {  	s19 =	smul.u32 $0x6, s15  }
0x188: {  	[tilespmem:v3+s4+$0x0] =	vst.idx.msk $0xffff, v6  }
0x189: {  	[tilespmem:v3+s22+$0x0] =	vst.idx.msk $0xffff, v5;
	s19 =	sshrl.u32 s19, $0x3  }
0x18a: {  	[tilespmem:v3+s31+$0x0] =	vst.idx.msk $0xffff, v4;
	s20 =	sadd.s32 s23, s19  }
0x18b: {  	[hbm4b:s20+s9] =	stream.linear.scatter [tilespmem:s4], [sflag:$0x3], $0x1BC0, $0x38;
	[tilespmem:$0x1A440] =	vst v63  }
0x18c: {  	_ =	swait.ge [sflag:s0], $0x1BC0  }
0x18d: {  	[sflag:s0] =	ssyncset.done $0x0  }
0x18e: {  	s21 =	sadd.s32 s26, s19;
	[sflag:s0] =	ssyncadd.s32 $0xFFFFE440  }
0x18f: {  	[hbm4b:s21+s9] =	stream.linear.scatter [tilespmem:s22], [sflag:$0x3], $0x1BC0, $0x38;
	[tilespmem:$0x1A440] =	vst v63  }
0x190: {  	_ =	swait.ge [sflag:s0], $0x1BC0  }
0x191: {  	s28 =	smov.u32 s23;
	[sflag:s0] =	ssyncset.done $0x0;
	s23 =	rddreg [dreg:$0x11]  }
0x192: {  	[sflag:s0] =	ssyncadd.s32 $0xFFFFE440;
	s19 =	sadd.s32 s23, s19  }
0x193: {  	[hbm4b:s19+s9] =	stream.linear.scatter [tilespmem:s31], [sflag:$0x3], $0x1BC0, $0x38;
	[tilespmem:$0x1A440] =	vst v63  }
0x194: {  	s29 =	smov.u32 s26;
	_ =	swait.ge [sflag:s0], $0x1BC0  }
0x195: {  	s15 =	sshrl.u32 s15, $0x2;
	[sflag:s0] =	ssyncset.done $0x0;
	s26 =	rddreg [dreg:$0x12]  }
0x196: {  	[sflag:s0] =	ssyncadd.s32 $0xFFFFE440;
	s19 =	sadd.s32 s26, s15  }
0x197: {  	[hbm4b:s19+s9] =	stream.linear.scatter [tilespmem:s10], [sflag:$0x3], $0x940, $0x38;
	[tilespmem:$0x1A440] =	vst v63  }
0x198: {  	_ =	swait.ge [sflag:s0], $0x940  }
0x199: {  	[sflag:s0] =	ssyncset.done $0x0;
	s20 =	rddreg [dreg:$0x13]  }
0x19a: {  	[sflag:s0] =	ssyncadd.s32 $0xFFFFF6C0;
	s19 =	sadd.s32 s20, s15  }
0x19b: {  	[hbm4b:s19+s9] =	stream.linear.scatter [tilespmem:s11], [sflag:$0x3], $0x940, $0x38;
	[tilespmem:$0x1A440] =	vst v63  }
0x19c: {  	_ =	swait.ge [sflag:s0], $0x940  }
0x19d: {  	[sflag:s0] =	ssyncset.done $0x0;
	s21 =	rddreg [dreg:$0x14]  }
0x19e: {  	[sflag:s0] =	ssyncadd.s32 $0xFFFFF6C0;
	s19 =	sadd.s32 s21, s15  }
0x19f: {  	[hbm4b:s19+s9] =	stream.linear.scatter [tilespmem:s17], [sflag:$0x3], $0x940, $0x38;
	[tilespmem:$0x1A440] =	vst v63  }
0x1a0: {  	_ =	swait.ge [sflag:s0], $0x940  }
0x1a1: {  	[sflag:s0] =	ssyncset.done $0x0;
	s23 =	rddreg [dreg:$0x16]  }
0x1a2: {  	[sflag:s0] =	ssyncadd.s32 $0xFFFFF6C0;
	s15 =	sadd.s32 s23, s15  }
0x1a3: {  	[hbm4b:s15+s9] =	stream.linear.scatter [tilespmem:s3], [sflag:$0x3], $0x940, $0x38;
	[tilespmem:$0x1A440] =	vst v63  }
0x1a4: {  	p5 =	seq.s32 s14, $0x3;
	s15 =	rddreg [dreg:$0x1d]  }
0x1a5: {  	s15 =	sadd.s32 @!p5 s16, s15  }
0x1a6: {  	p6 =	slt.s32 @!p5 s15, s18  }
0x1a7: {  	p6 =	por !p6, p5  }
0x1a8: {  	s20 =	simm.s32 @!p5 $0x61C0;
	_ =	swait.ge [sflag:s0], $0x940;
	s15 =	smov.u32 @p6 s18  }
0x1a9: {  	[sflag:s0] =	ssyncset.done $0x0;
	s16 =	rddreg [dreg:$0xc];
	s15 =	sshrl.u32 @!p5 s15, $0x3  }
0x1aa: {  	s19 =	simm.s32 @!p5 $0x0;
	[sflag:s0] =	ssyncadd.s32 $0xFFFFF6C0;
	s16 =	sadd.s32 @!p5 s16, s15  }
0x1ab: {  	[tilespmem:s20], [sflag:$0x3] =	stream.linear.gather @!p5 [hbm4b:s16+s19], $0x4A0, $0x38;
	[tilespmem:$0x1A440] =	vst v63  }
0x1ac: {  	s16 =	simm.s32 @!p5 $0x3  }
0x1ad: {  	_ =	swait.ge @!p5 [sflag:s16], $0x4A0  }
0x1ae: {  	[sflag:s16] =	ssyncset.done @!p5 $0x0;
	s21 =	rddreg [dreg:$0xd]  }
0x1af: {  	s23 =	simm.s32 @!p5 $0x66C0;
	[sflag:s16] =	ssyncadd.s32 @!p5 $0xFFFFFB60;
	s21 =	sadd.s32 @!p5 s21, s15  }
0x1b0: {  	[tilespmem:s23], [sflag:$0x3] =	stream.linear.gather @!p5 [hbm4b:s21+s19], $0x4A0, $0x38;
	[tilespmem:$0x1A440] =	vst v63  }
0x1b1: {  	_ =	swait.ge @!p5 [sflag:s16], $0x4A0  }
0x1b2: {  	[sflag:s16] =	ssyncset.done @!p5 $0x0;
	s21 =	rddreg [dreg:$0xe]  }
0x1b3: {  	s26 =	simm.s32 @!p5 $0x6BC0;
	[sflag:s16] =	ssyncadd.s32 @!p5 $0xFFFFFB60;
	s21 =	sadd.s32 @!p5 s21, s15  }
0x1b4: {  	[tilespmem:s26], [sflag:$0x3] =	stream.linear.gather @!p5 [hbm4b:s21+s19], $0x4A0, $0x38;
	[tilespmem:$0x1A440] =	vst v63  }
0x1b5: {  	_ =	swait.ge @!p5 [sflag:s16], $0x4A0  }
0x1b6: {  	[sflag:s16] =	ssyncset.done @!p5 $0x0;
	s21 =	rddreg [dreg:$0xf]  }
0x1b7: {  	[sflag:s16] =	ssyncadd.s32 @!p5 $0xFFFFFB60;
	s15 =	sadd.s32 @!p5 s21, s15;
	s21 =	simm.s32 @!p5 $0x70C0  }
0x1b8: {  	[tilespmem:s21], [sflag:$0x3] =	stream.linear.gather @!p5 [hbm4b:s15+s19], $0x4A0, $0x38;
	[tilespmem:$0x1A440] =	vst v63  }
0x1b9: {  	_ =	swait.ge @!p5 [sflag:s16], $0x4A0  }
0x1ba: {  	[sflag:s16] =	ssyncset.done @!p5 $0x0  }
0x1bb: {  	s15 =	simm.s32 @!p5 $0x4A0;
	[sflag:s16] =	ssyncadd.s32 @!p5 $0xFFFFFB60;
	s16 =	simm.s32 @!p5 $0x89C0  }
0x1bc: {  	[tilespmem:s16], [sflag:$0x1] =	stream.indirect.gather @!p5 [spmem:s5], $0x1, s20, s15, $0xb8;
	[tilespmem:$0x1A440] =	vst v63  }
0x1bd: {  	s16 =	simm.s32 @!p5 $0x9DC0  }
0x1be: {  	[tilespmem:s16], [sflag:$0x1] =	stream.indirect.gather @!p5 [spmem:s6], $0x1, s20, s15, $0xb8;
	[tilespmem:$0x1A440] =	vst v63  }
0x1bf: {  	s16 =	simm.s32 @!p5 $0xB1C0  }
0x1c0: {  	[tilespmem:s16], [sflag:$0x1] =	stream.indirect.gather @!p5 [spmem:s7], $0x1, s20, s15, $0xb8;
	[tilespmem:$0x1A440] =	vst v63  }
0x1c1: {  	s16 =	simm.s32 @!p5 $0xC5C0  }
0x1c2: {  	[tilespmem:s16], [sflag:$0x1] =	stream.indirect.gather @!p5 [spmem:s8], $0x1, s20, s15, $0xb8;
	[tilespmem:$0x1A440] =	vst v63  }
0x1c3: {  	s16 =	simm.s32 @!p5 $0x8EC0  }
0x1c4: {  	[tilespmem:s16], [sflag:$0x1] =	stream.indirect.gather @!p5 [spmem:s5], $0x1, s23, s15, $0xb8;
	[tilespmem:$0x1A440] =	vst v63  }
0x1c5: {  	s16 =	simm.s32 @!p5 $0xA2C0  }
0x1c6: {  	[tilespmem:s16], [sflag:$0x1] =	stream.indirect.gather @!p5 [spmem:s6], $0x1, s23, s15, $0xb8;
	[tilespmem:$0x1A440] =	vst v63  }
0x1c7: {  	s16 =	simm.s32 @!p5 $0xB6C0  }
0x1c8: {  	[tilespmem:s16], [sflag:$0x1] =	stream.indirect.gather @!p5 [spmem:s7], $0x1, s23, s15, $0xb8;
	[tilespmem:$0x1A440] =	vst v63  }
0x1c9: {  	s16 =	simm.s32 @!p5 $0xCAC0  }
0x1ca: {  	[tilespmem:s16], [sflag:$0x1] =	stream.indirect.gather @!p5 [spmem:s8], $0x1, s23, s15, $0xb8;
	[tilespmem:$0x1A440] =	vst v63  }
0x1cb: {  	s16 =	simm.s32 @!p5 $0x93C0  }
0x1cc: {  	[tilespmem:s16], [sflag:$0x1] =	stream.indirect.gather @!p5 [spmem:s5], $0x1, s26, s15, $0xb8;
	[tilespmem:$0x1A440] =	vst v63  }
0x1cd: {  	s16 =	simm.s32 @!p5 $0xA7C0  }
0x1ce: {  	[tilespmem:s16], [sflag:$0x1] =	stream.indirect.gather @!p5 [spmem:s6], $0x1, s26, s15, $0xb8;
	[tilespmem:$0x1A440] =	vst v63  }
0x1cf: {  	s16 =	simm.s32 @!p5 $0xBBC0  }
0x1d0: {  	[tilespmem:s16], [sflag:$0x1] =	stream.indirect.gather @!p5 [spmem:s7], $0x1, s26, s15, $0xb8;
	[tilespmem:$0x1A440] =	vst v63  }
0x1d1: {  	s16 =	simm.s32 @!p5 $0xCFC0  }
0x1d2: {  	[tilespmem:s16], [sflag:$0x1] =	stream.indirect.gather @!p5 [spmem:s8], $0x1, s26, s15, $0xb8;
	[tilespmem:$0x1A440] =	vst v63  }
0x1d3: {  	s16 =	simm.s32 @!p5 $0x98C0  }
0x1d4: {  	[tilespmem:s16], [sflag:$0x1] =	stream.indirect.gather @!p5 [spmem:s5], $0x1, s21, s15, $0xb8;
	[tilespmem:$0x1A440] =	vst v63  }
0x1d5: {  	s16 =	simm.s32 @!p5 $0xACC0  }
0x1d6: {  	[tilespmem:s16], [sflag:$0x1] =	stream.indirect.gather @!p5 [spmem:s6], $0x1, s21, s15, $0xb8;
	[tilespmem:$0x1A440] =	vst v63  }
0x1d7: {  	s16 =	simm.s32 @!p5 $0xC0C0  }
0x1d8: {  	[tilespmem:s16], [sflag:$0x1] =	stream.indirect.gather @!p5 [spmem:s7], $0x1, s21, s15, $0xb8;
	[tilespmem:$0x1A440] =	vst v63  }
0x1d9: {  	s16 =	simm.s32 @!p5 $0xD4C0  }
0x1da: {  	[tilespmem:s16], [sflag:$0x1] =	stream.indirect.gather @!p5 [spmem:s8], $0x1, s21, s15, $0xb8;
	[tilespmem:$0x1A440] =	vst v63  }
0x1db: {  	_ =	swait.ge [sflag:s2], $0x4A0  }
0x1dc: {  	[sflag:s2] =	ssyncset.done $0x0  }
0x1dd: {  	[sflag:s2] =	ssyncadd.s32 $0xFFFFFB60  }
0x1de: {  	_ =	swait.ge [sflag:s2], $0x4A0  }
0x1df: {  	[sflag:s2] =	ssyncset.done $0x0  }
0x1e0: {  	[sflag:s2] =	ssyncadd.s32 $0xFFFFFB60  }
0x1e1: {  	_ =	swait.ge [sflag:s2], $0x4A0  }
0x1e2: {  	[sflag:s2] =	ssyncset.done $0x0  }
0x1e3: {  	[sflag:s2] =	ssyncadd.s32 $0xFFFFFB60  }
0x1e4: {  	_ =	swait.ge [sflag:s2], $0x4A0  }
0x1e5: {  	[sflag:s2] =	ssyncset.done $0x0  }
0x1e6: {  	[sflag:s2] =	ssyncadd.s32 $0xFFFFFB60  }
0x1e7: {  	_ =	swait.ge [sflag:s2], $0x4A0  }
0x1e8: {  	[sflag:s2] =	ssyncset.done $0x0  }
0x1e9: {  	[sflag:s2] =	ssyncadd.s32 $0xFFFFFB60  }
0x1ea: {  	_ =	swait.ge [sflag:s2], $0x4A0  }
0x1eb: {  	[sflag:s2] =	ssyncset.done $0x0  }
0x1ec: {  	[sflag:s2] =	ssyncadd.s32 $0xFFFFFB60  }
0x1ed: {  	_ =	swait.ge [sflag:s2], $0x4A0  }
0x1ee: {  	[sflag:s2] =	ssyncset.done $0x0  }
0x1ef: {  	[sflag:s2] =	ssyncadd.s32 $0xFFFFFB60  }
0x1f0: {  	_ =	swait.ge [sflag:s2], $0x4A0  }
0x1f1: {  	[sflag:s2] =	ssyncset.done $0x0  }
0x1f2: {  	[sflag:s2] =	ssyncadd.s32 $0xFFFFFB60  }
0x1f3: {  	_ =	swait.ge [sflag:s2], $0x4A0  }
0x1f4: {  	[sflag:s2] =	ssyncset.done $0x0  }
0x1f5: {  	[sflag:s2] =	ssyncadd.s32 $0xFFFFFB60  }
0x1f6: {  	_ =	swait.ge [sflag:s2], $0x4A0  }
0x1f7: {  	[sflag:s2] =	ssyncset.done $0x0  }
0x1f8: {  	[sflag:s2] =	ssyncadd.s32 $0xFFFFFB60  }
0x1f9: {  	_ =	swait.ge [sflag:s2], $0x4A0  }
0x1fa: {  	[sflag:s2] =	ssyncset.done $0x0  }
0x1fb: {  	[sflag:s2] =	ssyncadd.s32 $0xFFFFFB60  }
0x1fc: {  	_ =	swait.ge [sflag:s2], $0x4A0  }
0x1fd: {  	[sflag:s2] =	ssyncset.done $0x0  }
0x1fe: {  	[sflag:s2] =	ssyncadd.s32 $0xFFFFFB60  }
0x1ff: {  	_ =	swait.ge [sflag:s2], $0x4A0  }
0x200: {  	[sflag:s2] =	ssyncset.done $0x0  }
0x201: {  	[sflag:s2] =	ssyncadd.s32 $0xFFFFFB60  }
0x202: {  	_ =	swait.ge [sflag:s2], $0x4A0  }
0x203: {  	[sflag:s2] =	ssyncset.done $0x0  }
0x204: {  	[sflag:s2] =	ssyncadd.s32 $0xFFFFFB60  }
0x205: {  	_ =	swait.ge [sflag:s2], $0x4A0  }
0x206: {  	[sflag:s2] =	ssyncset.done $0x0  }
0x207: {  	[sflag:s2] =	ssyncadd.s32 $0xFFFFFB60  }
0x208: {  	_ =	swait.ge [sflag:s2], $0x4A0  }
0x209: {  	[sflag:s2] =	ssyncset.done $0x0  }
0x20a: {  	s26 =	simm.s32 $0x0;
	[sflag:s2] =	ssyncadd.s32 $0xFFFFFB60  }
0x20b: {  	v12 =	vld [tilespmem:s26+$0x115C0]  }
0x20c: {  	v13 =	vld [tilespmem:s26+$0x11AC0]  }
0x20d: {  	v14 =	vld [tilespmem:s26+$0x11FC0]  }
0x20e: {  	v6 =	vld [tilespmem:s26+$0x124C0];
	_ =	sdelay $0x2  }
0x20f: {  	vm0 =	vgt.f32 v12, $0.0e+00;
	vm1 =	vgt.f32 v13, $0.0e+00  }
0x210: {  	vm2 =	vgt.f32 v14, $0.0e+00;
	v2 =	vsel vm0, $0x1, v1;
	v3 =	vsel vm1, $0x2, v1  }
0x211: {  	vm12 =	vgt.f32 v6, $0.0e+00;
	v4 =	vsel vm2, $0x4, v1;
	v2 =	vor.u32 v2, v3  }
0x212: {  	v3 =	vsel vm12, $0x8, v1;
	v2 =	vor.u32 v4, v2  }
0x213: {  	v2 =	vor.u32 v3, v2  }
0x214: {  	v15 =	vmul.u32 $0x6, v2;
	_ =	sdelay $0x1  }
0x215: {  	v5 =	vld [tilespmem:s26+$0x10BC0]  }
0x216: {  	v9 =	vld [tilespmem:s26+$0x106C0]  }
0x217: {  	v16 =	vld [tilespmem:s26+$0x101C0]  }
0x218: {  	v7 =	vld [tilespmem:s26+$0xF7C0]  }
0x219: {  	v17 =	vld.idx.msk [tilespmem:v15+s1+$0x0], $0xffff  }
0x21a: {  	s15 =	simm.s32 $0x0;
	v10 =	vld [tilespmem:s26+$0xF2C0]  }
0x21b: {  	v18 =	vor.u32 s15, v0;
	v19 =	vld [tilespmem:s26+$0xEDC0]  }
0x21c: {  	v20 =	vshll.u32 v18, $0x1;
	v8 =	vld [tilespmem:s26+$0xE8C0];
	v2 =	vmov s24  }
0x21d: {  	v11 =	vld [tilespmem:s26+$0xE3C0];
	v21 =	vadd.s32 v2, v18;
	v22 =	vor.u32 $0x1, v15  }
0x21e: {  	v23 =	vld [tilespmem:s26+$0xDEC0];
	v21 =	vmul.u32 $0x6, v21;
	vm13 =	vgt.s32 v17, $0x0  }
0x21f: {  	v25 =	vld [tilespmem:s26+$0xD9C0];
	v24 =	vnsel vm13, $0x0, v17  }
0x220: {  	v4 =	vld [tilespmem:s26+$0xFCC0];
	v24 =	vadd.s32 v21, v24  }
0x221: {  	v3 =	vld [tilespmem:s26+$0x110C0];
	[tilespmem:v20+s10+$0x0] =	vst.idx.msk $0xffff, v24  }
0x222: {  	v22 =	vld.idx.msk [tilespmem:v22+s1+$0x0], $0xffff;
	_ =	sdelay $0x3  }
0x223: {  	v55 =	vadd.s32 $0x2, v15  }
0x224: {  	vm14 =	vgt.s32 v22, $0x0  }
0x225: {  	v26 =	vnsel vm14, $0x0, v22  }
0x226: {  	v26 =	vadd.s32 v21, v26  }
0x227: {  	[tilespmem:v20+s11+$0x0] =	vst.idx.msk $0xffff, v26  }
0x228: {  	v27 =	vsub.f32 v14, v12;
	v24 =	vld.idx.msk [tilespmem:v55+s1+$0x0], $0xffff  }
0x229: {  	v56 =	vsub.f32 v13, v12;
	v12 =	vsub.f32 v6, v12  }
0x22a: {  	v29 =	vsub.f32 v6, v13;
	v31 =	vsub.f32 v14, v13  }
0x22b: {  	v28 =	vand.u32 $0x7FFFFFFF, v27;
	v57 =	vand.u32 $0x7FFFFFFF, v56;
	v30 =	vand.u32 $0x7FFFFFFF, v12  }
0x22c: {  	v32 =	vand.u32 $0x7FFFFFFF, v29;
	vm5 =	vlt.f32 v28, $1.000000010e-10;
	v58 =	vadd.s32 $0x3, v15  }
0x22d: {  	v59 =	vand.u32 $0x7FFFFFFF, v31;
	v27 =	vsel vm5, $0x3F800000, v27;
	vm8 =	vgt.s32 v24, $0x0  }
0x22e: {  	vm3 =	vlt.f32 v30, $1.000000010e-10;
	(erf) = vrcp.f32 v27;
	v60 =	vnsel vm8, $0x0, v24  }
0x22f: {  	vm15 =	vlt.f32 v32, $1.000000010e-10;
	v12 =	vsel vm3, $0x3F800000, v12;
	v61 =	vadd.s32 v21, v60  }
0x230: {  	vm4 =	vlt.f32 v59, $1.000000010e-10;
	v29 =	vsel vm15, $0x3F800000, v29;
	(erf) = vrcp.f32 v12;
	[tilespmem:v20+s17+$0x0] =	vst.idx.msk $0xffff, v61  }
0x231: {  	vm9 =	vlt.f32 v57, $1.000000010e-10;
	v27 =	vsel vm4, $0x3F800000, v31;
	(erf) = vrcp.f32 v29;
	v63 =	vld.idx.msk [tilespmem:v58+s1+$0x0], $0xffff  }
0x232: {  	v62 =	vsel vm9, $0x3F800000, v56;
	(erf) = vrcp.f32 v27  }
0x233: {  	(erf) = vrcp.f32 v62  }
0x234: {  	v12 =	vor.u32 $0x1, v20  }
0x235: {  	v42 =	vsub.f32 v6, v14;
	v43 =	vadd.s32 $0x4, v15  }
0x236: {  	vm10 =	vgt.s32 v63, $0x0  }
0x237: {  	v44 =	vand.u32 $0x7FFFFFFF, v42;
	v45 =	vpop (erf);
	v46 =	vnsel vm10, $0x0, v63  }
0x238: {  	vm11 =	vlt.f32 v44, $1.000000010e-10;
	v47 =	vmul.f32 v45, v14;
	v31 =	vadd.s32 v21, v46  }
0x239: {  	v27 =	vsel vm11, $0x3F800000, v42;
	v15 =	vadd.s32 $0x5, v15;
	v48 =	vpop (erf);
	[tilespmem:v12+s10+$0x0] =	vst.idx.msk $0xffff, v31  }
0x23a: {  	(erf) = vrcp.f32 v27;
	v49 =	vpop (erf);
	v51 =	vmul.f32 v48, v6;
	v50 =	vsel vm5, $0x3F000000, v47;
	v28 =	vld.idx.msk [tilespmem:v43+s1+$0x0], $0xffff  }
0x23b: {  	v52 =	vpop (erf);
	v32 =	vmul.f32 v49, v6;
	v53 =	vsub.f32 $1.000000000e+00, v50;
	v33 =	vmul.f32 v50, v19  }
0x23c: {  	v34 =	vpop (erf);
	v14 =	vmul.f32 v52, v14;
	v29 =	vsel vm3, $0x3F000000, v51;
	v27 =	vmul.f32 v50, v16  }
0x23d: {  	v13 =	vmul.f32 v34, v13;
	v35 =	vsub.f32 $1.000000000e+00, v29;
	v37 =	vmul.f32 v29, v25  }
0x23e: {  	v42 =	vmul.f32 v29, v19;
	v29 =	vmul.f32 v29, v16;
	v32 =	vsel vm15, $0x3F000000, v32  }
0x23f: {  	v54 =	vmul.f32 v53, v11;
	v36 =	vmul.f32 v53, v5;
	vm12 =	vgt.s32 v28, $0x0  }
0x240: {  	v14 =	vsel vm4, $0x3F000000, v14;
	v38 =	vmul.f32 v35, v8;
	v41 =	vnsel vm12, $0x0, v28  }
0x241: {  	v39 =	vmul.f32 v35, v4;
	v40 =	vsub.f32 $1.000000000e+00, v14;
	v41 =	vadd.s32 v21, v41  }
0x242: {  	v35 =	vmul.f32 v35, v3;
	v13 =	vsel vm9, $0x3F000000, v13;
	v45 =	vmul.f32 v14, v10;
	[tilespmem:v12+s11+$0x0] =	vst.idx.msk $0xffff, v41  }
0x243: {  	v19 =	vmul.f32 v13, v19;
	v44 =	vmul.f32 v40, v7;
	v52 =	vpop (erf);
	v26 =	vsub.f32 $1.000000000e+00, v32;
	v15 =	vld.idx.msk [tilespmem:v15+s1+$0x0], $0xffff  }
0x244: {  	v6 =	vmul.f32 v52, v6;
	v55 =	vmul.f32 v50, v25  }
0x245: {  	v17 =	vor.u32 v17, v22;
	v25 =	vmul.f32 v13, v25;
	v50 =	vmul.f32 v26, v4  }
0x246: {  	v22 =	vmul.f32 v26, v3;
	v49 =	vadd.f32 v54, v55;
	v17 =	vor.u32 v24, v17  }
0x247: {  	v54 =	vadd.f32 v38, v37;
	vm14 =	vgt.s32 v17, $0xFFFFFFFF;
	v46 =	vsub.f32 $1.000000000e+00, v13  }
0x248: {  	v13 =	vmul.f32 v13, v16;
	v16 =	vmul.u32 $0x6, v18;
	vm13 =	vgt.s32 v15, $0x0  }
0x249: {  	v61 =	vsel vm14, $0x1, v1;
	v57 =	vor.u32 v63, v28;
	v58 =	vnsel vm13, $0x0, v15  }
0x24a: {  	v56 =	vmul.f32 v46, v23;
	v15 =	vor.u32 v15, v57;
	v59 =	vadd.s32 v21, v58  }
0x24b: {  	v47 =	vmul.f32 v46, v10;
	v60 =	vmul.f32 v46, v9;
	vm15 =	vgt.s32 v15, $0xFFFFFFFF;
	[tilespmem:v12+s17+$0x0] =	vst.idx.msk $0xffff, v59  }
0x24c: {  	v62 =	vadd.f32 v56, v25;
	v63 =	vor.u32 $0x1, v16;
	v24 =	vsel vm15, $0x1, v1;
	[tilespmem:v20+s3+$0x0] =	vst.idx.msk $0xffff, v61  }
0x24d: {  	v43 =	vmul.f32 v14, v23;
	v28 =	vadd.f32 v47, v19;
	[tilespmem:v12+s3+$0x0] =	vst.idx.msk $0xffff, v24  }
0x24e: {  	v46 =	vmul.f32 v53, v7;
	v13 =	vadd.f32 v60, v13;
	[tilespmem:v16+s4+$0x0] =	vst.idx.msk $0xffff, v62  }
0x24f: {  	v14 =	vmul.f32 v14, v9;
	v48 =	vadd.s32 $0x2, v16;
	v53 =	vadd.f32 v36, v27;
	[tilespmem:v16+s22+$0x0] =	vst.idx.msk $0xffff, v28  }
0x250: {  	v6 =	vsel vm11, $0x3F000000, v6;
	v10 =	vmul.f32 v32, v10;
	v51 =	vadd.f32 v46, v33;
	[tilespmem:v16+s31+$0x0] =	vst.idx.msk $0xffff, v13  }
0x251: {  	v9 =	vmul.f32 v32, v9;
	v7 =	vmul.f32 v6, v7;
	v60 =	vsub.f32 $1.000000000e+00, v6;
	[tilespmem:v63+s4+$0x0] =	vst.idx.msk $0xffff, v49  }
0x252: {  	v55 =	vadd.s32 $0x3, v16;
	v25 =	vmul.f32 v32, v23;
	v56 =	vadd.f32 v39, v42;
	[tilespmem:v63+s22+$0x0] =	vst.idx.msk $0xffff, v51  }
0x253: {  	v3 =	vmul.f32 v60, v3;
	v41 =	vmul.f32 v40, v11;
	[tilespmem:v63+s31+$0x0] =	vst.idx.msk $0xffff, v53  }
0x254: {  	v47 =	vmul.f32 v26, v8;
	v57 =	vadd.f32 v35, v29;
	[tilespmem:v48+s4+$0x0] =	vst.idx.msk $0xffff, v54  }
0x255: {  	v40 =	vmul.f32 v40, v5;
	v58 =	vadd.f32 v41, v43;
	v59 =	vadd.s32 $0x4, v16;
	[tilespmem:v48+s22+$0x0] =	vst.idx.msk $0xffff, v56  }
0x256: {  	v11 =	vmul.f32 v6, v11;
	v61 =	vadd.f32 v44, v45;
	[tilespmem:v48+s31+$0x0] =	vst.idx.msk $0xffff, v57  }
0x257: {  	v5 =	vmul.f32 v6, v5;
	v6 =	vadd.f32 v40, v14;
	[tilespmem:v55+s4+$0x0] =	vst.idx.msk $0xffff, v58  }
0x258: {  	v62 =	vadd.f32 v47, v25;
	v63 =	vmul.f32 v60, v4;
	[tilespmem:v55+s22+$0x0] =	vst.idx.msk $0xffff, v61  }
0x259: {  	v4 =	vadd.f32 v3, v5;
	v3 =	vadd.s32 $0x5, v16;
	[tilespmem:v55+s31+$0x0] =	vst.idx.msk $0xffff, v6;
	v6 =	vadd.f32 v50, v10  }
0x25a: {  	v9 =	vadd.f32 v22, v9;
	v8 =	vmul.f32 v60, v8;
	[tilespmem:v59+s4+$0x0] =	vst.idx.msk $0xffff, v62  }
0x25b: {  	[tilespmem:v59+s22+$0x0] =	vst.idx.msk $0xffff, v6  }
0x25c: {  	s16 =	simm.s32 $0x40;
	v5 =	vadd.f32 v63, v7;
	v6 =	vadd.f32 v8, v11;
	[tilespmem:v59+s31+$0x0] =	vst.idx.msk $0xffff, v9  }
.LBB2_15:
0x25d: {  	p5 =	sne.s32 s16, $0x1240  }
0x25e: {  	[tilespmem:v3+s4+$0x0] =	vst.idx.msk $0xffff, v6;
	s15 =	sadd.s32 $0x10, s15;
	s19 =	smov.u32 s16;
	s16 =	sadd.s32 $0x40, s16  }
0x25f: {  	[tilespmem:v3+s22+$0x0] =	vst.idx.msk $0xffff, v5  }
0x260: {  	s19 =	sshra.s32 s19, $0x2;
	[tilespmem:v3+s31+$0x0] =	vst.idx.msk $0xffff, v4  }
0x261: {  	v11 =	vld [tilespmem:s19+$0x11FC0]  }
0x262: {  	v3 =	vld [tilespmem:s19+$0x115C0]  }
0x263: {  	v12 =	vld [tilespmem:s19+$0x11AC0]  }
0x264: {  	v4 =	vld [tilespmem:s19+$0x124C0];
	_ =	sdelay $0x1  }
0x265: {  	vm0 =	vgt.f32 v11, $0.0e+00  }
0x266: {  	vm1 =	vgt.f32 v3, $0.0e+00;
	v5 =	vsub.f32 v11, v3  }
0x267: {  	v6 =	vsel vm1, $0x1, v1;
	vm1 =	vgt.f32 v12, $0.0e+00;
	v8 =	vsub.f32 v12, v3  }
0x268: {  	v9 =	vsel vm0, $0x4, v1;
	v7 =	vsel vm1, $0x2, v1;
	v13 =	vsub.f32 v4, v12  }
0x269: {  	vm0 =	vgt.f32 v4, $0.0e+00;
	v6 =	vor.u32 v6, v7;
	v7 =	vand.u32 $0x7FFFFFFF, v5  }
0x26a: {  	v10 =	vand.u32 $0x7FFFFFFF, v8;
	v6 =	vor.u32 v9, v6;
	v9 =	vsel vm0, $0x8, v1  }
0x26b: {  	vm4 =	vlt.f32 v7, $1.000000010e-10;
	v6 =	vor.u32 v9, v6;
	v9 =	vsub.f32 v4, v3  }
0x26c: {  	vm1 =	vlt.f32 v10, $1.000000010e-10;
	v5 =	vsel vm4, $0x3F800000, v5;
	v3 =	vmul.u32 $0x6, v6  }
0x26d: {  	v14 =	vsub.f32 v11, v12;
	v15 =	vand.u32 $0x7FFFFFFF, v13;
	v7 =	vld [tilespmem:s19+$0x110C0];
	v6 =	vand.u32 $0x7FFFFFFF, v9  }
0x26e: {  	vm2 =	vlt.f32 v15, $1.000000010e-10;
	v10 =	vld [tilespmem:s19+$0x10BC0];
	vm3 =	vlt.f32 v6, $1.000000010e-10;
	(erf) = vrcp.f32 v5  }
0x26f: {  	v6 =	vand.u32 $0x7FFFFFFF, v14;
	v28 =	vld [tilespmem:s19+$0x106C0];
	v5 =	vsel vm3, $0x3F800000, v9;
	v9 =	vsel vm2, $0x3F800000, v13  }
0x270: {  	v8 =	vsel vm1, $0x3F800000, v8;
	vm5 =	vlt.f32 v6, $1.000000010e-10;
	v29 =	vld [tilespmem:s19+$0x101C0];
	(erf) = vrcp.f32 v5  }
0x271: {  	v13 =	vsub.f32 v4, v11;
	v5 =	vsel vm5, $0x3F800000, v14;
	v24 =	vld [tilespmem:s19+$0xFCC0];
	(erf) = vrcp.f32 v9  }
0x272: {  	v19 =	vld.idx.msk [tilespmem:v3+s1+$0x0], $0xffff;
	(erf) = vrcp.f32 v5  }
0x273: {  	v5 =	vand.u32 $0x7FFFFFFF, v13;
	v30 =	vld [tilespmem:s19+$0xF7C0];
	(erf) = vrcp.f32 v8  }
0x274: {  	v6 =	vor.u32 s15, v0;
	vm0 =	vlt.f32 v5, $1.000000010e-10;
	v31 =	vld [tilespmem:s19+$0xF2C0]  }
0x275: {  	v8 =	vadd.s32 v2, v6;
	v5 =	vshll.u32 v6, $0x1;
	v9 =	vsel vm0, $0x3F800000, v13;
	v32 =	vld [tilespmem:s19+$0xEDC0]  }
0x276: {  	v33 =	vld [tilespmem:s19+$0xE8C0];
	(erf) = vrcp.f32 v9  }
0x277: {  	v8 =	vmul.u32 $0x6, v8;
	v9 =	vor.u32 $0x1, v3;
	v34 =	vld [tilespmem:s19+$0xE3C0];
	v13 =	vpop (erf)  }
0x278: {  	vm6 =	vgt.s32 v19, $0x0;
	v35 =	vld [tilespmem:s19+$0xDEC0];
	v16 =	vmul.f32 v13, v11  }
0x279: {  	v14 =	vnsel vm6, $0x0, v19;
	v36 =	vld [tilespmem:s19+$0xD9C0];
	v15 =	vpop (erf)  }
0x27a: {  	v14 =	vadd.s32 v8, v14;
	v25 =	vsel vm4, $0x3F000000, v16;
	v13 =	vpop (erf)  }
0x27b: {  	[tilespmem:v5+s10+$0x0] =	vst.idx.msk $0xffff, v14;
	v37 =	vsub.f32 $1.000000000e+00, v25;
	v14 =	vmul.f32 v15, v4;
	v13 =	vmul.f32 v13, v4;
	v15 =	vpop (erf)  }
0x27c: {  	v21 =	vld.idx.msk [tilespmem:v9+s1+$0x0], $0xffff;
	v9 =	vmul.f32 v25, v32;
	v15 =	vmul.f32 v15, v11;
	v11 =	vpop (erf)  }
0x27d: {  	v26 =	vmul.f32 v11, v12;
	v12 =	vmul.f32 v37, v34;
	v20 =	vsel vm3, $0x3F000000, v14  }
0x27e: {  	v38 =	vsel vm2, $0x3F000000, v13;
	v16 =	vmul.f32 v25, v36;
	v22 =	vsub.f32 $1.000000000e+00, v20  }
0x27f: {  	v14 =	vmul.f32 v37, v10;
	v11 =	vmul.f32 v20, v36;
	v27 =	vsel vm5, $0x3F000000, v15;
	v39 =	vpop (erf)  }
0x280: {  	v40 =	vsub.f32 $1.000000000e+00, v27;
	v17 =	vmul.f32 v22, v33;
	v13 =	vmul.f32 v22, v24  }
0x281: {  	v41 =	vadd.s32 $0x2, v3;
	v18 =	vmul.f32 v20, v32;
	v15 =	vmul.f32 v22, v7  }
0x282: {  	v20 =	vmul.f32 v20, v29;
	vm2 =	vgt.s32 v21, $0x0;
	v42 =	vor.u32 v19, v21  }
0x283: {  	v23 =	vmul.f32 v40, v34;
	v19 =	vnsel vm2, $0x0, v21;
	v21 =	vmul.f32 v27, v35  }
0x284: {  	v22 =	vmul.f32 v40, v30;
	v43 =	vadd.s32 v8, v19;
	v19 =	vmul.f32 v40, v10  }
0x285: {  	v40 =	vsel vm1, $0x3F000000, v26;
	v26 =	vmul.f32 v27, v31;
	[tilespmem:v5+s11+$0x0] =	vst.idx.msk $0xffff, v43;
	v43 =	vmul.f32 v25, v29  }
0x286: {  	v27 =	vmul.f32 v27, v28;
	v44 =	vsub.f32 $1.000000000e+00, v40;
	v25 =	vmul.f32 v38, v35;
	v41 =	vld.idx.msk [tilespmem:v41+s1+$0x0], $0xffff  }
0x287: {  	v45 =	vsub.f32 $1.000000000e+00, v38;
	v36 =	vmul.f32 v40, v36;
	v32 =	vmul.f32 v40, v32  }
0x288: {  	v35 =	vmul.f32 v44, v35;
	v46 =	vmul.f32 v44, v31  }
0x289: {  	v29 =	vmul.f32 v40, v29;
	v40 =	vmul.f32 v44, v28  }
0x28a: {  	v35 =	vadd.f32 v35, v36;
	v36 =	vmul.f32 v37, v30;
	v37 =	vmul.f32 v45, v33  }
0x28b: {  	v47 =	vmul.f32 v45, v24;
	v44 =	vadd.s32 $0x3, v3;
	v45 =	vmul.f32 v45, v7  }
0x28c: {  	v31 =	vmul.f32 v38, v31;
	vm1 =	vgt.s32 v41, $0x0;
	v42 =	vor.u32 v41, v42  }
0x28d: {  	v28 =	vmul.f32 v38, v28;
	v41 =	vnsel vm1, $0x0, v41;
	vm1 =	vgt.s32 v42, $0xFFFFFFFF  }
0x28e: {  	v4 =	vmul.f32 v39, v4;
	v38 =	vadd.s32 v8, v41  }
0x28f: {  	[tilespmem:v5+s17+$0x0] =	vst.idx.msk $0xffff, v38  }
0x290: {  	v4 =	vsel vm0, $0x3F000000, v4;
	v38 =	vld.idx.msk [tilespmem:v44+s1+$0x0], $0xffff  }
0x291: {  	v39 =	vsub.f32 $1.000000000e+00, v4;
	v34 =	vmul.f32 v4, v34;
	v30 =	vmul.f32 v4, v30  }
0x292: {  	v4 =	vmul.f32 v4, v10  }
0x293: {  	v24 =	vmul.f32 v39, v24;
	v10 =	vor.u32 $0x1, v5;
	v33 =	vmul.f32 v39, v33  }
0x294: {  	v7 =	vmul.f32 v39, v7  }
0x295: {  	v39 =	vadd.s32 $0x4, v3  }
0x296: {  	v4 =	vadd.f32 v7, v4;
	vm0 =	vgt.s32 v38, $0x0  }
0x297: {  	v7 =	vnsel vm0, $0x0, v38  }
0x298: {  	v7 =	vadd.s32 v8, v7  }
0x299: {  	[tilespmem:v10+s10+$0x0] =	vst.idx.msk $0xffff, v7  }
0x29a: {  	v7 =	vld.idx.msk [tilespmem:v39+s1+$0x0], $0xffff;
	_ =	sdelay $0x4  }
0x29b: {  	v3 =	vadd.s32 $0x5, v3  }
0x29c: {  	vm0 =	vgt.s32 v7, $0x0;
	v38 =	vor.u32 v38, v7  }
0x29d: {  	v7 =	vnsel vm0, $0x0, v7  }
0x29e: {  	v7 =	vadd.s32 v8, v7  }
0x29f: {  	[tilespmem:v10+s11+$0x0] =	vst.idx.msk $0xffff, v7  }
0x2a0: {  	v3 =	vld.idx.msk [tilespmem:v3+s1+$0x0], $0xffff;
	_ =	sdelay $0x4  }
0x2a1: {  	v6 =	vmul.u32 $0x6, v6  }
0x2a2: {  	vm0 =	vgt.s32 v3, $0x0;
	v7 =	vor.u32 v3, v38  }
0x2a3: {  	v3 =	vnsel vm0, $0x0, v3;
	vm0 =	vgt.s32 v7, $0xFFFFFFFF  }
0x2a4: {  	v3 =	vadd.s32 v8, v3  }
0x2a5: {  	v7 =	vor.u32 $0x1, v6;
	[tilespmem:v10+s17+$0x0] =	vst.idx.msk $0xffff, v3;
	v3 =	vsel vm1, $0x1, v1  }
0x2a6: {  	[tilespmem:v5+s3+$0x0] =	vst.idx.msk $0xffff, v3;
	v3 =	vsel vm0, $0x1, v1  }
0x2a7: {  	[tilespmem:v10+s3+$0x0] =	vst.idx.msk $0xffff, v3;
	v3 =	vadd.f32 v46, v32  }
0x2a8: {  	v8 =	vadd.s32 $0x2, v6;
	v5 =	vadd.f32 v40, v29;
	[tilespmem:v6+s4+$0x0] =	vst.idx.msk $0xffff, v35  }
0x2a9: {  	[tilespmem:v6+s22+$0x0] =	vst.idx.msk $0xffff, v3;
	v3 =	vadd.f32 v12, v16  }
0x2aa: {  	[tilespmem:v6+s31+$0x0] =	vst.idx.msk $0xffff, v5;
	v5 =	vadd.f32 v36, v9  }
0x2ab: {  	[tilespmem:v7+s4+$0x0] =	vst.idx.msk $0xffff, v3;
	v3 =	vadd.f32 v14, v43  }
0x2ac: {  	v9 =	vadd.s32 $0x3, v6;
	[tilespmem:v7+s22+$0x0] =	vst.idx.msk $0xffff, v5;
	v5 =	vadd.f32 v17, v11  }
0x2ad: {  	[tilespmem:v7+s31+$0x0] =	vst.idx.msk $0xffff, v3;
	v3 =	vadd.f32 v13, v18  }
0x2ae: {  	[tilespmem:v8+s4+$0x0] =	vst.idx.msk $0xffff, v5;
	v5 =	vadd.f32 v15, v20  }
0x2af: {  	v7 =	vadd.s32 $0x4, v6;
	[tilespmem:v8+s22+$0x0] =	vst.idx.msk $0xffff, v3;
	v3 =	vadd.f32 v23, v21  }
0x2b0: {  	[tilespmem:v8+s31+$0x0] =	vst.idx.msk $0xffff, v5;
	v5 =	vadd.f32 v22, v26  }
0x2b1: {  	v8 =	vadd.f32 v19, v27;
	[tilespmem:v9+s4+$0x0] =	vst.idx.msk $0xffff, v3;
	v3 =	vadd.s32 $0x5, v6  }
.Ltmp9:
0x2b2: {  	[tilespmem:v9+s22+$0x0] =	vst.idx.msk $0xffff, v5;
	v5 =	vadd.f32 v37, v25;
	(pc) =	sbr.rel @p5 .LBB2_15-.Ltmp9, $4  }
0x2b3: {  	v6 =	vadd.f32 v47, v31;
	[tilespmem:v9+s31+$0x0] =	vst.idx.msk $0xffff, v8  }
0x2b4: {  	[tilespmem:v7+s4+$0x0] =	vst.idx.msk $0xffff, v5;
	v5 =	vadd.f32 v45, v28  }
0x2b5: {  	[tilespmem:v7+s22+$0x0] =	vst.idx.msk $0xffff, v6;
	v6 =	vadd.f32 v33, v34  }
0x2b6: {  	[tilespmem:v7+s31+$0x0] =	vst.idx.msk $0xffff, v5;
	v5 =	vadd.f32 v24, v30  }
0x2b7: {  	_ =	sdelay $0x2  }
0x2b8: {  	s15 =	smul.u32 $0x6, s24  }
0x2b9: {  	[tilespmem:v3+s4+$0x0] =	vst.idx.msk $0xffff, v6  }
0x2ba: {  	[tilespmem:v3+s22+$0x0] =	vst.idx.msk $0xffff, v5;
	s15 =	sshrl.u32 s15, $0x3  }
0x2bb: {  	[tilespmem:v3+s31+$0x0] =	vst.idx.msk $0xffff, v4;
	s16 =	sadd.s32 s28, s15  }
0x2bc: {  	[hbm4b:s16+s9] =	stream.linear.scatter [tilespmem:s4], [sflag:$0x3], $0x1BC0, $0x38;
	[tilespmem:$0x1A440] =	vst v63  }
0x2bd: {  	_ =	swait.ge [sflag:s0], $0x1BC0  }
0x2be: {  	[sflag:s0] =	ssyncset.done $0x0  }
0x2bf: {  	s26 =	smov.u32 s29;
	s29 =	sadd.s32 s29, s15;
	[sflag:s0] =	ssyncadd.s32 $0xFFFFE440  }
0x2c0: {  	[hbm4b:s29+s9] =	stream.linear.scatter [tilespmem:s22], [sflag:$0x3], $0x1BC0, $0x38;
	[tilespmem:$0x1A440] =	vst v63  }
0x2c1: {  	_ =	swait.ge [sflag:s0], $0x1BC0  }
0x2c2: {  	[sflag:s0] =	ssyncset.done $0x0;
	s19 =	rddreg [dreg:$0x11]  }
0x2c3: {  	[sflag:s0] =	ssyncadd.s32 $0xFFFFE440;
	s15 =	sadd.s32 s19, s15  }
0x2c4: {  	[hbm4b:s15+s9] =	stream.linear.scatter [tilespmem:s31], [sflag:$0x3], $0x1BC0, $0x38;
	[tilespmem:$0x1A440] =	vst v63  }
0x2c5: {  	_ =	swait.ge [sflag:s0], $0x1BC0  }
0x2c6: {  	s20 =	sshrl.u32 s24, $0x2;
	[sflag:s0] =	ssyncset.done $0x0;
	s21 =	rddreg [dreg:$0x12]  }
0x2c7: {  	[sflag:s0] =	ssyncadd.s32 $0xFFFFE440;
	s16 =	sadd.s32 s21, s20  }
0x2c8: {  	[hbm4b:s16+s9] =	stream.linear.scatter [tilespmem:s10], [sflag:$0x3], $0x940, $0x38;
	[tilespmem:$0x1A440] =	vst v63  }
0x2c9: {  	_ =	swait.ge [sflag:s0], $0x940  }
0x2ca: {  	[sflag:s0] =	ssyncset.done $0x0;
	s24 =	rddreg [dreg:$0x13]  }
0x2cb: {  	[sflag:s0] =	ssyncadd.s32 $0xFFFFF6C0;
	s16 =	sadd.s32 s24, s20  }
0x2cc: {  	[hbm4b:s16+s9] =	stream.linear.scatter [tilespmem:s11], [sflag:$0x3], $0x940, $0x38;
	[tilespmem:$0x1A440] =	vst v63  }
0x2cd: {  	_ =	swait.ge [sflag:s0], $0x940  }
0x2ce: {  	s23 =	smov.u32 s28;
	[sflag:s0] =	ssyncset.done $0x0;
	s28 =	rddreg [dreg:$0x14]  }
0x2cf: {  	[sflag:s0] =	ssyncadd.s32 $0xFFFFF6C0;
	s16 =	sadd.s32 s28, s20  }
0x2d0: {  	[hbm4b:s16+s9] =	stream.linear.scatter [tilespmem:s17], [sflag:$0x3], $0x940, $0x38;
	[tilespmem:$0x1A440] =	vst v63  }
0x2d1: {  	s14 =	sadd.s32 $0x1, s14;
	_ =	swait.ge [sflag:s0], $0x940  }
0x2d2: {  	p5 =	sne.s32 s14, $0x4;
	[sflag:s0] =	ssyncset.done $0x0;
	s29 =	rddreg [dreg:$0x16]  }
.Ltmp10:
0x2d3: {  	[sflag:s0] =	ssyncadd.s32 $0xFFFFF6C0;
	s15 =	sadd.s32 s29, s20;
	(pc) =	sbr.rel @p5 .LBB2_12-.Ltmp10, $4  }
0x2d4: {  	[hbm4b:s15+s9] =	stream.linear.scatter [tilespmem:s3], [sflag:$0x3], $0x940, $0x38;
	[tilespmem:$0x1A440] =	vst v63  }
0x2d5: {  	_ =	swait.ge [sflag:s0], $0x940  }
0x2d6: {  	[sflag:s0] =	ssyncset.done $0x0  }
0x2d7: {  	[sflag:s0] =	ssyncadd.s32 $0xFFFFF6C0  }
0x2d8: {  	s14 =	rddreg [dreg:$0x1e]  }
0x2d9: {  	s12 =	rddreg [dreg:$0x1b];
	s14 =	sadd.s32 $0x1, s14  }
0x2da: {  	p5 =	sne.s32 s14, s12  }
.Ltmp11:
0x2db: {  	_ = 	snop;
	(pc) =	sbr.rel @p5 .LBB2_1-.Ltmp11, $1  }
0x2dc: {  	_ =	sdelay $0x3  }
0x2dd: {  	_ =	sfence.sel $0x180000  }
0x2de: {  	[bflag:$0x0] =	sbarrier.arrive $0xFFFF  }
0x2df: {  	_ =	strace $0x90000047  }
0x2e0: {  	s0 =	stileid.u32;
	[bflag:$0x2] =	sbarrier.arrive $0xFFFF  }
0x2e1: {  	p0 =	sne.s32 s0, $0x0;
	s0 =	rddreg [dreg:$0x9]  }
0x2e2: {  	s0 =	sadd.s32 @!p0 $0x100000, s0  }
0x2e3: {  	[sflag:s0] =	ssyncadd.tile.s32 @!p0 $0x1;
	_ =	shalt  }
.Lfunc_end2:
_tile_overlayer_lowered:
.L_overlay_start_2:
0x2e4: {  	(tag) =	ssettag $0x2  }
0x2e5: {  	s0 =	rddreg [dreg:$0x0];
	s2 =	stileid.u32  }
0x2e6: {  	s1 =	rddreg [dreg:$0x1];
	p0 =	sne.s32 s2, $0x0  }
0x2e7: {  	s3 =	rddreg [dreg:$0x2];
	[bflag:$0x3] =	sbarrier.arrive $0xFFFF;
	s2 =	simm.s32 @!p0 $0x1C03  }
0x2e8: {  	[timem:s3], [sflag:s2] =	dma.local @!p0 [hbm:s0], s1  }
0x2e9: {  	s0 =	simm.s32 @!p0 $0x3  }
0x2ea: {  	_ =	swait.ge @!p0 [sflag:s0], s1  }
0x2eb: {  	s1 =	ssub.s32 @!p0 $0x0, s1;
	[sflag:s0] =	ssyncset.done @!p0 $0x0  }
0x2ec: {  	[sflag:s0] =	ssyncadd.s32 @!p0 s1  }
0x2ed: {  	[bflag:$0x3] =	sbarrier.arrive $0xFFFF  }
0x2ee: {  	_ =	shalt  }

</sc_bundles>
